<compile_context>
chip_gen: v7x
topology: tpu7x:2x2x1
jax: 0.10.2.dev20260603
libtpu: 0.0.44.dev20260713+nightly
codegen_flags: <defaults>
</compile_context>

<pallas_src>
import functools

import jax
import jax.numpy as jnp
from jax import lax
from jax.experimental import pallas as pl
from jax.experimental.pallas import tpu as pltpu
from jax.experimental.pallas import tpu_sc as plsc

CHUNK = 400
N_CORES = 2
N_SUBCORES = 16
N_WORKERS = N_CORES * N_SUBCORES


def _mesh():
    return plsc.VectorSubcoreMesh(core_axis_name="c", subcore_axis_name="s",
                                  num_cores=N_CORES, num_subcores=N_SUBCORES)


_SC_PARAMS = pltpu.CompilerParams(use_tc_tiling_on_sc=False)


def _make_deg(n_pad, e, chunk):
    CHUNK = chunk
    per_w = e // CHUNK // N_WORKERS

    @functools.partial(
        pl.kernel,
        out_type=jax.ShapeDtypeStruct((N_CORES, n_pad, 8), jnp.float32),
        mesh=_mesh(),
        scratch_types=[
            pltpu.VMEM((CHUNK,), jnp.int32),
            pltpu.VMEM((CHUNK,), jnp.int32),
            pltpu.VMEM((CHUNK, 8), jnp.float32),
            pltpu.VMEM_SHARED((n_pad, 8), jnp.float32),
            pltpu.SemaphoreType.DMA,
            pltpu.SemaphoreType.DMA,
        ],
        compiler_params=_SC_PARAMS,
    )
    def deg_kernel(dst_hbm, ones_hbm, zcol_hbm, out_hbm,
                   didx0, didx1, ones_v, acc, isem0, isem1):
        cid = lax.axis_index("c")
        sid = lax.axis_index("s")
        wid = sid * N_CORES + cid
        rpt = n_pad // N_SUBCORES
        r0 = sid * rpt
        didx = (didx0, didx1)
        isem = (isem0, isem1)

        pltpu.sync_copy(zcol_hbm.at[pl.ds(r0, rpt)], acc.at[pl.ds(r0, rpt)])
        pltpu.sync_copy(ones_hbm, ones_v)

        def b(j):
            return pl.multiple_of((wid * per_w + j) * CHUNK, 8)

        descs = {0: pltpu.async_copy(dst_hbm.at[pl.ds(b(0), CHUNK)],
                                     didx[0], isem[0])}
        plsc.subcore_barrier()
        for j in range(per_w):
            cur = j & 1
            if j + 1 < per_w:
                descs[j + 1] = pltpu.async_copy(
                    dst_hbm.at[pl.ds(b(j + 1), CHUNK)], didx[1 - cur],
                    isem[1 - cur])
            descs.pop(j).wait()
            pltpu.sync_copy(ones_v, acc.at[didx[cur]], add=True)

        plsc.subcore_barrier()
        pltpu.sync_copy(acc.at[pl.ds(r0, rpt)],
                        out_hbm.at[cid, pl.ds(r0, rpt)])

    return deg_kernel


def _make_agg(n_pad, w, e, chunk):
    CHUNK = chunk
    n_chunks = e // CHUNK
    per_lo = n_chunks // N_WORKERS
    n_extra = n_chunks - per_lo * N_WORKERS
    per_hi = per_lo + (1 if n_extra else 0)

    @functools.partial(
        pl.kernel,
        out_type=jax.ShapeDtypeStruct((N_CORES, n_pad, w), jnp.float32),
        mesh=_mesh(),
        scratch_types=[
            pltpu.VMEM((CHUNK,), jnp.int32),
            pltpu.VMEM((CHUNK,), jnp.int32),
            pltpu.VMEM((CHUNK,), jnp.int32),
            pltpu.VMEM((CHUNK,), jnp.int32),
            pltpu.VMEM((CHUNK, w), jnp.float32),
            pltpu.VMEM((CHUNK, w), jnp.float32),
            pltpu.VMEM_SHARED((n_pad, w), jnp.float32),
            pltpu.SemaphoreType.DMA,
            pltpu.SemaphoreType.DMA,
            pltpu.SemaphoreType.DMA,
            pltpu.SemaphoreType.DMA,
        ],
        compiler_params=_SC_PARAMS,
    )
    def agg_kernel(src_hbm, dst_hbm, vals_hbm, zeros_hbm, out_hbm,
                   sidx0, sidx1, didx0, didx1, rows0, rows1, acc,
                   gsem0, gsem1, isem0, isem1):
        cid = lax.axis_index("c")
        sid = lax.axis_index("s")
        wid = sid * N_CORES + cid
        rpt = n_pad // N_SUBCORES
        r0 = sid * rpt
        sidx = (sidx0, sidx1)
        didx = (didx0, didx1)
        rows = (rows0, rows1)
        gsem = (gsem0, gsem1)
        isem = (isem0, isem1)
        has_extra = wid < n_extra
        chunk0 = jnp.where(has_extra, wid * per_hi,
                           n_extra * per_hi + (wid - n_extra) * per_lo)

        @pl.when(cid == 0)
        def _():
            pltpu.sync_copy(vals_hbm.at[pl.ds(r0, rpt)], acc.at[pl.ds(r0, rpt)])

        @pl.when(cid != 0)
        def _():
            pltpu.sync_copy(zeros_hbm.at[pl.ds(r0, rpt)], acc.at[pl.ds(r0, rpt)])

        def b(j):
            return pl.multiple_of((chunk0 + j) * CHUNK, 8)

        def make(j):
            k = j & 1
            g = pltpu.make_async_copy(vals_hbm.at[sidx[k]], rows[k], gsem[k])
            d = pltpu.make_async_copy(dst_hbm.at[pl.ds(b(j), CHUNK)],
                                      didx[k], isem[k])

            def go():
                pltpu.sync_copy(src_hbm.at[pl.ds(b(j), CHUNK)], sidx[k])
                g.start()
                d.start()

            return g, d, go

        def fire(j):
            g, d, go = make(j)
            if j < per_lo:
                go()
            else:
                pl.when(has_extra)(go)
            return g, d

        descs = {0: fire(0)}
        plsc.subcore_barrier()
        for j in range(per_hi):
            cur = j & 1
            if j + 1 < per_hi:
                descs[j + 1] = fire(j + 1)
            g, d_ = descs.pop(j)

            def drain(g=g, d_=d_, cur=cur):
                g.wait()
                d_.wait()
                pltpu.sync_copy(rows[cur], acc.at[didx[cur]], add=True)

            if j < per_lo:
                drain()
            else:
                pl.when(has_extra)(drain)

        plsc.subcore_barrier()
        pltpu.sync_copy(acc.at[pl.ds(r0, rpt)],
                        out_hbm.at[cid, pl.ds(r0, rpt)])

    return agg_kernel


def _dense1_body(x_ref, w_ref, deg_ref, g_ref, dinv_ref):
    dinv = lax.rsqrt(deg_ref[0, :, 0:1] + deg_ref[1, :, 0:1] + 1.0)
    h = jnp.dot(x_ref[...], w_ref[...], preferred_element_type=jnp.float32)
    g_ref[...] = h * dinv
    dinv_ref[...] = dinv


def _dense2_body(acc_ref, dinv_ref, w_ref, b_ref, g_ref):
    dinv = dinv_ref[...]
    s = acc_ref[0] + acc_ref[1]
    h1 = jnp.maximum(s * dinv + b_ref[...], 0.0)
    h2 = jnp.dot(h1, w_ref[...], preferred_element_type=jnp.float32)
    g_ref[...] = h2 * dinv


def _dense3_body(acc_ref, dinv_ref, b_ref, out_ref):
    d_out = out_ref.shape[1]
    out_ref[...] = ((acc_ref[0, :, :d_out] + acc_ref[1, :, :d_out])
                    * dinv_ref[...] + b_ref[...])


def _dense1(n_pad, d_in, hidden, blk):
    grid = (n_pad // blk,)
    return pl.pallas_call(
        _dense1_body,
        grid=grid,
        in_specs=[
            pl.BlockSpec((blk, d_in), lambda i: (i, 0)),
            pl.BlockSpec((d_in, hidden), lambda i: (0, 0)),
            pl.BlockSpec((N_CORES, blk, 8), lambda i: (0, i, 0)),
        ],
        out_specs=[
            pl.BlockSpec((blk, hidden), lambda i: (i, 0)),
            pl.BlockSpec((blk, 1), lambda i: (i, 0)),
        ],
        out_shape=[
            jax.ShapeDtypeStruct((n_pad, hidden), jnp.float32),
            jax.ShapeDtypeStruct((n_pad, 1), jnp.float32),
        ],
    )


def _dense2(n_pad, hidden, d_out, blk):
    grid = (n_pad // blk,)
    return pl.pallas_call(
        _dense2_body,
        grid=grid,
        in_specs=[
            pl.BlockSpec((N_CORES, blk, hidden), lambda i: (0, i, 0)),
            pl.BlockSpec((blk, 1), lambda i: (i, 0)),
            pl.BlockSpec((hidden, d_out), lambda i: (0, 0)),
            pl.BlockSpec((1, hidden), lambda i: (0, 0)),
        ],
        out_specs=pl.BlockSpec((blk, d_out), lambda i: (i, 0)),
        out_shape=jax.ShapeDtypeStruct((n_pad, d_out), jnp.float32),
    )


def _dense3(n, n_pad, wp, d_out, blk):
    grid = (n_pad // blk,)
    return pl.pallas_call(
        _dense3_body,
        grid=grid,
        in_specs=[
            pl.BlockSpec((N_CORES, blk, wp), lambda i: (0, i, 0)),
            pl.BlockSpec((blk, 1), lambda i: (i, 0)),
            pl.BlockSpec((1, d_out), lambda i: (0, 0)),
        ],
        out_specs=pl.BlockSpec((blk, d_out), lambda i: (i, 0)),
        out_shape=jax.ShapeDtypeStruct((n, d_out), jnp.float32),
    )


def kernel(x, edge_index, W1, b1, W2, b2):
    n, d_in = x.shape
    hidden = W1.shape[1]
    d_out = W2.shape[1]
    e = edge_index.shape[1]

    blk = 2048
    n_pad = ((n + blk - 1) // blk) * blk
    wp = ((d_out + 7) // 8) * 8

    ei = edge_index.astype(jnp.int32)
    dst1 = jax.lax.optimization_barrier(ei[1])
    src1 = ei[0]

    x_p = jnp.pad(x, ((0, n_pad - n), (0, 0)))
    def pick_chunk(limit):
        for c in range(limit, 0, -8):
            if e % c == 0:
                return c
        return CHUNK

    ch_wide = pick_chunk(640)
    ch_thin = 2000 if e % (2000 * N_WORKERS) == 0 else pick_chunk(2000)

    W2_p = jnp.pad(W2, ((0, 0), (0, wp - d_out)))
    ones8 = jnp.ones((ch_thin, 8), jnp.float32)
    zdeg = jnp.zeros((n_pad, 8), jnp.float32)
    zeros_h = jnp.zeros((n_pad, hidden), jnp.float32)
    zeros_o = jnp.zeros((n_pad, wp), jnp.float32)

    deg = _make_deg(n_pad, e, ch_thin)(dst1, ones8, zdeg)
    g1, dinv = _dense1(n_pad, d_in, hidden, blk)(x_p, W1, deg)
    acc1 = _make_agg(n_pad, hidden, e, ch_wide)(src1, dst1, g1, zeros_h)
    g2 = _dense2(n_pad, hidden, wp, blk)(acc1, dinv, W2_p,
                                         b1.reshape(1, hidden))
    acc2 = _make_agg(n_pad, wp, e, ch_thin)(src1, dst1, g2, zeros_o)
    return _dense3(n, n_pad, wp, d_out, blk)(acc2, dinv,
                                             b2.reshape(1, d_out))

# --- scband reference (transcript-rebuilt; emitter-appended) ---
"""Pipeline reference for scband-gnn-18124761989696 (READ-ONLY COPY).

The authoritative reference and input builder live on the scoring server;
editing this copy changes nothing except your own understanding.
"""

import jax, jax.numpy as jnp
import numpy as np

N = 10000
E = 320000
D_IN = 128
HIDDEN = 64
D_OUT = 2


def gcn_conv(x, edge_index, W, b):
    n = x.shape[0]
    loop = jnp.arange(n, dtype=edge_index.dtype)
    src = jnp.concatenate([edge_index[0], loop])
    dst = jnp.concatenate([edge_index[1], loop])
    deg = jax.ops.segment_sum(jnp.ones_like(src, dtype=x.dtype), dst, num_segments=n)
    dinv = jnp.where(deg > 0, jax.lax.rsqrt(jnp.maximum(deg, 1e-12)), 0.0)
    norm = dinv[src] * dinv[dst]
    h = x @ W
    msg = jnp.take(h, src, axis=0) * norm[:, None]
    out = jax.ops.segment_sum(msg, dst, num_segments=n)
    return out + b


def setup_inputs(seed: int = 0) -> dict:
    key = jax.random.key(seed)
    k1, k2, k3, k4, k5, k6 = jax.random.split(key, 6)
    x = jax.random.normal(k1, (N, D_IN), dtype=jnp.float32)
    edge_index = jax.random.randint(k2, (2, E), 0, N).astype(jnp.int64)
    W1 = jax.random.normal(k3, (D_IN, HIDDEN), dtype=jnp.float32) * (1.0 / np.sqrt(D_IN))
    b1 = jnp.zeros((HIDDEN,), dtype=jnp.float32)
    W2 = jax.random.normal(k4, (HIDDEN, D_OUT), dtype=jnp.float32) * (1.0 / np.sqrt(HIDDEN))
    b2 = jnp.zeros((D_OUT,), dtype=jnp.float32)
    return {"x": x, "edge_index": edge_index, "W1": W1, "b1": b1, "W2": W2, "b2": b2}


def reference(x, edge_index, W1, b1, W2, b2):
    h = jax.nn.relu(gcn_conv(x, edge_index, W1, b1))
    # dropout p=0.3 is identity at inference (training=False)
    out = gcn_conv(h, edge_index, W2, b2)
    return out

if __name__ == "__main__":
    import jax
    _d = setup_inputs()
    print(jax.jit(kernel)(*tuple(_d.values())))

</pallas_src>

<mosaic_0001>
#map = affine_map<(d0, d1) -> (0)>
#map1 = affine_map<(d0, d1) -> (0, 0)>
#map2 = affine_map<(d0, d1) -> (0, 0, 0)>
module attributes {stable_mosaic.version = 14 : i64} {
  func.func @agg_kernel(%arg0: i32, %arg1: i32, %arg2: memref<320000xi32, #tpu.memory_space<hbm>>, %arg3: memref<320000xi32, #tpu.memory_space<hbm>>, %arg4: memref<10240x64xf32, #tpu.memory_space<hbm>>, %arg5: memref<10240x64xf32, #tpu.memory_space<hbm>>, %arg6: memref<2x10240x64xf32, #tpu.memory_space<hbm>>, %arg7: memref<640xi32, #tpu.memory_space<vmem>>, %arg8: memref<640xi32, #tpu.memory_space<vmem>>, %arg9: memref<640xi32, #tpu.memory_space<vmem>>, %arg10: memref<640xi32, #tpu.memory_space<vmem>>, %arg11: memref<640x64xf32, #tpu.memory_space<vmem>>, %arg12: memref<640x64xf32, #tpu.memory_space<vmem>>, %arg13: memref<10240x64xf32, #tpu.memory_space<vmem_shared>>, %arg14: memref<!tpu.dma_semaphore, #tpu.memory_space<semaphore_mem>>, %arg15: memref<!tpu.dma_semaphore, #tpu.memory_space<semaphore_mem>>, %arg16: memref<!tpu.dma_semaphore, #tpu.memory_space<semaphore_mem>>, %arg17: memref<!tpu.dma_semaphore, #tpu.memory_space<semaphore_mem>>) attributes {dimension_semantics = [#tpu.dimension_semantics<core_parallel>, #tpu.dimension_semantics<subcore_parallel>], iteration_bounds = array<i64: 2, 16>, scalar_prefetch = 0 : i64, scratch_operands = 11 : i64, tpu.core_type = #tpu.core_type<sc_vector_subcore>, window_params = [{transform_indices = #map}, {transform_indices = #map}, {transform_indices = #map1}, {transform_indices = #map1}, {transform_indices = #map2}]} {
    %mul3A = arith.constant 2 : i32
    %mul3A_0 = arith.muli %arg1, %mul3A : i32
    %add3A = arith.addi %mul3A_0, %arg0 : i32
    %mul3A_1 = arith.constant 640 : i32
    %mul3A_2 = arith.muli %arg1, %mul3A_1 : i32
    %lt3A = arith.constant 20 : i32
    %lt3A_3 = arith.cmpi slt, %add3A, %lt3A : i32
    %mul3A_4 = arith.constant 16 : i32
    %mul3A_5 = arith.muli %add3A, %mul3A_4 : i32
    %sub3A = arith.constant 20 : i32
    %sub3A_6 = arith.subi %add3A, %sub3A : i32
    %mul3A_7 = arith.constant 15 : i32
    %mul3A_8 = arith.muli %sub3A_6, %mul3A_7 : i32
    %add3A_9 = arith.constant 320 : i32
    %add3A_10 = arith.addi %add3A_9, %mul3A_8 : i32
    %select_n3A = arith.select %lt3A_3, %mul3A_5, %add3A_10 : i32
    %eq3A = arith.constant 0 : i32
    %eq3A_11 = arith.cmpi eq, %arg0, %eq3A : i32
    %convert_element_type3A = arith.extui %eq3A_11 : i1 to i32
    %cond3A = arith.constant 0 : i32
    %cond3A_12 = arith.cmpi ne, %convert_element_type3A, %cond3A : i32
    scf.if %cond3A_12 {
      "tpu.region"() ({
        %run_scoped3A = tpu.sem_alloc : memref<!tpu.dma_semaphore, #tpu.memory_space<semaphore_mem>>
        %dma_start3A_326 = arith.constant 0 : i32
        %dma_start3A_327 = tpu.memref_slice %arg13[%mul3A_2, %dma_start3A_326] : memref<10240x64xf32, #tpu.memory_space<vmem_shared>> -> memref<640x64xf32, #tpu.memory_space<vmem_shared>>
        %dma_start3A_328 = arith.constant 0 : i32
        %dma_start3A_329 = tpu.memref_slice %arg4[%mul3A_2, %dma_start3A_328] : memref<10240x64xf32, #tpu.memory_space<hbm>> -> memref<640x64xf32, #tpu.memory_space<hbm>>
        tpu.enqueue_dma source(%dma_start3A_329 : memref<640x64xf32, #tpu.memory_space<hbm>>) target(%dma_start3A_327 : memref<640x64xf32, #tpu.memory_space<vmem_shared>>) target_semaphore(%run_scoped3A : memref<!tpu.dma_semaphore, #tpu.memory_space<semaphore_mem>>)
        %dma_wait3A_330 = arith.constant 0 : i32
        %dma_wait3A_331 = tpu.memref_slice %arg13[%mul3A_2, %dma_wait3A_330] : memref<10240x64xf32, #tpu.memory_space<vmem_shared>> -> memref<640x64xf32, #tpu.memory_space<vmem_shared>>
        %dma_wait3A_332 = arith.constant 0 : i32
        %dma_wait3A_333 = tpu.memref_slice %arg4[%mul3A_2, %dma_wait3A_332] : memref<10240x64xf32, #tpu.memory_space<hbm>> -> memref<640x64xf32, #tpu.memory_space<hbm>>
        tpu.wait_dma2 semaphore(%run_scoped3A : memref<!tpu.dma_semaphore, #tpu.memory_space<semaphore_mem>>) src(%dma_wait3A_333 : memref<640x64xf32, #tpu.memory_space<hbm>>) dst(%dma_wait3A_331 : memref<640x64xf32, #tpu.memory_space<vmem_shared>>)
        tpu.yield
      }) : () -> ()
    } else {
    }
    %ne3A = arith.constant 0 : i32
    %ne3A_13 = arith.cmpi ne, %arg0, %ne3A : i32
    %convert_element_type3A_14 = arith.extui %ne3A_13 : i1 to i32
    %cond3A_15 = arith.constant 0 : i32
    %cond3A_16 = arith.cmpi ne, %convert_element_type3A_14, %cond3A_15 : i32
    scf.if %cond3A_16 {
      "tpu.region"() ({
        %run_scoped3A = tpu.sem_alloc : memref<!tpu.dma_semaphore, #tpu.memory_space<semaphore_mem>>
        %dma_start3A_326 = arith.constant 0 : i32
        %dma_start3A_327 = tpu.memref_slice %arg13[%mul3A_2, %dma_start3A_326] : memref<10240x64xf32, #tpu.memory_space<vmem_shared>> -> memref<640x64xf32, #tpu.memory_space<vmem_shared>>
        %dma_start3A_328 = arith.constant 0 : i32
        %dma_start3A_329 = tpu.memref_slice %arg5[%mul3A_2, %dma_start3A_328] : memref<10240x64xf32, #tpu.memory_space<hbm>> -> memref<640x64xf32, #tpu.memory_space<hbm>>
        tpu.enqueue_dma source(%dma_start3A_329 : memref<640x64xf32, #tpu.memory_space<hbm>>) target(%dma_start3A_327 : memref<640x64xf32, #tpu.memory_space<vmem_shared>>) target_semaphore(%run_scoped3A : memref<!tpu.dma_semaphore, #tpu.memory_space<semaphore_mem>>)
        %dma_wait3A_330 = arith.constant 0 : i32
        %dma_wait3A_331 = tpu.memref_slice %arg13[%mul3A_2, %dma_wait3A_330] : memref<10240x64xf32, #tpu.memory_space<vmem_shared>> -> memref<640x64xf32, #tpu.memory_space<vmem_shared>>
        %dma_wait3A_332 = arith.constant 0 : i32
        %dma_wait3A_333 = tpu.memref_slice %arg5[%mul3A_2, %dma_wait3A_332] : memref<10240x64xf32, #tpu.memory_space<hbm>> -> memref<640x64xf32, #tpu.memory_space<hbm>>
        tpu.wait_dma2 semaphore(%run_scoped3A : memref<!tpu.dma_semaphore, #tpu.memory_space<semaphore_mem>>) src(%dma_wait3A_333 : memref<640x64xf32, #tpu.memory_space<hbm>>) dst(%dma_wait3A_331 : memref<640x64xf32, #tpu.memory_space<vmem_shared>>)
        tpu.yield
      }) : () -> ()
    } else {
    }
    %add3A_17 = arith.constant 0 : i32
    %add3A_18 = arith.addi %select_n3A, %add3A_17 : i32
    %mul3A_19 = arith.constant 640 : i32
    %mul3A_20 = arith.muli %add3A_18, %mul3A_19 : i32
    %multiple_of3A = tpu.assume_multiple %mul3A_20, 8 : i32
    %add3A_21 = arith.constant 0 : i32
    %add3A_22 = arith.addi %select_n3A, %add3A_21 : i32
    %mul3A_23 = arith.constant 640 : i32
    %mul3A_24 = arith.muli %add3A_22, %mul3A_23 : i32
    %multiple_of3A_25 = tpu.assume_multiple %mul3A_24, 8 : i32
    "tpu.region"() ({
      %run_scoped3A = tpu.sem_alloc : memref<!tpu.dma_semaphore, #tpu.memory_space<semaphore_mem>>
      %dma_start3A_326 = tpu.memref_slice %arg2[%multiple_of3A_25] : memref<320000xi32, #tpu.memory_space<hbm>> -> memref<640xi32, #tpu.memory_space<hbm>>
      %dma_start3A_327 = tpu.memref_slice %arg2[%multiple_of3A_25] : memref<320000xi32, #tpu.memory_space<hbm>> -> memref<640xi32, #tpu.memory_space<hbm>>
      tpu.enqueue_dma source(%dma_start3A_327 : memref<640xi32, #tpu.memory_space<hbm>>) target(%arg7 : memref<640xi32, #tpu.memory_space<vmem>>) target_semaphore(%run_scoped3A : memref<!tpu.dma_semaphore, #tpu.memory_space<semaphore_mem>>)
      %dma_wait3A_328 = tpu.memref_slice %arg2[%multiple_of3A_25] : memref<320000xi32, #tpu.memory_space<hbm>> -> memref<640xi32, #tpu.memory_space<hbm>>
      %dma_wait3A_329 = tpu.memref_slice %arg2[%multiple_of3A_25] : memref<320000xi32, #tpu.memory_space<hbm>> -> memref<640xi32, #tpu.memory_space<hbm>>
      tpu.wait_dma2 semaphore(%run_scoped3A : memref<!tpu.dma_semaphore, #tpu.memory_space<semaphore_mem>>) src(%dma_wait3A_329 : memref<640xi32, #tpu.memory_space<hbm>>) dst(%arg7 : memref<640xi32, #tpu.memory_space<vmem>>)
      tpu.yield
    }) : () -> ()
    %dma_start3A = arith.constant 0 : i32
    %dma_start3A_26 = arith.constant 0 : i32
    %dma_start3A_27 = tpu.memref_slice %arg4[%dma_start3A, %dma_start3A_26] : memref<10240x64xf32, #tpu.memory_space<hbm>> -> memref<10240x64xf32, #tpu.memory_space<hbm>>
    tpu.enqueue_indirect_dma source(%dma_start3A_27 : memref<10240x64xf32, #tpu.memory_space<hbm>>) target(%arg11 : memref<640x64xf32, #tpu.memory_space<vmem>>) offsets(%arg7 : memref<640xi32, #tpu.memory_space<vmem>>) semaphore(%arg14 : memref<!tpu.dma_semaphore, #tpu.memory_space<semaphore_mem>>)
    %dma_start3A_28 = tpu.memref_slice %arg3[%multiple_of3A] : memref<320000xi32, #tpu.memory_space<hbm>> -> memref<640xi32, #tpu.memory_space<hbm>>
    %dma_start3A_29 = tpu.memref_slice %arg3[%multiple_of3A] : memref<320000xi32, #tpu.memory_space<hbm>> -> memref<640xi32, #tpu.memory_space<hbm>>
    tpu.enqueue_dma source(%dma_start3A_29 : memref<640xi32, #tpu.memory_space<hbm>>) target(%arg9 : memref<640xi32, #tpu.memory_space<vmem>>) target_semaphore(%arg16 : memref<!tpu.dma_semaphore, #tpu.memory_space<semaphore_mem>>)
    %barrier3A = arith.constant 0 : index
    tpu.barrier barrier_id(%barrier3A)
    %add3A_30 = arith.constant 1 : i32
    %add3A_31 = arith.addi %select_n3A, %add3A_30 : i32
    %mul3A_32 = arith.constant 640 : i32
    %mul3A_33 = arith.muli %add3A_31, %mul3A_32 : i32
    %multiple_of3A_34 = tpu.assume_multiple %mul3A_33, 8 : i32
    %add3A_35 = arith.constant 1 : i32
    %add3A_36 = arith.addi %select_n3A, %add3A_35 : i32
    %mul3A_37 = arith.constant 640 : i32
    %mul3A_38 = arith.muli %add3A_36, %mul3A_37 : i32
    %multiple_of3A_39 = tpu.assume_multiple %mul3A_38, 8 : i32
    "tpu.region"() ({
      %run_scoped3A = tpu.sem_alloc : memref<!tpu.dma_semaphore, #tpu.memory_space<semaphore_mem>>
      %dma_start3A_326 = tpu.memref_slice %arg2[%multiple_of3A_39] : memref<320000xi32, #tpu.memory_space<hbm>> -> memref<640xi32, #tpu.memory_space<hbm>>
      %dma_start3A_327 = tpu.memref_slice %arg2[%multiple_of3A_39] : memref<320000xi32, #tpu.memory_space<hbm>> -> memref<640xi32, #tpu.memory_space<hbm>>
      tpu.enqueue_dma source(%dma_start3A_327 : memref<640xi32, #tpu.memory_space<hbm>>) target(%arg8 : memref<640xi32, #tpu.memory_space<vmem>>) target_semaphore(%run_scoped3A : memref<!tpu.dma_semaphore, #tpu.memory_space<semaphore_mem>>)
      %dma_wait3A_328 = tpu.memref_slice %arg2[%multiple_of3A_39] : memref<320000xi32, #tpu.memory_space<hbm>> -> memref<640xi32, #tpu.memory_space<hbm>>
      %dma_wait3A_329 = tpu.memref_slice %arg2[%multiple_of3A_39] : memref<320000xi32, #tpu.memory_space<hbm>> -> memref<640xi32, #tpu.memory_space<hbm>>
      tpu.wait_dma2 semaphore(%run_scoped3A : memref<!tpu.dma_semaphore, #tpu.memory_space<semaphore_mem>>) src(%dma_wait3A_329 : memref<640xi32, #tpu.memory_space<hbm>>) dst(%arg8 : memref<640xi32, #tpu.memory_space<vmem>>)
      tpu.yield
    }) : () -> ()
    %dma_start3A_40 = arith.constant 0 : i32
    %dma_start3A_41 = arith.constant 0 : i32
    %dma_start3A_42 = tpu.memref_slice %arg4[%dma_start3A_40, %dma_start3A_41] : memref<10240x64xf32, #tpu.memory_space<hbm>> -> memref<10240x64xf32, #tpu.memory_space<hbm>>
    tpu.enqueue_indirect_dma source(%dma_start3A_42 : memref<10240x64xf32, #tpu.memory_space<hbm>>) target(%arg12 : memref<640x64xf32, #tpu.memory_space<vmem>>) offsets(%arg8 : memref<640xi32, #tpu.memory_space<vmem>>) semaphore(%arg15 : memref<!tpu.dma_semaphore, #tpu.memory_space<semaphore_mem>>)
    %dma_start3A_43 = tpu.memref_slice %arg3[%multiple_of3A_34] : memref<320000xi32, #tpu.memory_space<hbm>> -> memref<640xi32, #tpu.memory_space<hbm>>
    %dma_start3A_44 = tpu.memref_slice %arg3[%multiple_of3A_34] : memref<320000xi32, #tpu.memory_space<hbm>> -> memref<640xi32, #tpu.memory_space<hbm>>
    tpu.enqueue_dma source(%dma_start3A_44 : memref<640xi32, #tpu.memory_space<hbm>>) target(%arg10 : memref<640xi32, #tpu.memory_space<vmem>>) target_semaphore(%arg17 : memref<!tpu.dma_semaphore, #tpu.memory_space<semaphore_mem>>)
    %dma_wait3A = arith.constant 0 : i32
    %dma_wait3A_45 = arith.constant 0 : i32
    %dma_wait3A_46 = tpu.memref_slice %arg4[%dma_wait3A, %dma_wait3A_45] : memref<10240x64xf32, #tpu.memory_space<hbm>> -> memref<10240x64xf32, #tpu.memory_space<hbm>>
    tpu.wait_indirect_dma semaphore(%arg14 : memref<!tpu.dma_semaphore, #tpu.memory_space<semaphore_mem>>) src(%dma_wait3A_46 : memref<10240x64xf32, #tpu.memory_space<hbm>>) dst(%arg11 : memref<640x64xf32, #tpu.memory_space<vmem>>)
    %dma_wait3A_47 = tpu.memref_slice %arg3[%multiple_of3A] : memref<320000xi32, #tpu.memory_space<hbm>> -> memref<640xi32, #tpu.memory_space<hbm>>
    %dma_wait3A_48 = tpu.memref_slice %arg3[%multiple_of3A] : memref<320000xi32, #tpu.memory_space<hbm>> -> memref<640xi32, #tpu.memory_space<hbm>>
    tpu.wait_dma2 semaphore(%arg16 : memref<!tpu.dma_semaphore, #tpu.memory_space<semaphore_mem>>) src(%dma_wait3A_48 : memref<640xi32, #tpu.memory_space<hbm>>) dst(%arg9 : memref<640xi32, #tpu.memory_space<vmem>>)
    "tpu.region"() ({
      %run_scoped3A = tpu.sem_alloc : memref<!tpu.dma_semaphore, #tpu.memory_space<semaphore_mem>>
      %dma_start3A_326 = arith.constant 0 : i32
      %dma_start3A_327 = arith.constant 0 : i32
      %dma_start3A_328 = tpu.memref_slice %arg13[%dma_start3A_326, %dma_start3A_327] : memref<10240x64xf32, #tpu.memory_space<vmem_shared>> -> memref<10240x64xf32, #tpu.memory_space<vmem_shared>>
      tpu.enqueue_indirect_dma source(%arg11 : memref<640x64xf32, #tpu.memory_space<vmem>>) target(%dma_start3A_328 : memref<10240x64xf32, #tpu.memory_space<vmem_shared>>) offsets(%arg9 : memref<640xi32, #tpu.memory_space<vmem>>) semaphore(%run_scoped3A : memref<!tpu.dma_semaphore, #tpu.memory_space<semaphore_mem>>) {add = true}
      %dma_wait3A_329 = arith.constant 0 : i32
      %dma_wait3A_330 = arith.constant 0 : i32
      %dma_wait3A_331 = tpu.memref_slice %arg13[%dma_wait3A_329, %dma_wait3A_330] : memref<10240x64xf32, #tpu.memory_space<vmem_shared>> -> memref<10240x64xf32, #tpu.memory_space<vmem_shared>>
      tpu.wait_indirect_dma semaphore(%run_scoped3A : memref<!tpu.dma_semaphore, #tpu.memory_space<semaphore_mem>>) src(%arg11 : memref<640x64xf32, #tpu.memory_space<vmem>>) dst(%dma_wait3A_331 : memref<10240x64xf32, #tpu.memory_space<vmem_shared>>)
      tpu.yield
    }) : () -> ()
    %add3A_49 = arith.constant 2 : i32
    %add3A_50 = arith.addi %select_n3A, %add3A_49 : i32
    %mul3A_51 = arith.constant 640 : i32
    %mul3A_52 = arith.muli %add3A_50, %mul3A_51 : i32
    %multiple_of3A_53 = tpu.assume_multiple %mul3A_52, 8 : i32
    %add3A_54 = arith.constant 2 : i32
    %add3A_55 = arith.addi %select_n3A, %add3A_54 : i32
    %mul3A_56 = arith.constant 640 : i32
    %mul3A_57 = arith.muli %add3A_55, %mul3A_56 : i32
    %multiple_of3A_58 = tpu.assume_multiple %mul3A_57, 8 : i32
    "tpu.region"() ({
      %run_scoped3A = tpu.sem_alloc : memref<!tpu.dma_semaphore, #tpu.memory_space<semaphore_mem>>
      %dma_start3A_326 = tpu.memref_slice %arg2[%multiple_of3A_58] : memref<320000xi32, #tpu.memory_space<hbm>> -> memref<640xi32, #tpu.memory_space<hbm>>
      %dma_start3A_327 = tpu.memref_slice %arg2[%multiple_of3A_58] : memref<320000xi32, #tpu.memory_space<hbm>> -> memref<640xi32, #tpu.memory_space<hbm>>
      tpu.enqueue_dma source(%dma_start3A_327 : memref<640xi32, #tpu.memory_space<hbm>>) target(%arg7 : memref<640xi32, #tpu.memory_space<vmem>>) target_semaphore(%run_scoped3A : memref<!tpu.dma_semaphore, #tpu.memory_space<semaphore_mem>>)
      %dma_wait3A_328 = tpu.memref_slice %arg2[%multiple_of3A_58] : memref<320000xi32, #tpu.memory_space<hbm>> -> memref<640xi32, #tpu.memory_space<hbm>>
      %dma_wait3A_329 = tpu.memref_slice %arg2[%multiple_of3A_58] : memref<320000xi32, #tpu.memory_space<hbm>> -> memref<640xi32, #tpu.memory_space<hbm>>
      tpu.wait_dma2 semaphore(%run_scoped3A : memref<!tpu.dma_semaphore, #tpu.memory_space<semaphore_mem>>) src(%dma_wait3A_329 : memref<640xi32, #tpu.memory_space<hbm>>) dst(%arg7 : memref<640xi32, #tpu.memory_space<vmem>>)
      tpu.yield
    }) : () -> ()
    %dma_start3A_59 = arith.constant 0 : i32
    %dma_start3A_60 = arith.constant 0 : i32
    %dma_start3A_61 = tpu.memref_slice %arg4[%dma_start3A_59, %dma_start3A_60] : memref<10240x64xf32, #tpu.memory_space<hbm>> -> memref<10240x64xf32, #tpu.memory_space<hbm>>
    tpu.enqueue_indirect_dma source(%dma_start3A_61 : memref<10240x64xf32, #tpu.memory_space<hbm>>) target(%arg11 : memref<640x64xf32, #tpu.memory_space<vmem>>) offsets(%arg7 : memref<640xi32, #tpu.memory_space<vmem>>) semaphore(%arg14 : memref<!tpu.dma_semaphore, #tpu.memory_space<semaphore_mem>>)
    %dma_start3A_62 = tpu.memref_slice %arg3[%multiple_of3A_53] : memref<320000xi32, #tpu.memory_space<hbm>> -> memref<640xi32, #tpu.memory_space<hbm>>
    %dma_start3A_63 = tpu.memref_slice %arg3[%multiple_of3A_53] : memref<320000xi32, #tpu.memory_space<hbm>> -> memref<640xi32, #tpu.memory_space<hbm>>
    tpu.enqueue_dma source(%dma_start3A_63 : memref<640xi32, #tpu.memory_space<hbm>>) target(%arg9 : memref<640xi32, #tpu.memory_space<vmem>>) target_semaphore(%arg16 : memref<!tpu.dma_semaphore, #tpu.memory_space<semaphore_mem>>)
    %dma_wait3A_64 = arith.constant 0 : i32
    %dma_wait3A_65 = arith.constant 0 : i32
    %dma_wait3A_66 = tpu.memref_slice %arg4[%dma_wait3A_64, %dma_wait3A_65] : memref<10240x64xf32, #tpu.memory_space<hbm>> -> memref<10240x64xf32, #tpu.memory_space<hbm>>
    tpu.wait_indirect_dma semaphore(%arg15 : memref<!tpu.dma_semaphore, #tpu.memory_space<semaphore_mem>>) src(%dma_wait3A_66 : memref<10240x64xf32, #tpu.memory_space<hbm>>) dst(%arg12 : memref<640x64xf32, #tpu.memory_space<vmem>>)
    %dma_wait3A_67 = tpu.memref_slice %arg3[%multiple_of3A_34] : memref<320000xi32, #tpu.memory_space<hbm>> -> memref<640xi32, #tpu.memory_space<hbm>>
    %dma_wait3A_68 = tpu.memref_slice %arg3[%multiple_of3A_34] : memref<320000xi32, #tpu.memory_space<hbm>> -> memref<640xi32, #tpu.memory_space<hbm>>
    tpu.wait_dma2 semaphore(%arg17 : memref<!tpu.dma_semaphore, #tpu.memory_space<semaphore_mem>>) src(%dma_wait3A_68 : memref<640xi32, #tpu.memory_space<hbm>>) dst(%arg10 : memref<640xi32, #tpu.memory_space<vmem>>)
    "tpu.region"() ({
      %run_scoped3A = tpu.sem_alloc : memref<!tpu.dma_semaphore, #tpu.memory_space<semaphore_mem>>
      %dma_start3A_326 = arith.constant 0 : i32
      %dma_start3A_327 = arith.constant 0 : i32
      %dma_start3A_328 = tpu.memref_slice %arg13[%dma_start3A_326, %dma_start3A_327] : memref<10240x64xf32, #tpu.memory_space<vmem_shared>> -> memref<10240x64xf32, #tpu.memory_space<vmem_shared>>
      tpu.enqueue_indirect_dma source(%arg12 : memref<640x64xf32, #tpu.memory_space<vmem>>) target(%dma_start3A_328 : memref<10240x64xf32, #tpu.memory_space<vmem_shared>>) offsets(%arg10 : memref<640xi32, #tpu.memory_space<vmem>>) semaphore(%run_scoped3A : memref<!tpu.dma_semaphore, #tpu.memory_space<semaphore_mem>>) {add = true}
      %dma_wait3A_329 = arith.constant 0 : i32
      %dma_wait3A_330 = arith.constant 0 : i32
      %dma_wait3A_331 = tpu.memref_slice %arg13[%dma_wait3A_329, %dma_wait3A_330] : memref<10240x64xf32, #tpu.memory_space<vmem_shared>> -> memref<10240x64xf32, #tpu.memory_space<vmem_shared>>
      tpu.wait_indirect_dma semaphore(%run_scoped3A : memref<!tpu.dma_semaphore, #tpu.memory_space<semaphore_mem>>) src(%arg12 : memref<640x64xf32, #tpu.memory_space<vmem>>) dst(%dma_wait3A_331 : memref<10240x64xf32, #tpu.memory_space<vmem_shared>>)
      tpu.yield
    }) : () -> ()
    %add3A_69 = arith.constant 3 : i32
    %add3A_70 = arith.addi %select_n3A, %add3A_69 : i32
    %mul3A_71 = arith.constant 640 : i32
    %mul3A_72 = arith.muli %add3A_70, %mul3A_71 : i32
    %multiple_of3A_73 = tpu.assume_multiple %mul3A_72, 8 : i32
    %add3A_74 = arith.constant 3 : i32
    %add3A_75 = arith.addi %select_n3A, %add3A_74 : i32
    %mul3A_76 = arith.constant 640 : i32
    %mul3A_77 = arith.muli %add3A_75, %mul3A_76 : i32
    %multiple_of3A_78 = tpu.assume_multiple %mul3A_77, 8 : i32
    "tpu.region"() ({
      %run_scoped3A = tpu.sem_alloc : memref<!tpu.dma_semaphore, #tpu.memory_space<semaphore_mem>>
      %dma_start3A_326 = tpu.memref_slice %arg2[%multiple_of3A_78] : memref<320000xi32, #tpu.memory_space<hbm>> -> memref<640xi32, #tpu.memory_space<hbm>>
      %dma_start3A_327 = tpu.memref_slice %arg2[%multiple_of3A_78] : memref<320000xi32, #tpu.memory_space<hbm>> -> memref<640xi32, #tpu.memory_space<hbm>>
      tpu.enqueue_dma source(%dma_start3A_327 : memref<640xi32, #tpu.memory_space<hbm>>) target(%arg8 : memref<640xi32, #tpu.memory_space<vmem>>) target_semaphore(%run_scoped3A : memref<!tpu.dma_semaphore, #tpu.memory_space<semaphore_mem>>)
      %dma_wait3A_328 = tpu.memref_slice %arg2[%multiple_of3A_78] : memref<320000xi32, #tpu.memory_space<hbm>> -> memref<640xi32, #tpu.memory_space<hbm>>
      %dma_wait3A_329 = tpu.memref_slice %arg2[%multiple_of3A_78] : memref<320000xi32, #tpu.memory_space<hbm>> -> memref<640xi32, #tpu.memory_space<hbm>>
      tpu.wait_dma2 semaphore(%run_scoped3A : memref<!tpu.dma_semaphore, #tpu.memory_space<semaphore_mem>>) src(%dma_wait3A_329 : memref<640xi32, #tpu.memory_space<hbm>>) dst(%arg8 : memref<640xi32, #tpu.memory_space<vmem>>)
      tpu.yield
    }) : () -> ()
    %dma_start3A_79 = arith.constant 0 : i32
    %dma_start3A_80 = arith.constant 0 : i32
    %dma_start3A_81 = tpu.memref_slice %arg4[%dma_start3A_79, %dma_start3A_80] : memref<10240x64xf32, #tpu.memory_space<hbm>> -> memref<10240x64xf32, #tpu.memory_space<hbm>>
    tpu.enqueue_indirect_dma source(%dma_start3A_81 : memref<10240x64xf32, #tpu.memory_space<hbm>>) target(%arg12 : memref<640x64xf32, #tpu.memory_space<vmem>>) offsets(%arg8 : memref<640xi32, #tpu.memory_space<vmem>>) semaphore(%arg15 : memref<!tpu.dma_semaphore, #tpu.memory_space<semaphore_mem>>)
    %dma_start3A_82 = tpu.memref_slice %arg3[%multiple_of3A_73] : memref<320000xi32, #tpu.memory_space<hbm>> -> memref<640xi32, #tpu.memory_space<hbm>>
    %dma_start3A_83 = tpu.memref_slice %arg3[%multiple_of3A_73] : memref<320000xi32, #tpu.memory_space<hbm>> -> memref<640xi32, #tpu.memory_space<hbm>>
    tpu.enqueue_dma source(%dma_start3A_83 : memref<640xi32, #tpu.memory_space<hbm>>) target(%arg10 : memref<640xi32, #tpu.memory_space<vmem>>) target_semaphore(%arg17 : memref<!tpu.dma_semaphore, #tpu.memory_space<semaphore_mem>>)
    %dma_wait3A_84 = arith.constant 0 : i32
    %dma_wait3A_85 = arith.constant 0 : i32
    %dma_wait3A_86 = tpu.memref_slice %arg4[%dma_wait3A_84, %dma_wait3A_85] : memref<10240x64xf32, #tpu.memory_space<hbm>> -> memref<10240x64xf32, #tpu.memory_space<hbm>>
    tpu.wait_indirect_dma semaphore(%arg14 : memref<!tpu.dma_semaphore, #tpu.memory_space<semaphore_mem>>) src(%dma_wait3A_86 : memref<10240x64xf32, #tpu.memory_space<hbm>>) dst(%arg11 : memref<640x64xf32, #tpu.memory_space<vmem>>)
    %dma_wait3A_87 = tpu.memref_slice %arg3[%multiple_of3A_53] : memref<320000xi32, #tpu.memory_space<hbm>> -> memref<640xi32, #tpu.memory_space<hbm>>
    %dma_wait3A_88 = tpu.memref_slice %arg3[%multiple_of3A_53] : memref<320000xi32, #tpu.memory_space<hbm>> -> memref<640xi32, #tpu.memory_space<hbm>>
    tpu.wait_dma2 semaphore(%arg16 : memref<!tpu.dma_semaphore, #tpu.memory_space<semaphore_mem>>) src(%dma_wait3A_88 : memref<640xi32, #tpu.memory_space<hbm>>) dst(%arg9 : memref<640xi32, #tpu.memory_space<vmem>>)
    "tpu.region"() ({
      %run_scoped3A = tpu.sem_alloc : memref<!tpu.dma_semaphore, #tpu.memory_space<semaphore_mem>>
      %dma_start3A_326 = arith.constant 0 : i32
      %dma_start3A_327 = arith.constant 0 : i32
      %dma_start3A_328 = tpu.memref_slice %arg13[%dma_start3A_326, %dma_start3A_327] : memref<10240x64xf32, #tpu.memory_space<vmem_shared>> -> memref<10240x64xf32, #tpu.memory_space<vmem_shared>>
      tpu.enqueue_indirect_dma source(%arg11 : memref<640x64xf32, #tpu.memory_space<vmem>>) target(%dma_start3A_328 : memref<10240x64xf32, #tpu.memory_space<vmem_shared>>) offsets(%arg9 : memref<640xi32, #tpu.memory_space<vmem>>) semaphore(%run_scoped3A : memref<!tpu.dma_semaphore, #tpu.memory_space<semaphore_mem>>) {add = true}
      %dma_wait3A_329 = arith.constant 0 : i32
      %dma_wait3A_330 = arith.constant 0 : i32
      %dma_wait3A_331 = tpu.memref_slice %arg13[%dma_wait3A_329, %dma_wait3A_330] : memref<10240x64xf32, #tpu.memory_space<vmem_shared>> -> memref<10240x64xf32, #tpu.memory_space<vmem_shared>>
      tpu.wait_indirect_dma semaphore(%run_scoped3A : memref<!tpu.dma_semaphore, #tpu.memory_space<semaphore_mem>>) src(%arg11 : memref<640x64xf32, #tpu.memory_space<vmem>>) dst(%dma_wait3A_331 : memref<10240x64xf32, #tpu.memory_space<vmem_shared>>)
      tpu.yield
    }) : () -> ()
    %add3A_89 = arith.constant 4 : i32
    %add3A_90 = arith.addi %select_n3A, %add3A_89 : i32
    %mul3A_91 = arith.constant 640 : i32
    %mul3A_92 = arith.muli %add3A_90, %mul3A_91 : i32
    %multiple_of3A_93 = tpu.assume_multiple %mul3A_92, 8 : i32
    %add3A_94 = arith.constant 4 : i32
    %add3A_95 = arith.addi %select_n3A, %add3A_94 : i32
    %mul3A_96 = arith.constant 640 : i32
    %mul3A_97 = arith.muli %add3A_95, %mul3A_96 : i32
    %multiple_of3A_98 = tpu.assume_multiple %mul3A_97, 8 : i32
    "tpu.region"() ({
      %run_scoped3A = tpu.sem_alloc : memref<!tpu.dma_semaphore, #tpu.memory_space<semaphore_mem>>
      %dma_start3A_326 = tpu.memref_slice %arg2[%multiple_of3A_98] : memref<320000xi32, #tpu.memory_space<hbm>> -> memref<640xi32, #tpu.memory_space<hbm>>
      %dma_start3A_327 = tpu.memref_slice %arg2[%multiple_of3A_98] : memref<320000xi32, #tpu.memory_space<hbm>> -> memref<640xi32, #tpu.memory_space<hbm>>
      tpu.enqueue_dma source(%dma_start3A_327 : memref<640xi32, #tpu.memory_space<hbm>>) target(%arg7 : memref<640xi32, #tpu.memory_space<vmem>>) target_semaphore(%run_scoped3A : memref<!tpu.dma_semaphore, #tpu.memory_space<semaphore_mem>>)
      %dma_wait3A_328 = tpu.memref_slice %arg2[%multiple_of3A_98] : memref<320000xi32, #tpu.memory_space<hbm>> -> memref<640xi32, #tpu.memory_space<hbm>>
      %dma_wait3A_329 = tpu.memref_slice %arg2[%multiple_of3A_98] : memref<320000xi32, #tpu.memory_space<hbm>> -> memref<640xi32, #tpu.memory_space<hbm>>
      tpu.wait_dma2 semaphore(%run_scoped3A : memref<!tpu.dma_semaphore, #tpu.memory_space<semaphore_mem>>) src(%dma_wait3A_329 : memref<640xi32, #tpu.memory_space<hbm>>) dst(%arg7 : memref<640xi32, #tpu.memory_space<vmem>>)
      tpu.yield
    }) : () -> ()
    %dma_start3A_99 = arith.constant 0 : i32
    %dma_start3A_100 = arith.constant 0 : i32
    %dma_start3A_101 = tpu.memref_slice %arg4[%dma_start3A_99, %dma_start3A_100] : memref<10240x64xf32, #tpu.memory_space<hbm>> -> memref<10240x64xf32, #tpu.memory_space<hbm>>
    tpu.enqueue_indirect_dma source(%dma_start3A_101 : memref<10240x64xf32, #tpu.memory_space<hbm>>) target(%arg11 : memref<640x64xf32, #tpu.memory_space<vmem>>) offsets(%arg7 : memref<640xi32, #tpu.memory_space<vmem>>) semaphore(%arg14 : memref<!tpu.dma_semaphore, #tpu.memory_space<semaphore_mem>>)
    %dma_start3A_102 = tpu.memref_slice %arg3[%multiple_of3A_93] : memref<320000xi32, #tpu.memory_space<hbm>> -> memref<640xi32, #tpu.memory_space<hbm>>
    %dma_start3A_103 = tpu.memref_slice %arg3[%multiple_of3A_93] : memref<320000xi32, #tpu.memory_space<hbm>> -> memref<640xi32, #tpu.memory_space<hbm>>
    tpu.enqueue_dma source(%dma_start3A_103 : memref<640xi32, #tpu.memory_space<hbm>>) target(%arg9 : memref<640xi32, #tpu.memory_space<vmem>>) target_semaphore(%arg16 : memref<!tpu.dma_semaphore, #tpu.memory_space<semaphore_mem>>)
    %dma_wait3A_104 = arith.constant 0 : i32
    %dma_wait3A_105 = arith.constant 0 : i32
    %dma_wait3A_106 = tpu.memref_slice %arg4[%dma_wait3A_104, %dma_wait3A_105] : memref<10240x64xf32, #tpu.memory_space<hbm>> -> memref<10240x64xf32, #tpu.memory_space<hbm>>
    tpu.wait_indirect_dma semaphore(%arg15 : memref<!tpu.dma_semaphore, #tpu.memory_space<semaphore_mem>>) src(%dma_wait3A_106 : memref<10240x64xf32, #tpu.memory_space<hbm>>) dst(%arg12 : memref<640x64xf32, #tpu.memory_space<vmem>>)
    %dma_wait3A_107 = tpu.memref_slice %arg3[%multiple_of3A_73] : memref<320000xi32, #tpu.memory_space<hbm>> -> memref<640xi32, #tpu.memory_space<hbm>>
    %dma_wait3A_108 = tpu.memref_slice %arg3[%multiple_of3A_73] : memref<320000xi32, #tpu.memory_space<hbm>> -> memref<640xi32, #tpu.memory_space<hbm>>
    tpu.wait_dma2 semaphore(%arg17 : memref<!tpu.dma_semaphore, #tpu.memory_space<semaphore_mem>>) src(%dma_wait3A_108 : memref<640xi32, #tpu.memory_space<hbm>>) dst(%arg10 : memref<640xi32, #tpu.memory_space<vmem>>)
    "tpu.region"() ({
      %run_scoped3A = tpu.sem_alloc : memref<!tpu.dma_semaphore, #tpu.memory_space<semaphore_mem>>
      %dma_start3A_326 = arith.constant 0 : i32
      %dma_start3A_327 = arith.constant 0 : i32
      %dma_start3A_328 = tpu.memref_slice %arg13[%dma_start3A_326, %dma_start3A_327] : memref<10240x64xf32, #tpu.memory_space<vmem_shared>> -> memref<10240x64xf32, #tpu.memory_space<vmem_shared>>
      tpu.enqueue_indirect_dma source(%arg12 : memref<640x64xf32, #tpu.memory_space<vmem>>) target(%dma_start3A_328 : memref<10240x64xf32, #tpu.memory_space<vmem_shared>>) offsets(%arg10 : memref<640xi32, #tpu.memory_space<vmem>>) semaphore(%run_scoped3A : memref<!tpu.dma_semaphore, #tpu.memory_space<semaphore_mem>>) {add = true}
      %dma_wait3A_329 = arith.constant 0 : i32
      %dma_wait3A_330 = arith.constant 0 : i32
      %dma_wait3A_331 = tpu.memref_slice %arg13[%dma_wait3A_329, %dma_wait3A_330] : memref<10240x64xf32, #tpu.memory_space<vmem_shared>> -> memref<10240x64xf32, #tpu.memory_space<vmem_shared>>
      tpu.wait_indirect_dma semaphore(%run_scoped3A : memref<!tpu.dma_semaphore, #tpu.memory_space<semaphore_mem>>) src(%arg12 : memref<640x64xf32, #tpu.memory_space<vmem>>) dst(%dma_wait3A_331 : memref<10240x64xf32, #tpu.memory_space<vmem_shared>>)
      tpu.yield
    }) : () -> ()
    %add3A_109 = arith.constant 5 : i32
    %add3A_110 = arith.addi %select_n3A, %add3A_109 : i32
    %mul3A_111 = arith.constant 640 : i32
    %mul3A_112 = arith.muli %add3A_110, %mul3A_111 : i32
    %multiple_of3A_113 = tpu.assume_multiple %mul3A_112, 8 : i32
    %add3A_114 = arith.constant 5 : i32
    %add3A_115 = arith.addi %select_n3A, %add3A_114 : i32
    %mul3A_116 = arith.constant 640 : i32
    %mul3A_117 = arith.muli %add3A_115, %mul3A_116 : i32
    %multiple_of3A_118 = tpu.assume_multiple %mul3A_117, 8 : i32
    "tpu.region"() ({
      %run_scoped3A = tpu.sem_alloc : memref<!tpu.dma_semaphore, #tpu.memory_space<semaphore_mem>>
      %dma_start3A_326 = tpu.memref_slice %arg2[%multiple_of3A_118] : memref<320000xi32, #tpu.memory_space<hbm>> -> memref<640xi32, #tpu.memory_space<hbm>>
      %dma_start3A_327 = tpu.memref_slice %arg2[%multiple_of3A_118] : memref<320000xi32, #tpu.memory_space<hbm>> -> memref<640xi32, #tpu.memory_space<hbm>>
      tpu.enqueue_dma source(%dma_start3A_327 : memref<640xi32, #tpu.memory_space<hbm>>) target(%arg8 : memref<640xi32, #tpu.memory_space<vmem>>) target_semaphore(%run_scoped3A : memref<!tpu.dma_semaphore, #tpu.memory_space<semaphore_mem>>)
      %dma_wait3A_328 = tpu.memref_slice %arg2[%multiple_of3A_118] : memref<320000xi32, #tpu.memory_space<hbm>> -> memref<640xi32, #tpu.memory_space<hbm>>
      %dma_wait3A_329 = tpu.memref_slice %arg2[%multiple_of3A_118] : memref<320000xi32, #tpu.memory_space<hbm>> -> memref<640xi32, #tpu.memory_space<hbm>>
      tpu.wait_dma2 semaphore(%run_scoped3A : memref<!tpu.dma_semaphore, #tpu.memory_space<semaphore_mem>>) src(%dma_wait3A_329 : memref<640xi32, #tpu.memory_space<hbm>>) dst(%arg8 : memref<640xi32, #tpu.memory_space<vmem>>)
      tpu.yield
    }) : () -> ()
    %dma_start3A_119 = arith.constant 0 : i32
    %dma_start3A_120 = arith.constant 0 : i32
    %dma_start3A_121 = tpu.memref_slice %arg4[%dma_start3A_119, %dma_start3A_120] : memref<10240x64xf32, #tpu.memory_space<hbm>> -> memref<10240x64xf32, #tpu.memory_space<hbm>>
    tpu.enqueue_indirect_dma source(%dma_start3A_121 : memref<10240x64xf32, #tpu.memory_space<hbm>>) target(%arg12 : memref<640x64xf32, #tpu.memory_space<vmem>>) offsets(%arg8 : memref<640xi32, #tpu.memory_space<vmem>>) semaphore(%arg15 : memref<!tpu.dma_semaphore, #tpu.memory_space<semaphore_mem>>)
    %dma_start3A_122 = tpu.memref_slice %arg3[%multiple_of3A_113] : memref<320000xi32, #tpu.memory_space<hbm>> -> memref<640xi32, #tpu.memory_space<hbm>>
    %dma_start3A_123 = tpu.memref_slice %arg3[%multiple_of3A_113] : memref<320000xi32, #tpu.memory_space<hbm>> -> memref<640xi32, #tpu.memory_space<hbm>>
    tpu.enqueue_dma source(%dma_start3A_123 : memref<640xi32, #tpu.memory_space<hbm>>) target(%arg10 : memref<640xi32, #tpu.memory_space<vmem>>) target_semaphore(%arg17 : memref<!tpu.dma_semaphore, #tpu.memory_space<semaphore_mem>>)
    %dma_wait3A_124 = arith.constant 0 : i32
    %dma_wait3A_125 = arith.constant 0 : i32
    %dma_wait3A_126 = tpu.memref_slice %arg4[%dma_wait3A_124, %dma_wait3A_125] : memref<10240x64xf32, #tpu.memory_space<hbm>> -> memref<10240x64xf32, #tpu.memory_space<hbm>>
    tpu.wait_indirect_dma semaphore(%arg14 : memref<!tpu.dma_semaphore, #tpu.memory_space<semaphore_mem>>) src(%dma_wait3A_126 : memref<10240x64xf32, #tpu.memory_space<hbm>>) dst(%arg11 : memref<640x64xf32, #tpu.memory_space<vmem>>)
    %dma_wait3A_127 = tpu.memref_slice %arg3[%multiple_of3A_93] : memref<320000xi32, #tpu.memory_space<hbm>> -> memref<640xi32, #tpu.memory_space<hbm>>
    %dma_wait3A_128 = tpu.memref_slice %arg3[%multiple_of3A_93] : memref<320000xi32, #tpu.memory_space<hbm>> -> memref<640xi32, #tpu.memory_space<hbm>>
    tpu.wait_dma2 semaphore(%arg16 : memref<!tpu.dma_semaphore, #tpu.memory_space<semaphore_mem>>) src(%dma_wait3A_128 : memref<640xi32, #tpu.memory_space<hbm>>) dst(%arg9 : memref<640xi32, #tpu.memory_space<vmem>>)
    "tpu.region"() ({
      %run_scoped3A = tpu.sem_alloc : memref<!tpu.dma_semaphore, #tpu.memory_space<semaphore_mem>>
      %dma_start3A_326 = arith.constant 0 : i32
      %dma_start3A_327 = arith.constant 0 : i32
      %dma_start3A_328 = tpu.memref_slice %arg13[%dma_start3A_326, %dma_start3A_327] : memref<10240x64xf32, #tpu.memory_space<vmem_shared>> -> memref<10240x64xf32, #tpu.memory_space<vmem_shared>>
      tpu.enqueue_indirect_dma source(%arg11 : memref<640x64xf32, #tpu.memory_space<vmem>>) target(%dma_start3A_328 : memref<10240x64xf32, #tpu.memory_space<vmem_shared>>) offsets(%arg9 : memref<640xi32, #tpu.memory_space<vmem>>) semaphore(%run_scoped3A : memref<!tpu.dma_semaphore, #tpu.memory_space<semaphore_mem>>) {add = true}
      %dma_wait3A_329 = arith.constant 0 : i32
      %dma_wait3A_330 = arith.constant 0 : i32
      %dma_wait3A_331 = tpu.memref_slice %arg13[%dma_wait3A_329, %dma_wait3A_330] : memref<10240x64xf32, #tpu.memory_space<vmem_shared>> -> memref<10240x64xf32, #tpu.memory_space<vmem_shared>>
      tpu.wait_indirect_dma semaphore(%run_scoped3A : memref<!tpu.dma_semaphore, #tpu.memory_space<semaphore_mem>>) src(%arg11 : memref<640x64xf32, #tpu.memory_space<vmem>>) dst(%dma_wait3A_331 : memref<10240x64xf32, #tpu.memory_space<vmem_shared>>)
      tpu.yield
    }) : () -> ()
    %add3A_129 = arith.constant 6 : i32
    %add3A_130 = arith.addi %select_n3A, %add3A_129 : i32
    %mul3A_131 = arith.constant 640 : i32
    %mul3A_132 = arith.muli %add3A_130, %mul3A_131 : i32
    %multiple_of3A_133 = tpu.assume_multiple %mul3A_132, 8 : i32
    %add3A_134 = arith.constant 6 : i32
    %add3A_135 = arith.addi %select_n3A, %add3A_134 : i32
    %mul3A_136 = arith.constant 640 : i32
    %mul3A_137 = arith.muli %add3A_135, %mul3A_136 : i32
    %multiple_of3A_138 = tpu.assume_multiple %mul3A_137, 8 : i32
    "tpu.region"() ({
      %run_scoped3A = tpu.sem_alloc : memref<!tpu.dma_semaphore, #tpu.memory_space<semaphore_mem>>
      %dma_start3A_326 = tpu.memref_slice %arg2[%multiple_of3A_138] : memref<320000xi32, #tpu.memory_space<hbm>> -> memref<640xi32, #tpu.memory_space<hbm>>
      %dma_start3A_327 = tpu.memref_slice %arg2[%multiple_of3A_138] : memref<320000xi32, #tpu.memory_space<hbm>> -> memref<640xi32, #tpu.memory_space<hbm>>
      tpu.enqueue_dma source(%dma_start3A_327 : memref<640xi32, #tpu.memory_space<hbm>>) target(%arg7 : memref<640xi32, #tpu.memory_space<vmem>>) target_semaphore(%run_scoped3A : memref<!tpu.dma_semaphore, #tpu.memory_space<semaphore_mem>>)
      %dma_wait3A_328 = tpu.memref_slice %arg2[%multiple_of3A_138] : memref<320000xi32, #tpu.memory_space<hbm>> -> memref<640xi32, #tpu.memory_space<hbm>>
      %dma_wait3A_329 = tpu.memref_slice %arg2[%multiple_of3A_138] : memref<320000xi32, #tpu.memory_space<hbm>> -> memref<640xi32, #tpu.memory_space<hbm>>
      tpu.wait_dma2 semaphore(%run_scoped3A : memref<!tpu.dma_semaphore, #tpu.memory_space<semaphore_mem>>) src(%dma_wait3A_329 : memref<640xi32, #tpu.memory_space<hbm>>) dst(%arg7 : memref<640xi32, #tpu.memory_space<vmem>>)
      tpu.yield
    }) : () -> ()
    %dma_start3A_139 = arith.constant 0 : i32
    %dma_start3A_140 = arith.constant 0 : i32
    %dma_start3A_141 = tpu.memref_slice %arg4[%dma_start3A_139, %dma_start3A_140] : memref<10240x64xf32, #tpu.memory_space<hbm>> -> memref<10240x64xf32, #tpu.memory_space<hbm>>
    tpu.enqueue_indirect_dma source(%dma_start3A_141 : memref<10240x64xf32, #tpu.memory_space<hbm>>) target(%arg11 : memref<640x64xf32, #tpu.memory_space<vmem>>) offsets(%arg7 : memref<640xi32, #tpu.memory_space<vmem>>) semaphore(%arg14 : memref<!tpu.dma_semaphore, #tpu.memory_space<semaphore_mem>>)
    %dma_start3A_142 = tpu.memref_slice %arg3[%multiple_of3A_133] : memref<320000xi32, #tpu.memory_space<hbm>> -> memref<640xi32, #tpu.memory_space<hbm>>
    %dma_start3A_143 = tpu.memref_slice %arg3[%multiple_of3A_133] : memref<320000xi32, #tpu.memory_space<hbm>> -> memref<640xi32, #tpu.memory_space<hbm>>
    tpu.enqueue_dma source(%dma_start3A_143 : memref<640xi32, #tpu.memory_space<hbm>>) target(%arg9 : memref<640xi32, #tpu.memory_space<vmem>>) target_semaphore(%arg16 : memref<!tpu.dma_semaphore, #tpu.memory_space<semaphore_mem>>)
    %dma_wait3A_144 = arith.constant 0 : i32
    %dma_wait3A_145 = arith.constant 0 : i32
    %dma_wait3A_146 = tpu.memref_slice %arg4[%dma_wait3A_144, %dma_wait3A_145] : memref<10240x64xf32, #tpu.memory_space<hbm>> -> memref<10240x64xf32, #tpu.memory_space<hbm>>
    tpu.wait_indirect_dma semaphore(%arg15 : memref<!tpu.dma_semaphore, #tpu.memory_space<semaphore_mem>>) src(%dma_wait3A_146 : memref<10240x64xf32, #tpu.memory_space<hbm>>) dst(%arg12 : memref<640x64xf32, #tpu.memory_space<vmem>>)
    %dma_wait3A_147 = tpu.memref_slice %arg3[%multiple_of3A_113] : memref<320000xi32, #tpu.memory_space<hbm>> -> memref<640xi32, #tpu.memory_space<hbm>>
    %dma_wait3A_148 = tpu.memref_slice %arg3[%multiple_of3A_113] : memref<320000xi32, #tpu.memory_space<hbm>> -> memref<640xi32, #tpu.memory_space<hbm>>
    tpu.wait_dma2 semaphore(%arg17 : memref<!tpu.dma_semaphore, #tpu.memory_space<semaphore_mem>>) src(%dma_wait3A_148 : memref<640xi32, #tpu.memory_space<hbm>>) dst(%arg10 : memref<640xi32, #tpu.memory_space<vmem>>)
    "tpu.region"() ({
      %run_scoped3A = tpu.sem_alloc : memref<!tpu.dma_semaphore, #tpu.memory_space<semaphore_mem>>
      %dma_start3A_326 = arith.constant 0 : i32
      %dma_start3A_327 = arith.constant 0 : i32
      %dma_start3A_328 = tpu.memref_slice %arg13[%dma_start3A_326, %dma_start3A_327] : memref<10240x64xf32, #tpu.memory_space<vmem_shared>> -> memref<10240x64xf32, #tpu.memory_space<vmem_shared>>
      tpu.enqueue_indirect_dma source(%arg12 : memref<640x64xf32, #tpu.memory_space<vmem>>) target(%dma_start3A_328 : memref<10240x64xf32, #tpu.memory_space<vmem_shared>>) offsets(%arg10 : memref<640xi32, #tpu.memory_space<vmem>>) semaphore(%run_scoped3A : memref<!tpu.dma_semaphore, #tpu.memory_space<semaphore_mem>>) {add = true}
      %dma_wait3A_329 = arith.constant 0 : i32
      %dma_wait3A_330 = arith.constant 0 : i32
      %dma_wait3A_331 = tpu.memref_slice %arg13[%dma_wait3A_329, %dma_wait3A_330] : memref<10240x64xf32, #tpu.memory_space<vmem_shared>> -> memref<10240x64xf32, #tpu.memory_space<vmem_shared>>
      tpu.wait_indirect_dma semaphore(%run_scoped3A : memref<!tpu.dma_semaphore, #tpu.memory_space<semaphore_mem>>) src(%arg12 : memref<640x64xf32, #tpu.memory_space<vmem>>) dst(%dma_wait3A_331 : memref<10240x64xf32, #tpu.memory_space<vmem_shared>>)
      tpu.yield
    }) : () -> ()
    %add3A_149 = arith.constant 7 : i32
    %add3A_150 = arith.addi %select_n3A, %add3A_149 : i32
    %mul3A_151 = arith.constant 640 : i32
    %mul3A_152 = arith.muli %add3A_150, %mul3A_151 : i32
    %multiple_of3A_153 = tpu.assume_multiple %mul3A_152, 8 : i32
    %add3A_154 = arith.constant 7 : i32
    %add3A_155 = arith.addi %select_n3A, %add3A_154 : i32
    %mul3A_156 = arith.constant 640 : i32
    %mul3A_157 = arith.muli %add3A_155, %mul3A_156 : i32
    %multiple_of3A_158 = tpu.assume_multiple %mul3A_157, 8 : i32
    "tpu.region"() ({
      %run_scoped3A = tpu.sem_alloc : memref<!tpu.dma_semaphore, #tpu.memory_space<semaphore_mem>>
      %dma_start3A_326 = tpu.memref_slice %arg2[%multiple_of3A_158] : memref<320000xi32, #tpu.memory_space<hbm>> -> memref<640xi32, #tpu.memory_space<hbm>>
      %dma_start3A_327 = tpu.memref_slice %arg2[%multiple_of3A_158] : memref<320000xi32, #tpu.memory_space<hbm>> -> memref<640xi32, #tpu.memory_space<hbm>>
      tpu.enqueue_dma source(%dma_start3A_327 : memref<640xi32, #tpu.memory_space<hbm>>) target(%arg8 : memref<640xi32, #tpu.memory_space<vmem>>) target_semaphore(%run_scoped3A : memref<!tpu.dma_semaphore, #tpu.memory_space<semaphore_mem>>)
      %dma_wait3A_328 = tpu.memref_slice %arg2[%multiple_of3A_158] : memref<320000xi32, #tpu.memory_space<hbm>> -> memref<640xi32, #tpu.memory_space<hbm>>
      %dma_wait3A_329 = tpu.memref_slice %arg2[%multiple_of3A_158] : memref<320000xi32, #tpu.memory_space<hbm>> -> memref<640xi32, #tpu.memory_space<hbm>>
      tpu.wait_dma2 semaphore(%run_scoped3A : memref<!tpu.dma_semaphore, #tpu.memory_space<semaphore_mem>>) src(%dma_wait3A_329 : memref<640xi32, #tpu.memory_space<hbm>>) dst(%arg8 : memref<640xi32, #tpu.memory_space<vmem>>)
      tpu.yield
    }) : () -> ()
    %dma_start3A_159 = arith.constant 0 : i32
    %dma_start3A_160 = arith.constant 0 : i32
    %dma_start3A_161 = tpu.memref_slice %arg4[%dma_start3A_159, %dma_start3A_160] : memref<10240x64xf32, #tpu.memory_space<hbm>> -> memref<10240x64xf32, #tpu.memory_space<hbm>>
    tpu.enqueue_indirect_dma source(%dma_start3A_161 : memref<10240x64xf32, #tpu.memory_space<hbm>>) target(%arg12 : memref<640x64xf32, #tpu.memory_space<vmem>>) offsets(%arg8 : memref<640xi32, #tpu.memory_space<vmem>>) semaphore(%arg15 : memref<!tpu.dma_semaphore, #tpu.memory_space<semaphore_mem>>)
    %dma_start3A_162 = tpu.memref_slice %arg3[%multiple_of3A_153] : memref<320000xi32, #tpu.memory_space<hbm>> -> memref<640xi32, #tpu.memory_space<hbm>>
    %dma_start3A_163 = tpu.memref_slice %arg3[%multiple_of3A_153] : memref<320000xi32, #tpu.memory_space<hbm>> -> memref<640xi32, #tpu.memory_space<hbm>>
    tpu.enqueue_dma source(%dma_start3A_163 : memref<640xi32, #tpu.memory_space<hbm>>) target(%arg10 : memref<640xi32, #tpu.memory_space<vmem>>) target_semaphore(%arg17 : memref<!tpu.dma_semaphore, #tpu.memory_space<semaphore_mem>>)
    %dma_wait3A_164 = arith.constant 0 : i32
    %dma_wait3A_165 = arith.constant 0 : i32
    %dma_wait3A_166 = tpu.memref_slice %arg4[%dma_wait3A_164, %dma_wait3A_165] : memref<10240x64xf32, #tpu.memory_space<hbm>> -> memref<10240x64xf32, #tpu.memory_space<hbm>>
    tpu.wait_indirect_dma semaphore(%arg14 : memref<!tpu.dma_semaphore, #tpu.memory_space<semaphore_mem>>) src(%dma_wait3A_166 : memref<10240x64xf32, #tpu.memory_space<hbm>>) dst(%arg11 : memref<640x64xf32, #tpu.memory_space<vmem>>)
    %dma_wait3A_167 = tpu.memref_slice %arg3[%multiple_of3A_133] : memref<320000xi32, #tpu.memory_space<hbm>> -> memref<640xi32, #tpu.memory_space<hbm>>
    %dma_wait3A_168 = tpu.memref_slice %arg3[%multiple_of3A_133] : memref<320000xi32, #tpu.memory_space<hbm>> -> memref<640xi32, #tpu.memory_space<hbm>>
    tpu.wait_dma2 semaphore(%arg16 : memref<!tpu.dma_semaphore, #tpu.memory_space<semaphore_mem>>) src(%dma_wait3A_168 : memref<640xi32, #tpu.memory_space<hbm>>) dst(%arg9 : memref<640xi32, #tpu.memory_space<vmem>>)
    "tpu.region"() ({
      %run_scoped3A = tpu.sem_alloc : memref<!tpu.dma_semaphore, #tpu.memory_space<semaphore_mem>>
      %dma_start3A_326 = arith.constant 0 : i32
      %dma_start3A_327 = arith.constant 0 : i32
      %dma_start3A_328 = tpu.memref_slice %arg13[%dma_start3A_326, %dma_start3A_327] : memref<10240x64xf32, #tpu.memory_space<vmem_shared>> -> memref<10240x64xf32, #tpu.memory_space<vmem_shared>>
      tpu.enqueue_indirect_dma source(%arg11 : memref<640x64xf32, #tpu.memory_space<vmem>>) target(%dma_start3A_328 : memref<10240x64xf32, #tpu.memory_space<vmem_shared>>) offsets(%arg9 : memref<640xi32, #tpu.memory_space<vmem>>) semaphore(%run_scoped3A : memref<!tpu.dma_semaphore, #tpu.memory_space<semaphore_mem>>) {add = true}
      %dma_wait3A_329 = arith.constant 0 : i32
      %dma_wait3A_330 = arith.constant 0 : i32
      %dma_wait3A_331 = tpu.memref_slice %arg13[%dma_wait3A_329, %dma_wait3A_330] : memref<10240x64xf32, #tpu.memory_space<vmem_shared>> -> memref<10240x64xf32, #tpu.memory_space<vmem_shared>>
      tpu.wait_indirect_dma semaphore(%run_scoped3A : memref<!tpu.dma_semaphore, #tpu.memory_space<semaphore_mem>>) src(%arg11 : memref<640x64xf32, #tpu.memory_space<vmem>>) dst(%dma_wait3A_331 : memref<10240x64xf32, #tpu.memory_space<vmem_shared>>)
      tpu.yield
    }) : () -> ()
    %add3A_169 = arith.constant 8 : i32
    %add3A_170 = arith.addi %select_n3A, %add3A_169 : i32
    %mul3A_171 = arith.constant 640 : i32
    %mul3A_172 = arith.muli %add3A_170, %mul3A_171 : i32
    %multiple_of3A_173 = tpu.assume_multiple %mul3A_172, 8 : i32
    %add3A_174 = arith.constant 8 : i32
    %add3A_175 = arith.addi %select_n3A, %add3A_174 : i32
    %mul3A_176 = arith.constant 640 : i32
    %mul3A_177 = arith.muli %add3A_175, %mul3A_176 : i32
    %multiple_of3A_178 = tpu.assume_multiple %mul3A_177, 8 : i32
    "tpu.region"() ({
      %run_scoped3A = tpu.sem_alloc : memref<!tpu.dma_semaphore, #tpu.memory_space<semaphore_mem>>
      %dma_start3A_326 = tpu.memref_slice %arg2[%multiple_of3A_178] : memref<320000xi32, #tpu.memory_space<hbm>> -> memref<640xi32, #tpu.memory_space<hbm>>
      %dma_start3A_327 = tpu.memref_slice %arg2[%multiple_of3A_178] : memref<320000xi32, #tpu.memory_space<hbm>> -> memref<640xi32, #tpu.memory_space<hbm>>
      tpu.enqueue_dma source(%dma_start3A_327 : memref<640xi32, #tpu.memory_space<hbm>>) target(%arg7 : memref<640xi32, #tpu.memory_space<vmem>>) target_semaphore(%run_scoped3A : memref<!tpu.dma_semaphore, #tpu.memory_space<semaphore_mem>>)
      %dma_wait3A_328 = tpu.memref_slice %arg2[%multiple_of3A_178] : memref<320000xi32, #tpu.memory_space<hbm>> -> memref<640xi32, #tpu.memory_space<hbm>>
      %dma_wait3A_329 = tpu.memref_slice %arg2[%multiple_of3A_178] : memref<320000xi32, #tpu.memory_space<hbm>> -> memref<640xi32, #tpu.memory_space<hbm>>
      tpu.wait_dma2 semaphore(%run_scoped3A : memref<!tpu.dma_semaphore, #tpu.memory_space<semaphore_mem>>) src(%dma_wait3A_329 : memref<640xi32, #tpu.memory_space<hbm>>) dst(%arg7 : memref<640xi32, #tpu.memory_space<vmem>>)
      tpu.yield
    }) : () -> ()
    %dma_start3A_179 = arith.constant 0 : i32
    %dma_start3A_180 = arith.constant 0 : i32
    %dma_start3A_181 = tpu.memref_slice %arg4[%dma_start3A_179, %dma_start3A_180] : memref<10240x64xf32, #tpu.memory_space<hbm>> -> memref<10240x64xf32, #tpu.memory_space<hbm>>
    tpu.enqueue_indirect_dma source(%dma_start3A_181 : memref<10240x64xf32, #tpu.memory_space<hbm>>) target(%arg11 : memref<640x64xf32, #tpu.memory_space<vmem>>) offsets(%arg7 : memref<640xi32, #tpu.memory_space<vmem>>) semaphore(%arg14 : memref<!tpu.dma_semaphore, #tpu.memory_space<semaphore_mem>>)
    %dma_start3A_182 = tpu.memref_slice %arg3[%multiple_of3A_173] : memref<320000xi32, #tpu.memory_space<hbm>> -> memref<640xi32, #tpu.memory_space<hbm>>
    %dma_start3A_183 = tpu.memref_slice %arg3[%multiple_of3A_173] : memref<320000xi32, #tpu.memory_space<hbm>> -> memref<640xi32, #tpu.memory_space<hbm>>
    tpu.enqueue_dma source(%dma_start3A_183 : memref<640xi32, #tpu.memory_space<hbm>>) target(%arg9 : memref<640xi32, #tpu.memory_space<vmem>>) target_semaphore(%arg16 : memref<!tpu.dma_semaphore, #tpu.memory_space<semaphore_mem>>)
    %dma_wait3A_184 = arith.constant 0 : i32
    %dma_wait3A_185 = arith.constant 0 : i32
    %dma_wait3A_186 = tpu.memref_slice %arg4[%dma_wait3A_184, %dma_wait3A_185] : memref<10240x64xf32, #tpu.memory_space<hbm>> -> memref<10240x64xf32, #tpu.memory_space<hbm>>
    tpu.wait_indirect_dma semaphore(%arg15 : memref<!tpu.dma_semaphore, #tpu.memory_space<semaphore_mem>>) src(%dma_wait3A_186 : memref<10240x64xf32, #tpu.memory_space<hbm>>) dst(%arg12 : memref<640x64xf32, #tpu.memory_space<vmem>>)
    %dma_wait3A_187 = tpu.memref_slice %arg3[%multiple_of3A_153] : memref<320000xi32, #tpu.memory_space<hbm>> -> memref<640xi32, #tpu.memory_space<hbm>>
    %dma_wait3A_188 = tpu.memref_slice %arg3[%multiple_of3A_153] : memref<320000xi32, #tpu.memory_space<hbm>> -> memref<640xi32, #tpu.memory_space<hbm>>
    tpu.wait_dma2 semaphore(%arg17 : memref<!tpu.dma_semaphore, #tpu.memory_space<semaphore_mem>>) src(%dma_wait3A_188 : memref<640xi32, #tpu.memory_space<hbm>>) dst(%arg10 : memref<640xi32, #tpu.memory_space<vmem>>)
    "tpu.region"() ({
      %run_scoped3A = tpu.sem_alloc : memref<!tpu.dma_semaphore, #tpu.memory_space<semaphore_mem>>
      %dma_start3A_326 = arith.constant 0 : i32
      %dma_start3A_327 = arith.constant 0 : i32
      %dma_start3A_328 = tpu.memref_slice %arg13[%dma_start3A_326, %dma_start3A_327] : memref<10240x64xf32, #tpu.memory_space<vmem_shared>> -> memref<10240x64xf32, #tpu.memory_space<vmem_shared>>
      tpu.enqueue_indirect_dma source(%arg12 : memref<640x64xf32, #tpu.memory_space<vmem>>) target(%dma_start3A_328 : memref<10240x64xf32, #tpu.memory_space<vmem_shared>>) offsets(%arg10 : memref<640xi32, #tpu.memory_space<vmem>>) semaphore(%run_scoped3A : memref<!tpu.dma_semaphore, #tpu.memory_space<semaphore_mem>>) {add = true}
      %dma_wait3A_329 = arith.constant 0 : i32
      %dma_wait3A_330 = arith.constant 0 : i32
      %dma_wait3A_331 = tpu.memref_slice %arg13[%dma_wait3A_329, %dma_wait3A_330] : memref<10240x64xf32, #tpu.memory_space<vmem_shared>> -> memref<10240x64xf32, #tpu.memory_space<vmem_shared>>
      tpu.wait_indirect_dma semaphore(%run_scoped3A : memref<!tpu.dma_semaphore, #tpu.memory_space<semaphore_mem>>) src(%arg12 : memref<640x64xf32, #tpu.memory_space<vmem>>) dst(%dma_wait3A_331 : memref<10240x64xf32, #tpu.memory_space<vmem_shared>>)
      tpu.yield
    }) : () -> ()
    %add3A_189 = arith.constant 9 : i32
    %add3A_190 = arith.addi %select_n3A, %add3A_189 : i32
    %mul3A_191 = arith.constant 640 : i32
    %mul3A_192 = arith.muli %add3A_190, %mul3A_191 : i32
    %multiple_of3A_193 = tpu.assume_multiple %mul3A_192, 8 : i32
    %add3A_194 = arith.constant 9 : i32
    %add3A_195 = arith.addi %select_n3A, %add3A_194 : i32
    %mul3A_196 = arith.constant 640 : i32
    %mul3A_197 = arith.muli %add3A_195, %mul3A_196 : i32
    %multiple_of3A_198 = tpu.assume_multiple %mul3A_197, 8 : i32
    "tpu.region"() ({
      %run_scoped3A = tpu.sem_alloc : memref<!tpu.dma_semaphore, #tpu.memory_space<semaphore_mem>>
      %dma_start3A_326 = tpu.memref_slice %arg2[%multiple_of3A_198] : memref<320000xi32, #tpu.memory_space<hbm>> -> memref<640xi32, #tpu.memory_space<hbm>>
      %dma_start3A_327 = tpu.memref_slice %arg2[%multiple_of3A_198] : memref<320000xi32, #tpu.memory_space<hbm>> -> memref<640xi32, #tpu.memory_space<hbm>>
      tpu.enqueue_dma source(%dma_start3A_327 : memref<640xi32, #tpu.memory_space<hbm>>) target(%arg8 : memref<640xi32, #tpu.memory_space<vmem>>) target_semaphore(%run_scoped3A : memref<!tpu.dma_semaphore, #tpu.memory_space<semaphore_mem>>)
      %dma_wait3A_328 = tpu.memref_slice %arg2[%multiple_of3A_198] : memref<320000xi32, #tpu.memory_space<hbm>> -> memref<640xi32, #tpu.memory_space<hbm>>
      %dma_wait3A_329 = tpu.memref_slice %arg2[%multiple_of3A_198] : memref<320000xi32, #tpu.memory_space<hbm>> -> memref<640xi32, #tpu.memory_space<hbm>>
      tpu.wait_dma2 semaphore(%run_scoped3A : memref<!tpu.dma_semaphore, #tpu.memory_space<semaphore_mem>>) src(%dma_wait3A_329 : memref<640xi32, #tpu.memory_space<hbm>>) dst(%arg8 : memref<640xi32, #tpu.memory_space<vmem>>)
      tpu.yield
    }) : () -> ()
    %dma_start3A_199 = arith.constant 0 : i32
    %dma_start3A_200 = arith.constant 0 : i32
    %dma_start3A_201 = tpu.memref_slice %arg4[%dma_start3A_199, %dma_start3A_200] : memref<10240x64xf32, #tpu.memory_space<hbm>> -> memref<10240x64xf32, #tpu.memory_space<hbm>>
    tpu.enqueue_indirect_dma source(%dma_start3A_201 : memref<10240x64xf32, #tpu.memory_space<hbm>>) target(%arg12 : memref<640x64xf32, #tpu.memory_space<vmem>>) offsets(%arg8 : memref<640xi32, #tpu.memory_space<vmem>>) semaphore(%arg15 : memref<!tpu.dma_semaphore, #tpu.memory_space<semaphore_mem>>)
    %dma_start3A_202 = tpu.memref_slice %arg3[%multiple_of3A_193] : memref<320000xi32, #tpu.memory_space<hbm>> -> memref<640xi32, #tpu.memory_space<hbm>>
    %dma_start3A_203 = tpu.memref_slice %arg3[%multiple_of3A_193] : memref<320000xi32, #tpu.memory_space<hbm>> -> memref<640xi32, #tpu.memory_space<hbm>>
    tpu.enqueue_dma source(%dma_start3A_203 : memref<640xi32, #tpu.memory_space<hbm>>) target(%arg10 : memref<640xi32, #tpu.memory_space<vmem>>) target_semaphore(%arg17 : memref<!tpu.dma_semaphore, #tpu.memory_space<semaphore_mem>>)
    %dma_wait3A_204 = arith.constant 0 : i32
    %dma_wait3A_205 = arith.constant 0 : i32
    %dma_wait3A_206 = tpu.memref_slice %arg4[%dma_wait3A_204, %dma_wait3A_205] : memref<10240x64xf32, #tpu.memory_space<hbm>> -> memref<10240x64xf32, #tpu.memory_space<hbm>>
    tpu.wait_indirect_dma semaphore(%arg14 : memref<!tpu.dma_semaphore, #tpu.memory_space<semaphore_mem>>) src(%dma_wait3A_206 : memref<10240x64xf32, #tpu.memory_space<hbm>>) dst(%arg11 : memref<640x64xf32, #tpu.memory_space<vmem>>)
    %dma_wait3A_207 = tpu.memref_slice %arg3[%multiple_of3A_173] : memref<320000xi32, #tpu.memory_space<hbm>> -> memref<640xi32, #tpu.memory_space<hbm>>
    %dma_wait3A_208 = tpu.memref_slice %arg3[%multiple_of3A_173] : memref<320000xi32, #tpu.memory_space<hbm>> -> memref<640xi32, #tpu.memory_space<hbm>>
    tpu.wait_dma2 semaphore(%arg16 : memref<!tpu.dma_semaphore, #tpu.memory_space<semaphore_mem>>) src(%dma_wait3A_208 : memref<640xi32, #tpu.memory_space<hbm>>) dst(%arg9 : memref<640xi32, #tpu.memory_space<vmem>>)
    "tpu.region"() ({
      %run_scoped3A = tpu.sem_alloc : memref<!tpu.dma_semaphore, #tpu.memory_space<semaphore_mem>>
      %dma_start3A_326 = arith.constant 0 : i32
      %dma_start3A_327 = arith.constant 0 : i32
      %dma_start3A_328 = tpu.memref_slice %arg13[%dma_start3A_326, %dma_start3A_327] : memref<10240x64xf32, #tpu.memory_space<vmem_shared>> -> memref<10240x64xf32, #tpu.memory_space<vmem_shared>>
      tpu.enqueue_indirect_dma source(%arg11 : memref<640x64xf32, #tpu.memory_space<vmem>>) target(%dma_start3A_328 : memref<10240x64xf32, #tpu.memory_space<vmem_shared>>) offsets(%arg9 : memref<640xi32, #tpu.memory_space<vmem>>) semaphore(%run_scoped3A : memref<!tpu.dma_semaphore, #tpu.memory_space<semaphore_mem>>) {add = true}
      %dma_wait3A_329 = arith.constant 0 : i32
      %dma_wait3A_330 = arith.constant 0 : i32
      %dma_wait3A_331 = tpu.memref_slice %arg13[%dma_wait3A_329, %dma_wait3A_330] : memref<10240x64xf32, #tpu.memory_space<vmem_shared>> -> memref<10240x64xf32, #tpu.memory_space<vmem_shared>>
      tpu.wait_indirect_dma semaphore(%run_scoped3A : memref<!tpu.dma_semaphore, #tpu.memory_space<semaphore_mem>>) src(%arg11 : memref<640x64xf32, #tpu.memory_space<vmem>>) dst(%dma_wait3A_331 : memref<10240x64xf32, #tpu.memory_space<vmem_shared>>)
      tpu.yield
    }) : () -> ()
    %add3A_209 = arith.constant 10 : i32
    %add3A_210 = arith.addi %select_n3A, %add3A_209 : i32
    %mul3A_211 = arith.constant 640 : i32
    %mul3A_212 = arith.muli %add3A_210, %mul3A_211 : i32
    %multiple_of3A_213 = tpu.assume_multiple %mul3A_212, 8 : i32
    %add3A_214 = arith.constant 10 : i32
    %add3A_215 = arith.addi %select_n3A, %add3A_214 : i32
    %mul3A_216 = arith.constant 640 : i32
    %mul3A_217 = arith.muli %add3A_215, %mul3A_216 : i32
    %multiple_of3A_218 = tpu.assume_multiple %mul3A_217, 8 : i32
    "tpu.region"() ({
      %run_scoped3A = tpu.sem_alloc : memref<!tpu.dma_semaphore, #tpu.memory_space<semaphore_mem>>
      %dma_start3A_326 = tpu.memref_slice %arg2[%multiple_of3A_218] : memref<320000xi32, #tpu.memory_space<hbm>> -> memref<640xi32, #tpu.memory_space<hbm>>
      %dma_start3A_327 = tpu.memref_slice %arg2[%multiple_of3A_218] : memref<320000xi32, #tpu.memory_space<hbm>> -> memref<640xi32, #tpu.memory_space<hbm>>
      tpu.enqueue_dma source(%dma_start3A_327 : memref<640xi32, #tpu.memory_space<hbm>>) target(%arg7 : memref<640xi32, #tpu.memory_space<vmem>>) target_semaphore(%run_scoped3A : memref<!tpu.dma_semaphore, #tpu.memory_space<semaphore_mem>>)
      %dma_wait3A_328 = tpu.memref_slice %arg2[%multiple_of3A_218] : memref<320000xi32, #tpu.memory_space<hbm>> -> memref<640xi32, #tpu.memory_space<hbm>>
      %dma_wait3A_329 = tpu.memref_slice %arg2[%multiple_of3A_218] : memref<320000xi32, #tpu.memory_space<hbm>> -> memref<640xi32, #tpu.memory_space<hbm>>
      tpu.wait_dma2 semaphore(%run_scoped3A : memref<!tpu.dma_semaphore, #tpu.memory_space<semaphore_mem>>) src(%dma_wait3A_329 : memref<640xi32, #tpu.memory_space<hbm>>) dst(%arg7 : memref<640xi32, #tpu.memory_space<vmem>>)
      tpu.yield
    }) : () -> ()
    %dma_start3A_219 = arith.constant 0 : i32
    %dma_start3A_220 = arith.constant 0 : i32
    %dma_start3A_221 = tpu.memref_slice %arg4[%dma_start3A_219, %dma_start3A_220] : memref<10240x64xf32, #tpu.memory_space<hbm>> -> memref<10240x64xf32, #tpu.memory_space<hbm>>
    tpu.enqueue_indirect_dma source(%dma_start3A_221 : memref<10240x64xf32, #tpu.memory_space<hbm>>) target(%arg11 : memref<640x64xf32, #tpu.memory_space<vmem>>) offsets(%arg7 : memref<640xi32, #tpu.memory_space<vmem>>) semaphore(%arg14 : memref<!tpu.dma_semaphore, #tpu.memory_space<semaphore_mem>>)
    %dma_start3A_222 = tpu.memref_slice %arg3[%multiple_of3A_213] : memref<320000xi32, #tpu.memory_space<hbm>> -> memref<640xi32, #tpu.memory_space<hbm>>
    %dma_start3A_223 = tpu.memref_slice %arg3[%multiple_of3A_213] : memref<320000xi32, #tpu.memory_space<hbm>> -> memref<640xi32, #tpu.memory_space<hbm>>
    tpu.enqueue_dma source(%dma_start3A_223 : memref<640xi32, #tpu.memory_space<hbm>>) target(%arg9 : memref<640xi32, #tpu.memory_space<vmem>>) target_semaphore(%arg16 : memref<!tpu.dma_semaphore, #tpu.memory_space<semaphore_mem>>)
    %dma_wait3A_224 = arith.constant 0 : i32
    %dma_wait3A_225 = arith.constant 0 : i32
    %dma_wait3A_226 = tpu.memref_slice %arg4[%dma_wait3A_224, %dma_wait3A_225] : memref<10240x64xf32, #tpu.memory_space<hbm>> -> memref<10240x64xf32, #tpu.memory_space<hbm>>
    tpu.wait_indirect_dma semaphore(%arg15 : memref<!tpu.dma_semaphore, #tpu.memory_space<semaphore_mem>>) src(%dma_wait3A_226 : memref<10240x64xf32, #tpu.memory_space<hbm>>) dst(%arg12 : memref<640x64xf32, #tpu.memory_space<vmem>>)
    %dma_wait3A_227 = tpu.memref_slice %arg3[%multiple_of3A_193] : memref<320000xi32, #tpu.memory_space<hbm>> -> memref<640xi32, #tpu.memory_space<hbm>>
    %dma_wait3A_228 = tpu.memref_slice %arg3[%multiple_of3A_193] : memref<320000xi32, #tpu.memory_space<hbm>> -> memref<640xi32, #tpu.memory_space<hbm>>
    tpu.wait_dma2 semaphore(%arg17 : memref<!tpu.dma_semaphore, #tpu.memory_space<semaphore_mem>>) src(%dma_wait3A_228 : memref<640xi32, #tpu.memory_space<hbm>>) dst(%arg10 : memref<640xi32, #tpu.memory_space<vmem>>)
    "tpu.region"() ({
      %run_scoped3A = tpu.sem_alloc : memref<!tpu.dma_semaphore, #tpu.memory_space<semaphore_mem>>
      %dma_start3A_326 = arith.constant 0 : i32
      %dma_start3A_327 = arith.constant 0 : i32
      %dma_start3A_328 = tpu.memref_slice %arg13[%dma_start3A_326, %dma_start3A_327] : memref<10240x64xf32, #tpu.memory_space<vmem_shared>> -> memref<10240x64xf32, #tpu.memory_space<vmem_shared>>
      tpu.enqueue_indirect_dma source(%arg12 : memref<640x64xf32, #tpu.memory_space<vmem>>) target(%dma_start3A_328 : memref<10240x64xf32, #tpu.memory_space<vmem_shared>>) offsets(%arg10 : memref<640xi32, #tpu.memory_space<vmem>>) semaphore(%run_scoped3A : memref<!tpu.dma_semaphore, #tpu.memory_space<semaphore_mem>>) {add = true}
      %dma_wait3A_329 = arith.constant 0 : i32
      %dma_wait3A_330 = arith.constant 0 : i32
      %dma_wait3A_331 = tpu.memref_slice %arg13[%dma_wait3A_329, %dma_wait3A_330] : memref<10240x64xf32, #tpu.memory_space<vmem_shared>> -> memref<10240x64xf32, #tpu.memory_space<vmem_shared>>
      tpu.wait_indirect_dma semaphore(%run_scoped3A : memref<!tpu.dma_semaphore, #tpu.memory_space<semaphore_mem>>) src(%arg12 : memref<640x64xf32, #tpu.memory_space<vmem>>) dst(%dma_wait3A_331 : memref<10240x64xf32, #tpu.memory_space<vmem_shared>>)
      tpu.yield
    }) : () -> ()
    %add3A_229 = arith.constant 11 : i32
    %add3A_230 = arith.addi %select_n3A, %add3A_229 : i32
    %mul3A_231 = arith.constant 640 : i32
    %mul3A_232 = arith.muli %add3A_230, %mul3A_231 : i32
    %multiple_of3A_233 = tpu.assume_multiple %mul3A_232, 8 : i32
    %add3A_234 = arith.constant 11 : i32
    %add3A_235 = arith.addi %select_n3A, %add3A_234 : i32
    %mul3A_236 = arith.constant 640 : i32
    %mul3A_237 = arith.muli %add3A_235, %mul3A_236 : i32
    %multiple_of3A_238 = tpu.assume_multiple %mul3A_237, 8 : i32
    "tpu.region"() ({
      %run_scoped3A = tpu.sem_alloc : memref<!tpu.dma_semaphore, #tpu.memory_space<semaphore_mem>>
      %dma_start3A_326 = tpu.memref_slice %arg2[%multiple_of3A_238] : memref<320000xi32, #tpu.memory_space<hbm>> -> memref<640xi32, #tpu.memory_space<hbm>>
      %dma_start3A_327 = tpu.memref_slice %arg2[%multiple_of3A_238] : memref<320000xi32, #tpu.memory_space<hbm>> -> memref<640xi32, #tpu.memory_space<hbm>>
      tpu.enqueue_dma source(%dma_start3A_327 : memref<640xi32, #tpu.memory_space<hbm>>) target(%arg8 : memref<640xi32, #tpu.memory_space<vmem>>) target_semaphore(%run_scoped3A : memref<!tpu.dma_semaphore, #tpu.memory_space<semaphore_mem>>)
      %dma_wait3A_328 = tpu.memref_slice %arg2[%multiple_of3A_238] : memref<320000xi32, #tpu.memory_space<hbm>> -> memref<640xi32, #tpu.memory_space<hbm>>
      %dma_wait3A_329 = tpu.memref_slice %arg2[%multiple_of3A_238] : memref<320000xi32, #tpu.memory_space<hbm>> -> memref<640xi32, #tpu.memory_space<hbm>>
      tpu.wait_dma2 semaphore(%run_scoped3A : memref<!tpu.dma_semaphore, #tpu.memory_space<semaphore_mem>>) src(%dma_wait3A_329 : memref<640xi32, #tpu.memory_space<hbm>>) dst(%arg8 : memref<640xi32, #tpu.memory_space<vmem>>)
      tpu.yield
    }) : () -> ()
    %dma_start3A_239 = arith.constant 0 : i32
    %dma_start3A_240 = arith.constant 0 : i32
    %dma_start3A_241 = tpu.memref_slice %arg4[%dma_start3A_239, %dma_start3A_240] : memref<10240x64xf32, #tpu.memory_space<hbm>> -> memref<10240x64xf32, #tpu.memory_space<hbm>>
    tpu.enqueue_indirect_dma source(%dma_start3A_241 : memref<10240x64xf32, #tpu.memory_space<hbm>>) target(%arg12 : memref<640x64xf32, #tpu.memory_space<vmem>>) offsets(%arg8 : memref<640xi32, #tpu.memory_space<vmem>>) semaphore(%arg15 : memref<!tpu.dma_semaphore, #tpu.memory_space<semaphore_mem>>)
    %dma_start3A_242 = tpu.memref_slice %arg3[%multiple_of3A_233] : memref<320000xi32, #tpu.memory_space<hbm>> -> memref<640xi32, #tpu.memory_space<hbm>>
    %dma_start3A_243 = tpu.memref_slice %arg3[%multiple_of3A_233] : memref<320000xi32, #tpu.memory_space<hbm>> -> memref<640xi32, #tpu.memory_space<hbm>>
    tpu.enqueue_dma source(%dma_start3A_243 : memref<640xi32, #tpu.memory_space<hbm>>) target(%arg10 : memref<640xi32, #tpu.memory_space<vmem>>) target_semaphore(%arg17 : memref<!tpu.dma_semaphore, #tpu.memory_space<semaphore_mem>>)
    %dma_wait3A_244 = arith.constant 0 : i32
    %dma_wait3A_245 = arith.constant 0 : i32
    %dma_wait3A_246 = tpu.memref_slice %arg4[%dma_wait3A_244, %dma_wait3A_245] : memref<10240x64xf32, #tpu.memory_space<hbm>> -> memref<10240x64xf32, #tpu.memory_space<hbm>>
    tpu.wait_indirect_dma semaphore(%arg14 : memref<!tpu.dma_semaphore, #tpu.memory_space<semaphore_mem>>) src(%dma_wait3A_246 : memref<10240x64xf32, #tpu.memory_space<hbm>>) dst(%arg11 : memref<640x64xf32, #tpu.memory_space<vmem>>)
    %dma_wait3A_247 = tpu.memref_slice %arg3[%multiple_of3A_213] : memref<320000xi32, #tpu.memory_space<hbm>> -> memref<640xi32, #tpu.memory_space<hbm>>
    %dma_wait3A_248 = tpu.memref_slice %arg3[%multiple_of3A_213] : memref<320000xi32, #tpu.memory_space<hbm>> -> memref<640xi32, #tpu.memory_space<hbm>>
    tpu.wait_dma2 semaphore(%arg16 : memref<!tpu.dma_semaphore, #tpu.memory_space<semaphore_mem>>) src(%dma_wait3A_248 : memref<640xi32, #tpu.memory_space<hbm>>) dst(%arg9 : memref<640xi32, #tpu.memory_space<vmem>>)
    "tpu.region"() ({
      %run_scoped3A = tpu.sem_alloc : memref<!tpu.dma_semaphore, #tpu.memory_space<semaphore_mem>>
      %dma_start3A_326 = arith.constant 0 : i32
      %dma_start3A_327 = arith.constant 0 : i32
      %dma_start3A_328 = tpu.memref_slice %arg13[%dma_start3A_326, %dma_start3A_327] : memref<10240x64xf32, #tpu.memory_space<vmem_shared>> -> memref<10240x64xf32, #tpu.memory_space<vmem_shared>>
      tpu.enqueue_indirect_dma source(%arg11 : memref<640x64xf32, #tpu.memory_space<vmem>>) target(%dma_start3A_328 : memref<10240x64xf32, #tpu.memory_space<vmem_shared>>) offsets(%arg9 : memref<640xi32, #tpu.memory_space<vmem>>) semaphore(%run_scoped3A : memref<!tpu.dma_semaphore, #tpu.memory_space<semaphore_mem>>) {add = true}
      %dma_wait3A_329 = arith.constant 0 : i32
      %dma_wait3A_330 = arith.constant 0 : i32
      %dma_wait3A_331 = tpu.memref_slice %arg13[%dma_wait3A_329, %dma_wait3A_330] : memref<10240x64xf32, #tpu.memory_space<vmem_shared>> -> memref<10240x64xf32, #tpu.memory_space<vmem_shared>>
      tpu.wait_indirect_dma semaphore(%run_scoped3A : memref<!tpu.dma_semaphore, #tpu.memory_space<semaphore_mem>>) src(%arg11 : memref<640x64xf32, #tpu.memory_space<vmem>>) dst(%dma_wait3A_331 : memref<10240x64xf32, #tpu.memory_space<vmem_shared>>)
      tpu.yield
    }) : () -> ()
    %add3A_249 = arith.constant 12 : i32
    %add3A_250 = arith.addi %select_n3A, %add3A_249 : i32
    %mul3A_251 = arith.constant 640 : i32
    %mul3A_252 = arith.muli %add3A_250, %mul3A_251 : i32
    %multiple_of3A_253 = tpu.assume_multiple %mul3A_252, 8 : i32
    %add3A_254 = arith.constant 12 : i32
    %add3A_255 = arith.addi %select_n3A, %add3A_254 : i32
    %mul3A_256 = arith.constant 640 : i32
    %mul3A_257 = arith.muli %add3A_255, %mul3A_256 : i32
    %multiple_of3A_258 = tpu.assume_multiple %mul3A_257, 8 : i32
    "tpu.region"() ({
      %run_scoped3A = tpu.sem_alloc : memref<!tpu.dma_semaphore, #tpu.memory_space<semaphore_mem>>
      %dma_start3A_326 = tpu.memref_slice %arg2[%multiple_of3A_258] : memref<320000xi32, #tpu.memory_space<hbm>> -> memref<640xi32, #tpu.memory_space<hbm>>
      %dma_start3A_327 = tpu.memref_slice %arg2[%multiple_of3A_258] : memref<320000xi32, #tpu.memory_space<hbm>> -> memref<640xi32, #tpu.memory_space<hbm>>
      tpu.enqueue_dma source(%dma_start3A_327 : memref<640xi32, #tpu.memory_space<hbm>>) target(%arg7 : memref<640xi32, #tpu.memory_space<vmem>>) target_semaphore(%run_scoped3A : memref<!tpu.dma_semaphore, #tpu.memory_space<semaphore_mem>>)
      %dma_wait3A_328 = tpu.memref_slice %arg2[%multiple_of3A_258] : memref<320000xi32, #tpu.memory_space<hbm>> -> memref<640xi32, #tpu.memory_space<hbm>>
      %dma_wait3A_329 = tpu.memref_slice %arg2[%multiple_of3A_258] : memref<320000xi32, #tpu.memory_space<hbm>> -> memref<640xi32, #tpu.memory_space<hbm>>
      tpu.wait_dma2 semaphore(%run_scoped3A : memref<!tpu.dma_semaphore, #tpu.memory_space<semaphore_mem>>) src(%dma_wait3A_329 : memref<640xi32, #tpu.memory_space<hbm>>) dst(%arg7 : memref<640xi32, #tpu.memory_space<vmem>>)
      tpu.yield
    }) : () -> ()
    %dma_start3A_259 = arith.constant 0 : i32
    %dma_start3A_260 = arith.constant 0 : i32
    %dma_start3A_261 = tpu.memref_slice %arg4[%dma_start3A_259, %dma_start3A_260] : memref<10240x64xf32, #tpu.memory_space<hbm>> -> memref<10240x64xf32, #tpu.memory_space<hbm>>
    tpu.enqueue_indirect_dma source(%dma_start3A_261 : memref<10240x64xf32, #tpu.memory_space<hbm>>) target(%arg11 : memref<640x64xf32, #tpu.memory_space<vmem>>) offsets(%arg7 : memref<640xi32, #tpu.memory_space<vmem>>) semaphore(%arg14 : memref<!tpu.dma_semaphore, #tpu.memory_space<semaphore_mem>>)
    %dma_start3A_262 = tpu.memref_slice %arg3[%multiple_of3A_253] : memref<320000xi32, #tpu.memory_space<hbm>> -> memref<640xi32, #tpu.memory_space<hbm>>
    %dma_start3A_263 = tpu.memref_slice %arg3[%multiple_of3A_253] : memref<320000xi32, #tpu.memory_space<hbm>> -> memref<640xi32, #tpu.memory_space<hbm>>
    tpu.enqueue_dma source(%dma_start3A_263 : memref<640xi32, #tpu.memory_space<hbm>>) target(%arg9 : memref<640xi32, #tpu.memory_space<vmem>>) target_semaphore(%arg16 : memref<!tpu.dma_semaphore, #tpu.memory_space<semaphore_mem>>)
    %dma_wait3A_264 = arith.constant 0 : i32
    %dma_wait3A_265 = arith.constant 0 : i32
    %dma_wait3A_266 = tpu.memref_slice %arg4[%dma_wait3A_264, %dma_wait3A_265] : memref<10240x64xf32, #tpu.memory_space<hbm>> -> memref<10240x64xf32, #tpu.memory_space<hbm>>
    tpu.wait_indirect_dma semaphore(%arg15 : memref<!tpu.dma_semaphore, #tpu.memory_space<semaphore_mem>>) src(%dma_wait3A_266 : memref<10240x64xf32, #tpu.memory_space<hbm>>) dst(%arg12 : memref<640x64xf32, #tpu.memory_space<vmem>>)
    %dma_wait3A_267 = tpu.memref_slice %arg3[%multiple_of3A_233] : memref<320000xi32, #tpu.memory_space<hbm>> -> memref<640xi32, #tpu.memory_space<hbm>>
    %dma_wait3A_268 = tpu.memref_slice %arg3[%multiple_of3A_233] : memref<320000xi32, #tpu.memory_space<hbm>> -> memref<640xi32, #tpu.memory_space<hbm>>
    tpu.wait_dma2 semaphore(%arg17 : memref<!tpu.dma_semaphore, #tpu.memory_space<semaphore_mem>>) src(%dma_wait3A_268 : memref<640xi32, #tpu.memory_space<hbm>>) dst(%arg10 : memref<640xi32, #tpu.memory_space<vmem>>)
    "tpu.region"() ({
      %run_scoped3A = tpu.sem_alloc : memref<!tpu.dma_semaphore, #tpu.memory_space<semaphore_mem>>
      %dma_start3A_326 = arith.constant 0 : i32
      %dma_start3A_327 = arith.constant 0 : i32
      %dma_start3A_328 = tpu.memref_slice %arg13[%dma_start3A_326, %dma_start3A_327] : memref<10240x64xf32, #tpu.memory_space<vmem_shared>> -> memref<10240x64xf32, #tpu.memory_space<vmem_shared>>
      tpu.enqueue_indirect_dma source(%arg12 : memref<640x64xf32, #tpu.memory_space<vmem>>) target(%dma_start3A_328 : memref<10240x64xf32, #tpu.memory_space<vmem_shared>>) offsets(%arg10 : memref<640xi32, #tpu.memory_space<vmem>>) semaphore(%run_scoped3A : memref<!tpu.dma_semaphore, #tpu.memory_space<semaphore_mem>>) {add = true}
      %dma_wait3A_329 = arith.constant 0 : i32
      %dma_wait3A_330 = arith.constant 0 : i32
      %dma_wait3A_331 = tpu.memref_slice %arg13[%dma_wait3A_329, %dma_wait3A_330] : memref<10240x64xf32, #tpu.memory_space<vmem_shared>> -> memref<10240x64xf32, #tpu.memory_space<vmem_shared>>
      tpu.wait_indirect_dma semaphore(%run_scoped3A : memref<!tpu.dma_semaphore, #tpu.memory_space<semaphore_mem>>) src(%arg12 : memref<640x64xf32, #tpu.memory_space<vmem>>) dst(%dma_wait3A_331 : memref<10240x64xf32, #tpu.memory_space<vmem_shared>>)
      tpu.yield
    }) : () -> ()
    %add3A_269 = arith.constant 13 : i32
    %add3A_270 = arith.addi %select_n3A, %add3A_269 : i32
    %mul3A_271 = arith.constant 640 : i32
    %mul3A_272 = arith.muli %add3A_270, %mul3A_271 : i32
    %multiple_of3A_273 = tpu.assume_multiple %mul3A_272, 8 : i32
    %add3A_274 = arith.constant 13 : i32
    %add3A_275 = arith.addi %select_n3A, %add3A_274 : i32
    %mul3A_276 = arith.constant 640 : i32
    %mul3A_277 = arith.muli %add3A_275, %mul3A_276 : i32
    %multiple_of3A_278 = tpu.assume_multiple %mul3A_277, 8 : i32
    "tpu.region"() ({
      %run_scoped3A = tpu.sem_alloc : memref<!tpu.dma_semaphore, #tpu.memory_space<semaphore_mem>>
      %dma_start3A_326 = tpu.memref_slice %arg2[%multiple_of3A_278] : memref<320000xi32, #tpu.memory_space<hbm>> -> memref<640xi32, #tpu.memory_space<hbm>>
      %dma_start3A_327 = tpu.memref_slice %arg2[%multiple_of3A_278] : memref<320000xi32, #tpu.memory_space<hbm>> -> memref<640xi32, #tpu.memory_space<hbm>>
      tpu.enqueue_dma source(%dma_start3A_327 : memref<640xi32, #tpu.memory_space<hbm>>) target(%arg8 : memref<640xi32, #tpu.memory_space<vmem>>) target_semaphore(%run_scoped3A : memref<!tpu.dma_semaphore, #tpu.memory_space<semaphore_mem>>)
      %dma_wait3A_328 = tpu.memref_slice %arg2[%multiple_of3A_278] : memref<320000xi32, #tpu.memory_space<hbm>> -> memref<640xi32, #tpu.memory_space<hbm>>
      %dma_wait3A_329 = tpu.memref_slice %arg2[%multiple_of3A_278] : memref<320000xi32, #tpu.memory_space<hbm>> -> memref<640xi32, #tpu.memory_space<hbm>>
      tpu.wait_dma2 semaphore(%run_scoped3A : memref<!tpu.dma_semaphore, #tpu.memory_space<semaphore_mem>>) src(%dma_wait3A_329 : memref<640xi32, #tpu.memory_space<hbm>>) dst(%arg8 : memref<640xi32, #tpu.memory_space<vmem>>)
      tpu.yield
    }) : () -> ()
    %dma_start3A_279 = arith.constant 0 : i32
    %dma_start3A_280 = arith.constant 0 : i32
    %dma_start3A_281 = tpu.memref_slice %arg4[%dma_start3A_279, %dma_start3A_280] : memref<10240x64xf32, #tpu.memory_space<hbm>> -> memref<10240x64xf32, #tpu.memory_space<hbm>>
    tpu.enqueue_indirect_dma source(%dma_start3A_281 : memref<10240x64xf32, #tpu.memory_space<hbm>>) target(%arg12 : memref<640x64xf32, #tpu.memory_space<vmem>>) offsets(%arg8 : memref<640xi32, #tpu.memory_space<vmem>>) semaphore(%arg15 : memref<!tpu.dma_semaphore, #tpu.memory_space<semaphore_mem>>)
    %dma_start3A_282 = tpu.memref_slice %arg3[%multiple_of3A_273] : memref<320000xi32, #tpu.memory_space<hbm>> -> memref<640xi32, #tpu.memory_space<hbm>>
    %dma_start3A_283 = tpu.memref_slice %arg3[%multiple_of3A_273] : memref<320000xi32, #tpu.memory_space<hbm>> -> memref<640xi32, #tpu.memory_space<hbm>>
    tpu.enqueue_dma source(%dma_start3A_283 : memref<640xi32, #tpu.memory_space<hbm>>) target(%arg10 : memref<640xi32, #tpu.memory_space<vmem>>) target_semaphore(%arg17 : memref<!tpu.dma_semaphore, #tpu.memory_space<semaphore_mem>>)
    %dma_wait3A_284 = arith.constant 0 : i32
    %dma_wait3A_285 = arith.constant 0 : i32
    %dma_wait3A_286 = tpu.memref_slice %arg4[%dma_wait3A_284, %dma_wait3A_285] : memref<10240x64xf32, #tpu.memory_space<hbm>> -> memref<10240x64xf32, #tpu.memory_space<hbm>>
    tpu.wait_indirect_dma semaphore(%arg14 : memref<!tpu.dma_semaphore, #tpu.memory_space<semaphore_mem>>) src(%dma_wait3A_286 : memref<10240x64xf32, #tpu.memory_space<hbm>>) dst(%arg11 : memref<640x64xf32, #tpu.memory_space<vmem>>)
    %dma_wait3A_287 = tpu.memref_slice %arg3[%multiple_of3A_253] : memref<320000xi32, #tpu.memory_space<hbm>> -> memref<640xi32, #tpu.memory_space<hbm>>
    %dma_wait3A_288 = tpu.memref_slice %arg3[%multiple_of3A_253] : memref<320000xi32, #tpu.memory_space<hbm>> -> memref<640xi32, #tpu.memory_space<hbm>>
    tpu.wait_dma2 semaphore(%arg16 : memref<!tpu.dma_semaphore, #tpu.memory_space<semaphore_mem>>) src(%dma_wait3A_288 : memref<640xi32, #tpu.memory_space<hbm>>) dst(%arg9 : memref<640xi32, #tpu.memory_space<vmem>>)
    "tpu.region"() ({
      %run_scoped3A = tpu.sem_alloc : memref<!tpu.dma_semaphore, #tpu.memory_space<semaphore_mem>>
      %dma_start3A_326 = arith.constant 0 : i32
      %dma_start3A_327 = arith.constant 0 : i32
      %dma_start3A_328 = tpu.memref_slice %arg13[%dma_start3A_326, %dma_start3A_327] : memref<10240x64xf32, #tpu.memory_space<vmem_shared>> -> memref<10240x64xf32, #tpu.memory_space<vmem_shared>>
      tpu.enqueue_indirect_dma source(%arg11 : memref<640x64xf32, #tpu.memory_space<vmem>>) target(%dma_start3A_328 : memref<10240x64xf32, #tpu.memory_space<vmem_shared>>) offsets(%arg9 : memref<640xi32, #tpu.memory_space<vmem>>) semaphore(%run_scoped3A : memref<!tpu.dma_semaphore, #tpu.memory_space<semaphore_mem>>) {add = true}
      %dma_wait3A_329 = arith.constant 0 : i32
      %dma_wait3A_330 = arith.constant 0 : i32
      %dma_wait3A_331 = tpu.memref_slice %arg13[%dma_wait3A_329, %dma_wait3A_330] : memref<10240x64xf32, #tpu.memory_space<vmem_shared>> -> memref<10240x64xf32, #tpu.memory_space<vmem_shared>>
      tpu.wait_indirect_dma semaphore(%run_scoped3A : memref<!tpu.dma_semaphore, #tpu.memory_space<semaphore_mem>>) src(%arg11 : memref<640x64xf32, #tpu.memory_space<vmem>>) dst(%dma_wait3A_331 : memref<10240x64xf32, #tpu.memory_space<vmem_shared>>)
      tpu.yield
    }) : () -> ()
    %add3A_289 = arith.constant 14 : i32
    %add3A_290 = arith.addi %select_n3A, %add3A_289 : i32
    %mul3A_291 = arith.constant 640 : i32
    %mul3A_292 = arith.muli %add3A_290, %mul3A_291 : i32
    %multiple_of3A_293 = tpu.assume_multiple %mul3A_292, 8 : i32
    %add3A_294 = arith.constant 14 : i32
    %add3A_295 = arith.addi %select_n3A, %add3A_294 : i32
    %mul3A_296 = arith.constant 640 : i32
    %mul3A_297 = arith.muli %add3A_295, %mul3A_296 : i32
    %multiple_of3A_298 = tpu.assume_multiple %mul3A_297, 8 : i32
    "tpu.region"() ({
      %run_scoped3A = tpu.sem_alloc : memref<!tpu.dma_semaphore, #tpu.memory_space<semaphore_mem>>
      %dma_start3A_326 = tpu.memref_slice %arg2[%multiple_of3A_298] : memref<320000xi32, #tpu.memory_space<hbm>> -> memref<640xi32, #tpu.memory_space<hbm>>
      %dma_start3A_327 = tpu.memref_slice %arg2[%multiple_of3A_298] : memref<320000xi32, #tpu.memory_space<hbm>> -> memref<640xi32, #tpu.memory_space<hbm>>
      tpu.enqueue_dma source(%dma_start3A_327 : memref<640xi32, #tpu.memory_space<hbm>>) target(%arg7 : memref<640xi32, #tpu.memory_space<vmem>>) target_semaphore(%run_scoped3A : memref<!tpu.dma_semaphore, #tpu.memory_space<semaphore_mem>>)
      %dma_wait3A_328 = tpu.memref_slice %arg2[%multiple_of3A_298] : memref<320000xi32, #tpu.memory_space<hbm>> -> memref<640xi32, #tpu.memory_space<hbm>>
      %dma_wait3A_329 = tpu.memref_slice %arg2[%multiple_of3A_298] : memref<320000xi32, #tpu.memory_space<hbm>> -> memref<640xi32, #tpu.memory_space<hbm>>
      tpu.wait_dma2 semaphore(%run_scoped3A : memref<!tpu.dma_semaphore, #tpu.memory_space<semaphore_mem>>) src(%dma_wait3A_329 : memref<640xi32, #tpu.memory_space<hbm>>) dst(%arg7 : memref<640xi32, #tpu.memory_space<vmem>>)
      tpu.yield
    }) : () -> ()
    %dma_start3A_299 = arith.constant 0 : i32
    %dma_start3A_300 = arith.constant 0 : i32
    %dma_start3A_301 = tpu.memref_slice %arg4[%dma_start3A_299, %dma_start3A_300] : memref<10240x64xf32, #tpu.memory_space<hbm>> -> memref<10240x64xf32, #tpu.memory_space<hbm>>
    tpu.enqueue_indirect_dma source(%dma_start3A_301 : memref<10240x64xf32, #tpu.memory_space<hbm>>) target(%arg11 : memref<640x64xf32, #tpu.memory_space<vmem>>) offsets(%arg7 : memref<640xi32, #tpu.memory_space<vmem>>) semaphore(%arg14 : memref<!tpu.dma_semaphore, #tpu.memory_space<semaphore_mem>>)
    %dma_start3A_302 = tpu.memref_slice %arg3[%multiple_of3A_293] : memref<320000xi32, #tpu.memory_space<hbm>> -> memref<640xi32, #tpu.memory_space<hbm>>
    %dma_start3A_303 = tpu.memref_slice %arg3[%multiple_of3A_293] : memref<320000xi32, #tpu.memory_space<hbm>> -> memref<640xi32, #tpu.memory_space<hbm>>
    tpu.enqueue_dma source(%dma_start3A_303 : memref<640xi32, #tpu.memory_space<hbm>>) target(%arg9 : memref<640xi32, #tpu.memory_space<vmem>>) target_semaphore(%arg16 : memref<!tpu.dma_semaphore, #tpu.memory_space<semaphore_mem>>)
    %dma_wait3A_304 = arith.constant 0 : i32
    %dma_wait3A_305 = arith.constant 0 : i32
    %dma_wait3A_306 = tpu.memref_slice %arg4[%dma_wait3A_304, %dma_wait3A_305] : memref<10240x64xf32, #tpu.memory_space<hbm>> -> memref<10240x64xf32, #tpu.memory_space<hbm>>
    tpu.wait_indirect_dma semaphore(%arg15 : memref<!tpu.dma_semaphore, #tpu.memory_space<semaphore_mem>>) src(%dma_wait3A_306 : memref<10240x64xf32, #tpu.memory_space<hbm>>) dst(%arg12 : memref<640x64xf32, #tpu.memory_space<vmem>>)
    %dma_wait3A_307 = tpu.memref_slice %arg3[%multiple_of3A_273] : memref<320000xi32, #tpu.memory_space<hbm>> -> memref<640xi32, #tpu.memory_space<hbm>>
    %dma_wait3A_308 = tpu.memref_slice %arg3[%multiple_of3A_273] : memref<320000xi32, #tpu.memory_space<hbm>> -> memref<640xi32, #tpu.memory_space<hbm>>
    tpu.wait_dma2 semaphore(%arg17 : memref<!tpu.dma_semaphore, #tpu.memory_space<semaphore_mem>>) src(%dma_wait3A_308 : memref<640xi32, #tpu.memory_space<hbm>>) dst(%arg10 : memref<640xi32, #tpu.memory_space<vmem>>)
    "tpu.region"() ({
      %run_scoped3A = tpu.sem_alloc : memref<!tpu.dma_semaphore, #tpu.memory_space<semaphore_mem>>
      %dma_start3A_326 = arith.constant 0 : i32
      %dma_start3A_327 = arith.constant 0 : i32
      %dma_start3A_328 = tpu.memref_slice %arg13[%dma_start3A_326, %dma_start3A_327] : memref<10240x64xf32, #tpu.memory_space<vmem_shared>> -> memref<10240x64xf32, #tpu.memory_space<vmem_shared>>
      tpu.enqueue_indirect_dma source(%arg12 : memref<640x64xf32, #tpu.memory_space<vmem>>) target(%dma_start3A_328 : memref<10240x64xf32, #tpu.memory_space<vmem_shared>>) offsets(%arg10 : memref<640xi32, #tpu.memory_space<vmem>>) semaphore(%run_scoped3A : memref<!tpu.dma_semaphore, #tpu.memory_space<semaphore_mem>>) {add = true}
      %dma_wait3A_329 = arith.constant 0 : i32
      %dma_wait3A_330 = arith.constant 0 : i32
      %dma_wait3A_331 = tpu.memref_slice %arg13[%dma_wait3A_329, %dma_wait3A_330] : memref<10240x64xf32, #tpu.memory_space<vmem_shared>> -> memref<10240x64xf32, #tpu.memory_space<vmem_shared>>
      tpu.wait_indirect_dma semaphore(%run_scoped3A : memref<!tpu.dma_semaphore, #tpu.memory_space<semaphore_mem>>) src(%arg12 : memref<640x64xf32, #tpu.memory_space<vmem>>) dst(%dma_wait3A_331 : memref<10240x64xf32, #tpu.memory_space<vmem_shared>>)
      tpu.yield
    }) : () -> ()
    %add3A_309 = arith.constant 15 : i32
    %add3A_310 = arith.addi %select_n3A, %add3A_309 : i32
    %mul3A_311 = arith.constant 640 : i32
    %mul3A_312 = arith.muli %add3A_310, %mul3A_311 : i32
    %multiple_of3A_313 = tpu.assume_multiple %mul3A_312, 8 : i32
    %convert_element_type3A_314 = arith.extui %lt3A_3 : i1 to i32
    %cond3A_315 = arith.constant 0 : i32
    %cond3A_316 = arith.cmpi ne, %convert_element_type3A_314, %cond3A_315 : i32
    scf.if %cond3A_316 {
      %add3A_326 = arith.constant 15 : i32
      %add3A_327 = arith.addi %select_n3A, %add3A_326 : i32
      %mul3A_328 = arith.constant 640 : i32
      %mul3A_329 = arith.muli %add3A_327, %mul3A_328 : i32
      %multiple_of3A_330 = tpu.assume_multiple %mul3A_329, 8 : i32
      "tpu.region"() ({
        %run_scoped3A = tpu.sem_alloc : memref<!tpu.dma_semaphore, #tpu.memory_space<semaphore_mem>>
        %dma_start3A_336 = tpu.memref_slice %arg2[%multiple_of3A_330] : memref<320000xi32, #tpu.memory_space<hbm>> -> memref<640xi32, #tpu.memory_space<hbm>>
        %dma_start3A_337 = tpu.memref_slice %arg2[%multiple_of3A_330] : memref<320000xi32, #tpu.memory_space<hbm>> -> memref<640xi32, #tpu.memory_space<hbm>>
        tpu.enqueue_dma source(%dma_start3A_337 : memref<640xi32, #tpu.memory_space<hbm>>) target(%arg8 : memref<640xi32, #tpu.memory_space<vmem>>) target_semaphore(%run_scoped3A : memref<!tpu.dma_semaphore, #tpu.memory_space<semaphore_mem>>)
        %dma_wait3A_338 = tpu.memref_slice %arg2[%multiple_of3A_330] : memref<320000xi32, #tpu.memory_space<hbm>> -> memref<640xi32, #tpu.memory_space<hbm>>
        %dma_wait3A_339 = tpu.memref_slice %arg2[%multiple_of3A_330] : memref<320000xi32, #tpu.memory_space<hbm>> -> memref<640xi32, #tpu.memory_space<hbm>>
        tpu.wait_dma2 semaphore(%run_scoped3A : memref<!tpu.dma_semaphore, #tpu.memory_space<semaphore_mem>>) src(%dma_wait3A_339 : memref<640xi32, #tpu.memory_space<hbm>>) dst(%arg8 : memref<640xi32, #tpu.memory_space<vmem>>)
        tpu.yield
      }) : () -> ()
      %dma_start3A_331 = arith.constant 0 : i32
      %dma_start3A_332 = arith.constant 0 : i32
      %dma_start3A_333 = tpu.memref_slice %arg4[%dma_start3A_331, %dma_start3A_332] : memref<10240x64xf32, #tpu.memory_space<hbm>> -> memref<10240x64xf32, #tpu.memory_space<hbm>>
      tpu.enqueue_indirect_dma source(%dma_start3A_333 : memref<10240x64xf32, #tpu.memory_space<hbm>>) target(%arg12 : memref<640x64xf32, #tpu.memory_space<vmem>>) offsets(%arg8 : memref<640xi32, #tpu.memory_space<vmem>>) semaphore(%arg15 : memref<!tpu.dma_semaphore, #tpu.memory_space<semaphore_mem>>)
      %dma_start3A_334 = tpu.memref_slice %arg3[%multiple_of3A_313] : memref<320000xi32, #tpu.memory_space<hbm>> -> memref<640xi32, #tpu.memory_space<hbm>>
      %dma_start3A_335 = tpu.memref_slice %arg3[%multiple_of3A_313] : memref<320000xi32, #tpu.memory_space<hbm>> -> memref<640xi32, #tpu.memory_space<hbm>>
      tpu.enqueue_dma source(%dma_start3A_335 : memref<640xi32, #tpu.memory_space<hbm>>) target(%arg10 : memref<640xi32, #tpu.memory_space<vmem>>) target_semaphore(%arg17 : memref<!tpu.dma_semaphore, #tpu.memory_space<semaphore_mem>>)
    } else {
    }
    %dma_wait3A_317 = arith.constant 0 : i32
    %dma_wait3A_318 = arith.constant 0 : i32
    %dma_wait3A_319 = tpu.memref_slice %arg4[%dma_wait3A_317, %dma_wait3A_318] : memref<10240x64xf32, #tpu.memory_space<hbm>> -> memref<10240x64xf32, #tpu.memory_space<hbm>>
    tpu.wait_indirect_dma semaphore(%arg14 : memref<!tpu.dma_semaphore, #tpu.memory_space<semaphore_mem>>) src(%dma_wait3A_319 : memref<10240x64xf32, #tpu.memory_space<hbm>>) dst(%arg11 : memref<640x64xf32, #tpu.memory_space<vmem>>)
    %dma_wait3A_320 = tpu.memref_slice %arg3[%multiple_of3A_293] : memref<320000xi32, #tpu.memory_space<hbm>> -> memref<640xi32, #tpu.memory_space<hbm>>
    %dma_wait3A_321 = tpu.memref_slice %arg3[%multiple_of3A_293] : memref<320000xi32, #tpu.memory_space<hbm>> -> memref<640xi32, #tpu.memory_space<hbm>>
    tpu.wait_dma2 semaphore(%arg16 : memref<!tpu.dma_semaphore, #tpu.memory_space<semaphore_mem>>) src(%dma_wait3A_321 : memref<640xi32, #tpu.memory_space<hbm>>) dst(%arg9 : memref<640xi32, #tpu.memory_space<vmem>>)
    "tpu.region"() ({
      %run_scoped3A = tpu.sem_alloc : memref<!tpu.dma_semaphore, #tpu.memory_space<semaphore_mem>>
      %dma_start3A_326 = arith.constant 0 : i32
      %dma_start3A_327 = arith.constant 0 : i32
      %dma_start3A_328 = tpu.memref_slice %arg13[%dma_start3A_326, %dma_start3A_327] : memref<10240x64xf32, #tpu.memory_space<vmem_shared>> -> memref<10240x64xf32, #tpu.memory_space<vmem_shared>>
      tpu.enqueue_indirect_dma source(%arg11 : memref<640x64xf32, #tpu.memory_space<vmem>>) target(%dma_start3A_328 : memref<10240x64xf32, #tpu.memory_space<vmem_shared>>) offsets(%arg9 : memref<640xi32, #tpu.memory_space<vmem>>) semaphore(%run_scoped3A : memref<!tpu.dma_semaphore, #tpu.memory_space<semaphore_mem>>) {add = true}
      %dma_wait3A_329 = arith.constant 0 : i32
      %dma_wait3A_330 = arith.constant 0 : i32
      %dma_wait3A_331 = tpu.memref_slice %arg13[%dma_wait3A_329, %dma_wait3A_330] : memref<10240x64xf32, #tpu.memory_space<vmem_shared>> -> memref<10240x64xf32, #tpu.memory_space<vmem_shared>>
      tpu.wait_indirect_dma semaphore(%run_scoped3A : memref<!tpu.dma_semaphore, #tpu.memory_space<semaphore_mem>>) src(%arg11 : memref<640x64xf32, #tpu.memory_space<vmem>>) dst(%dma_wait3A_331 : memref<10240x64xf32, #tpu.memory_space<vmem_shared>>)
      tpu.yield
    }) : () -> ()
    %convert_element_type3A_322 = arith.extui %lt3A_3 : i1 to i32
    %cond3A_323 = arith.constant 0 : i32
    %cond3A_324 = arith.cmpi ne, %convert_element_type3A_322, %cond3A_323 : i32
    scf.if %cond3A_324 {
      %dma_wait3A_326 = arith.constant 0 : i32
      %dma_wait3A_327 = arith.constant 0 : i32
      %dma_wait3A_328 = tpu.memref_slice %arg4[%dma_wait3A_326, %dma_wait3A_327] : memref<10240x64xf32, #tpu.memory_space<hbm>> -> memref<10240x64xf32, #tpu.memory_space<hbm>>
      tpu.wait_indirect_dma semaphore(%arg15 : memref<!tpu.dma_semaphore, #tpu.memory_space<semaphore_mem>>) src(%dma_wait3A_328 : memref<10240x64xf32, #tpu.memory_space<hbm>>) dst(%arg12 : memref<640x64xf32, #tpu.memory_space<vmem>>)
      %dma_wait3A_329 = tpu.memref_slice %arg3[%multiple_of3A_313] : memref<320000xi32, #tpu.memory_space<hbm>> -> memref<640xi32, #tpu.memory_space<hbm>>
      %dma_wait3A_330 = tpu.memref_slice %arg3[%multiple_of3A_313] : memref<320000xi32, #tpu.memory_space<hbm>> -> memref<640xi32, #tpu.memory_space<hbm>>
      tpu.wait_dma2 semaphore(%arg17 : memref<!tpu.dma_semaphore, #tpu.memory_space<semaphore_mem>>) src(%dma_wait3A_330 : memref<640xi32, #tpu.memory_space<hbm>>) dst(%arg10 : memref<640xi32, #tpu.memory_space<vmem>>)
      "tpu.region"() ({
        %run_scoped3A = tpu.sem_alloc : memref<!tpu.dma_semaphore, #tpu.memory_space<semaphore_mem>>
        %dma_start3A_331 = arith.constant 0 : i32
        %dma_start3A_332 = arith.constant 0 : i32
        %dma_start3A_333 = tpu.memref_slice %arg13[%dma_start3A_331, %dma_start3A_332] : memref<10240x64xf32, #tpu.memory_space<vmem_shared>> -> memref<10240x64xf32, #tpu.memory_space<vmem_shared>>
        tpu.enqueue_indirect_dma source(%arg12 : memref<640x64xf32, #tpu.memory_space<vmem>>) target(%dma_start3A_333 : memref<10240x64xf32, #tpu.memory_space<vmem_shared>>) offsets(%arg10 : memref<640xi32, #tpu.memory_space<vmem>>) semaphore(%run_scoped3A : memref<!tpu.dma_semaphore, #tpu.memory_space<semaphore_mem>>) {add = true}
        %dma_wait3A_334 = arith.constant 0 : i32
        %dma_wait3A_335 = arith.constant 0 : i32
        %dma_wait3A_336 = tpu.memref_slice %arg13[%dma_wait3A_334, %dma_wait3A_335] : memref<10240x64xf32, #tpu.memory_space<vmem_shared>> -> memref<10240x64xf32, #tpu.memory_space<vmem_shared>>
        tpu.wait_indirect_dma semaphore(%run_scoped3A : memref<!tpu.dma_semaphore, #tpu.memory_space<semaphore_mem>>) src(%arg12 : memref<640x64xf32, #tpu.memory_space<vmem>>) dst(%dma_wait3A_336 : memref<10240x64xf32, #tpu.memory_space<vmem_shared>>)
        tpu.yield
      }) : () -> ()
    } else {
    }
    %barrier3A_325 = arith.constant 0 : index
    tpu.barrier barrier_id(%barrier3A_325)
    "tpu.region"() ({
      %run_scoped3A = tpu.sem_alloc : memref<!tpu.dma_semaphore, #tpu.memory_space<semaphore_mem>>
      %dma_start3A_326 = arith.constant 0 : i32
      %dma_start3A_327 = tpu.memref_slice %arg6[%arg0, %mul3A_2, %dma_start3A_326] : memref<2x10240x64xf32, #tpu.memory_space<hbm>> -> memref<1x640x64xf32, #tpu.memory_space<hbm>>
      %dma_start3A_328 = tpu.memref_squeeze %dma_start3A_327 : memref<1x640x64xf32, #tpu.memory_space<hbm>> -> memref<640x64xf32, #tpu.memory_space<hbm>>
      %dma_start3A_329 = arith.constant 0 : i32
      %dma_start3A_330 = tpu.memref_slice %arg13[%mul3A_2, %dma_start3A_329] : memref<10240x64xf32, #tpu.memory_space<vmem_shared>> -> memref<640x64xf32, #tpu.memory_space<vmem_shared>>
      tpu.enqueue_dma source(%dma_start3A_330 : memref<640x64xf32, #tpu.memory_space<vmem_shared>>) target(%dma_start3A_328 : memref<640x64xf32, #tpu.memory_space<hbm>>) target_semaphore(%run_scoped3A : memref<!tpu.dma_semaphore, #tpu.memory_space<semaphore_mem>>)
      %dma_wait3A_331 = arith.constant 0 : i32
      %dma_wait3A_332 = tpu.memref_slice %arg6[%arg0, %mul3A_2, %dma_wait3A_331] : memref<2x10240x64xf32, #tpu.memory_space<hbm>> -> memref<1x640x64xf32, #tpu.memory_space<hbm>>
      %dma_wait3A_333 = tpu.memref_squeeze %dma_wait3A_332 : memref<1x640x64xf32, #tpu.memory_space<hbm>> -> memref<640x64xf32, #tpu.memory_space<hbm>>
      %dma_wait3A_334 = arith.constant 0 : i32
      %dma_wait3A_335 = tpu.memref_slice %arg13[%mul3A_2, %dma_wait3A_334] : memref<10240x64xf32, #tpu.memory_space<vmem_shared>> -> memref<640x64xf32, #tpu.memory_space<vmem_shared>>
      tpu.wait_dma2 semaphore(%run_scoped3A : memref<!tpu.dma_semaphore, #tpu.memory_space<semaphore_mem>>) src(%dma_wait3A_335 : memref<640x64xf32, #tpu.memory_space<vmem_shared>>) dst(%dma_wait3A_333 : memref<640x64xf32, #tpu.memory_space<hbm>>)
      tpu.yield
    }) : () -> ()
    return
  }
}

#map = affine_map<(d0, d1) -> (0)>
#map1 = affine_map<(d0, d1) -> (0, 0)>
#map2 = affine_map<(d0, d1) -> (0, 0, 0)>
module attributes {stable_mosaic.version = 14 : i64} {
  func.func @agg_kernel(%arg0: i32, %arg1: i32, %arg2: memref<320000xi32, #tpu.memory_space<hbm>>, %arg3: memref<320000xi32, #tpu.memory_space<hbm>>, %arg4: memref<10240x8xf32, #tpu.memory_space<hbm>>, %arg5: memref<10240x8xf32, #tpu.memory_space<hbm>>, %arg6: memref<2x10240x8xf32, #tpu.memory_space<hbm>>, %arg7: memref<2000xi32, #tpu.memory_space<vmem>>, %arg8: memref<2000xi32, #tpu.memory_space<vmem>>, %arg9: memref<2000xi32, #tpu.memory_space<vmem>>, %arg10: memref<2000xi32, #tpu.memory_space<vmem>>, %arg11: memref<2000x8xf32, #tpu.memory_space<vmem>>, %arg12: memref<2000x8xf32, #tpu.memory_space<vmem>>, %arg13: memref<10240x8xf32, #tpu.memory_space<vmem_shared>>, %arg14: memref<!tpu.dma_semaphore, #tpu.memory_space<semaphore_mem>>, %arg15: memref<!tpu.dma_semaphore, #tpu.memory_space<semaphore_mem>>, %arg16: memref<!tpu.dma_semaphore, #tpu.memory_space<semaphore_mem>>, %arg17: memref<!tpu.dma_semaphore, #tpu.memory_space<semaphore_mem>>) attributes {dimension_semantics = [#tpu.dimension_semantics<core_parallel>, #tpu.dimension_semantics<subcore_parallel>], iteration_bounds = array<i64: 2, 16>, scalar_prefetch = 0 : i64, scratch_operands = 11 : i64, tpu.core_type = #tpu.core_type<sc_vector_subcore>, window_params = [{transform_indices = #map}, {transform_indices = #map}, {transform_indices = #map1}, {transform_indices = #map1}, {transform_indices = #map2}]} {
    %mul3A = arith.constant 2 : i32
    %mul3A_0 = arith.muli %arg1, %mul3A : i32
    %add3A = arith.addi %mul3A_0, %arg0 : i32
    %mul3A_1 = arith.constant 640 : i32
    %mul3A_2 = arith.muli %arg1, %mul3A_1 : i32
    %lt3A = arith.constant 0 : i32
    %lt3A_3 = arith.cmpi slt, %add3A, %lt3A : i32
    %mul3A_4 = arith.constant 5 : i32
    %mul3A_5 = arith.muli %add3A, %mul3A_4 : i32
    %sub3A = arith.constant 0 : i32
    %sub3A_6 = arith.subi %add3A, %sub3A : i32
    %mul3A_7 = arith.constant 5 : i32
    %mul3A_8 = arith.muli %sub3A_6, %mul3A_7 : i32
    %add3A_9 = arith.constant 0 : i32
    %add3A_10 = arith.addi %add3A_9, %mul3A_8 : i32
    %select_n3A = arith.select %lt3A_3, %mul3A_5, %add3A_10 : i32
    %eq3A = arith.constant 0 : i32
    %eq3A_11 = arith.cmpi eq, %arg0, %eq3A : i32
    %convert_element_type3A = arith.extui %eq3A_11 : i1 to i32
    %cond3A = arith.constant 0 : i32
    %cond3A_12 = arith.cmpi ne, %convert_element_type3A, %cond3A : i32
    scf.if %cond3A_12 {
      "tpu.region"() ({
        %run_scoped3A = tpu.sem_alloc : memref<!tpu.dma_semaphore, #tpu.memory_space<semaphore_mem>>
        %dma_start3A_115 = arith.constant 0 : i32
        %dma_start3A_116 = tpu.memref_slice %arg13[%mul3A_2, %dma_start3A_115] : memref<10240x8xf32, #tpu.memory_space<vmem_shared>> -> memref<640x8xf32, #tpu.memory_space<vmem_shared>>
        %dma_start3A_117 = arith.constant 0 : i32
        %dma_start3A_118 = tpu.memref_slice %arg4[%mul3A_2, %dma_start3A_117] : memref<10240x8xf32, #tpu.memory_space<hbm>> -> memref<640x8xf32, #tpu.memory_space<hbm>>
        tpu.enqueue_dma source(%dma_start3A_118 : memref<640x8xf32, #tpu.memory_space<hbm>>) target(%dma_start3A_116 : memref<640x8xf32, #tpu.memory_space<vmem_shared>>) target_semaphore(%run_scoped3A : memref<!tpu.dma_semaphore, #tpu.memory_space<semaphore_mem>>)
        %dma_wait3A_119 = arith.constant 0 : i32
        %dma_wait3A_120 = tpu.memref_slice %arg13[%mul3A_2, %dma_wait3A_119] : memref<10240x8xf32, #tpu.memory_space<vmem_shared>> -> memref<640x8xf32, #tpu.memory_space<vmem_shared>>
        %dma_wait3A_121 = arith.constant 0 : i32
        %dma_wait3A_122 = tpu.memref_slice %arg4[%mul3A_2, %dma_wait3A_121] : memref<10240x8xf32, #tpu.memory_space<hbm>> -> memref<640x8xf32, #tpu.memory_space<hbm>>
        tpu.wait_dma2 semaphore(%run_scoped3A : memref<!tpu.dma_semaphore, #tpu.memory_space<semaphore_mem>>) src(%dma_wait3A_122 : memref<640x8xf32, #tpu.memory_space<hbm>>) dst(%dma_wait3A_120 : memref<640x8xf32, #tpu.memory_space<vmem_shared>>)
        tpu.yield
      }) : () -> ()
    } else {
    }
    %ne3A = arith.constant 0 : i32
    %ne3A_13 = arith.cmpi ne, %arg0, %ne3A : i32
    %convert_element_type3A_14 = arith.extui %ne3A_13 : i1 to i32
    %cond3A_15 = arith.constant 0 : i32
    %cond3A_16 = arith.cmpi ne, %convert_element_type3A_14, %cond3A_15 : i32
    scf.if %cond3A_16 {
      "tpu.region"() ({
        %run_scoped3A = tpu.sem_alloc : memref<!tpu.dma_semaphore, #tpu.memory_space<semaphore_mem>>
        %dma_start3A_115 = arith.constant 0 : i32
        %dma_start3A_116 = tpu.memref_slice %arg13[%mul3A_2, %dma_start3A_115] : memref<10240x8xf32, #tpu.memory_space<vmem_shared>> -> memref<640x8xf32, #tpu.memory_space<vmem_shared>>
        %dma_start3A_117 = arith.constant 0 : i32
        %dma_start3A_118 = tpu.memref_slice %arg5[%mul3A_2, %dma_start3A_117] : memref<10240x8xf32, #tpu.memory_space<hbm>> -> memref<640x8xf32, #tpu.memory_space<hbm>>
        tpu.enqueue_dma source(%dma_start3A_118 : memref<640x8xf32, #tpu.memory_space<hbm>>) target(%dma_start3A_116 : memref<640x8xf32, #tpu.memory_space<vmem_shared>>) target_semaphore(%run_scoped3A : memref<!tpu.dma_semaphore, #tpu.memory_space<semaphore_mem>>)
        %dma_wait3A_119 = arith.constant 0 : i32
        %dma_wait3A_120 = tpu.memref_slice %arg13[%mul3A_2, %dma_wait3A_119] : memref<10240x8xf32, #tpu.memory_space<vmem_shared>> -> memref<640x8xf32, #tpu.memory_space<vmem_shared>>
        %dma_wait3A_121 = arith.constant 0 : i32
        %dma_wait3A_122 = tpu.memref_slice %arg5[%mul3A_2, %dma_wait3A_121] : memref<10240x8xf32, #tpu.memory_space<hbm>> -> memref<640x8xf32, #tpu.memory_space<hbm>>
        tpu.wait_dma2 semaphore(%run_scoped3A : memref<!tpu.dma_semaphore, #tpu.memory_space<semaphore_mem>>) src(%dma_wait3A_122 : memref<640x8xf32, #tpu.memory_space<hbm>>) dst(%dma_wait3A_120 : memref<640x8xf32, #tpu.memory_space<vmem_shared>>)
        tpu.yield
      }) : () -> ()
    } else {
    }
    %add3A_17 = arith.constant 0 : i32
    %add3A_18 = arith.addi %select_n3A, %add3A_17 : i32
    %mul3A_19 = arith.constant 2000 : i32
    %mul3A_20 = arith.muli %add3A_18, %mul3A_19 : i32
    %multiple_of3A = tpu.assume_multiple %mul3A_20, 8 : i32
    %add3A_21 = arith.constant 0 : i32
    %add3A_22 = arith.addi %select_n3A, %add3A_21 : i32
    %mul3A_23 = arith.constant 2000 : i32
    %mul3A_24 = arith.muli %add3A_22, %mul3A_23 : i32
    %multiple_of3A_25 = tpu.assume_multiple %mul3A_24, 8 : i32
    "tpu.region"() ({
      %run_scoped3A = tpu.sem_alloc : memref<!tpu.dma_semaphore, #tpu.memory_space<semaphore_mem>>
      %dma_start3A_115 = tpu.memref_slice %arg2[%multiple_of3A_25] : memref<320000xi32, #tpu.memory_space<hbm>> -> memref<2000xi32, #tpu.memory_space<hbm>>
      %dma_start3A_116 = tpu.memref_slice %arg2[%multiple_of3A_25] : memref<320000xi32, #tpu.memory_space<hbm>> -> memref<2000xi32, #tpu.memory_space<hbm>>
      tpu.enqueue_dma source(%dma_start3A_116 : memref<2000xi32, #tpu.memory_space<hbm>>) target(%arg7 : memref<2000xi32, #tpu.memory_space<vmem>>) target_semaphore(%run_scoped3A : memref<!tpu.dma_semaphore, #tpu.memory_space<semaphore_mem>>)
      %dma_wait3A_117 = tpu.memref_slice %arg2[%multiple_of3A_25] : memref<320000xi32, #tpu.memory_space<hbm>> -> memref<2000xi32, #tpu.memory_space<hbm>>
      %dma_wait3A_118 = tpu.memref_slice %arg2[%multiple_of3A_25] : memref<320000xi32, #tpu.memory_space<hbm>> -> memref<2000xi32, #tpu.memory_space<hbm>>
      tpu.wait_dma2 semaphore(%run_scoped3A : memref<!tpu.dma_semaphore, #tpu.memory_space<semaphore_mem>>) src(%dma_wait3A_118 : memref<2000xi32, #tpu.memory_space<hbm>>) dst(%arg7 : memref<2000xi32, #tpu.memory_space<vmem>>)
      tpu.yield
    }) : () -> ()
    %dma_start3A = arith.constant 0 : i32
    %dma_start3A_26 = arith.constant 0 : i32
    %dma_start3A_27 = tpu.memref_slice %arg4[%dma_start3A, %dma_start3A_26] : memref<10240x8xf32, #tpu.memory_space<hbm>> -> memref<10240x8xf32, #tpu.memory_space<hbm>>
    tpu.enqueue_indirect_dma source(%dma_start3A_27 : memref<10240x8xf32, #tpu.memory_space<hbm>>) target(%arg11 : memref<2000x8xf32, #tpu.memory_space<vmem>>) offsets(%arg7 : memref<2000xi32, #tpu.memory_space<vmem>>) semaphore(%arg14 : memref<!tpu.dma_semaphore, #tpu.memory_space<semaphore_mem>>)
    %dma_start3A_28 = tpu.memref_slice %arg3[%multiple_of3A] : memref<320000xi32, #tpu.memory_space<hbm>> -> memref<2000xi32, #tpu.memory_space<hbm>>
    %dma_start3A_29 = tpu.memref_slice %arg3[%multiple_of3A] : memref<320000xi32, #tpu.memory_space<hbm>> -> memref<2000xi32, #tpu.memory_space<hbm>>
    tpu.enqueue_dma source(%dma_start3A_29 : memref<2000xi32, #tpu.memory_space<hbm>>) target(%arg9 : memref<2000xi32, #tpu.memory_space<vmem>>) target_semaphore(%arg16 : memref<!tpu.dma_semaphore, #tpu.memory_space<semaphore_mem>>)
    %barrier3A = arith.constant 0 : index
    tpu.barrier barrier_id(%barrier3A)
    %add3A_30 = arith.constant 1 : i32
    %add3A_31 = arith.addi %select_n3A, %add3A_30 : i32
    %mul3A_32 = arith.constant 2000 : i32
    %mul3A_33 = arith.muli %add3A_31, %mul3A_32 : i32
    %multiple_of3A_34 = tpu.assume_multiple %mul3A_33, 8 : i32
    %add3A_35 = arith.constant 1 : i32
    %add3A_36 = arith.addi %select_n3A, %add3A_35 : i32
    %mul3A_37 = arith.constant 2000 : i32
    %mul3A_38 = arith.muli %add3A_36, %mul3A_37 : i32
    %multiple_of3A_39 = tpu.assume_multiple %mul3A_38, 8 : i32
    "tpu.region"() ({
      %run_scoped3A = tpu.sem_alloc : memref<!tpu.dma_semaphore, #tpu.memory_space<semaphore_mem>>
      %dma_start3A_115 = tpu.memref_slice %arg2[%multiple_of3A_39] : memref<320000xi32, #tpu.memory_space<hbm>> -> memref<2000xi32, #tpu.memory_space<hbm>>
      %dma_start3A_116 = tpu.memref_slice %arg2[%multiple_of3A_39] : memref<320000xi32, #tpu.memory_space<hbm>> -> memref<2000xi32, #tpu.memory_space<hbm>>
      tpu.enqueue_dma source(%dma_start3A_116 : memref<2000xi32, #tpu.memory_space<hbm>>) target(%arg8 : memref<2000xi32, #tpu.memory_space<vmem>>) target_semaphore(%run_scoped3A : memref<!tpu.dma_semaphore, #tpu.memory_space<semaphore_mem>>)
      %dma_wait3A_117 = tpu.memref_slice %arg2[%multiple_of3A_39] : memref<320000xi32, #tpu.memory_space<hbm>> -> memref<2000xi32, #tpu.memory_space<hbm>>
      %dma_wait3A_118 = tpu.memref_slice %arg2[%multiple_of3A_39] : memref<320000xi32, #tpu.memory_space<hbm>> -> memref<2000xi32, #tpu.memory_space<hbm>>
      tpu.wait_dma2 semaphore(%run_scoped3A : memref<!tpu.dma_semaphore, #tpu.memory_space<semaphore_mem>>) src(%dma_wait3A_118 : memref<2000xi32, #tpu.memory_space<hbm>>) dst(%arg8 : memref<2000xi32, #tpu.memory_space<vmem>>)
      tpu.yield
    }) : () -> ()
    %dma_start3A_40 = arith.constant 0 : i32
    %dma_start3A_41 = arith.constant 0 : i32
    %dma_start3A_42 = tpu.memref_slice %arg4[%dma_start3A_40, %dma_start3A_41] : memref<10240x8xf32, #tpu.memory_space<hbm>> -> memref<10240x8xf32, #tpu.memory_space<hbm>>
    tpu.enqueue_indirect_dma source(%dma_start3A_42 : memref<10240x8xf32, #tpu.memory_space<hbm>>) target(%arg12 : memref<2000x8xf32, #tpu.memory_space<vmem>>) offsets(%arg8 : memref<2000xi32, #tpu.memory_space<vmem>>) semaphore(%arg15 : memref<!tpu.dma_semaphore, #tpu.memory_space<semaphore_mem>>)
    %dma_start3A_43 = tpu.memref_slice %arg3[%multiple_of3A_34] : memref<320000xi32, #tpu.memory_space<hbm>> -> memref<2000xi32, #tpu.memory_space<hbm>>
    %dma_start3A_44 = tpu.memref_slice %arg3[%multiple_of3A_34] : memref<320000xi32, #tpu.memory_space<hbm>> -> memref<2000xi32, #tpu.memory_space<hbm>>
    tpu.enqueue_dma source(%dma_start3A_44 : memref<2000xi32, #tpu.memory_space<hbm>>) target(%arg10 : memref<2000xi32, #tpu.memory_space<vmem>>) target_semaphore(%arg17 : memref<!tpu.dma_semaphore, #tpu.memory_space<semaphore_mem>>)
    %dma_wait3A = arith.constant 0 : i32
    %dma_wait3A_45 = arith.constant 0 : i32
    %dma_wait3A_46 = tpu.memref_slice %arg4[%dma_wait3A, %dma_wait3A_45] : memref<10240x8xf32, #tpu.memory_space<hbm>> -> memref<10240x8xf32, #tpu.memory_space<hbm>>
    tpu.wait_indirect_dma semaphore(%arg14 : memref<!tpu.dma_semaphore, #tpu.memory_space<semaphore_mem>>) src(%dma_wait3A_46 : memref<10240x8xf32, #tpu.memory_space<hbm>>) dst(%arg11 : memref<2000x8xf32, #tpu.memory_space<vmem>>)
    %dma_wait3A_47 = tpu.memref_slice %arg3[%multiple_of3A] : memref<320000xi32, #tpu.memory_space<hbm>> -> memref<2000xi32, #tpu.memory_space<hbm>>
    %dma_wait3A_48 = tpu.memref_slice %arg3[%multiple_of3A] : memref<320000xi32, #tpu.memory_space<hbm>> -> memref<2000xi32, #tpu.memory_space<hbm>>
    tpu.wait_dma2 semaphore(%arg16 : memref<!tpu.dma_semaphore, #tpu.memory_space<semaphore_mem>>) src(%dma_wait3A_48 : memref<2000xi32, #tpu.memory_space<hbm>>) dst(%arg9 : memref<2000xi32, #tpu.memory_space<vmem>>)
    "tpu.region"() ({
      %run_scoped3A = tpu.sem_alloc : memref<!tpu.dma_semaphore, #tpu.memory_space<semaphore_mem>>
      %dma_start3A_115 = arith.constant 0 : i32
      %dma_start3A_116 = arith.constant 0 : i32
      %dma_start3A_117 = tpu.memref_slice %arg13[%dma_start3A_115, %dma_start3A_116] : memref<10240x8xf32, #tpu.memory_space<vmem_shared>> -> memref<10240x8xf32, #tpu.memory_space<vmem_shared>>
      tpu.enqueue_indirect_dma source(%arg11 : memref<2000x8xf32, #tpu.memory_space<vmem>>) target(%dma_start3A_117 : memref<10240x8xf32, #tpu.memory_space<vmem_shared>>) offsets(%arg9 : memref<2000xi32, #tpu.memory_space<vmem>>) semaphore(%run_scoped3A : memref<!tpu.dma_semaphore, #tpu.memory_space<semaphore_mem>>) {add = true}
      %dma_wait3A_118 = arith.constant 0 : i32
      %dma_wait3A_119 = arith.constant 0 : i32
      %dma_wait3A_120 = tpu.memref_slice %arg13[%dma_wait3A_118, %dma_wait3A_119] : memref<10240x8xf32, #tpu.memory_space<vmem_shared>> -> memref<10240x8xf32, #tpu.memory_space<vmem_shared>>
      tpu.wait_indirect_dma semaphore(%run_scoped3A : memref<!tpu.dma_semaphore, #tpu.memory_space<semaphore_mem>>) src(%arg11 : memref<2000x8xf32, #tpu.memory_space<vmem>>) dst(%dma_wait3A_120 : memref<10240x8xf32, #tpu.memory_space<vmem_shared>>)
      tpu.yield
    }) : () -> ()
    %add3A_49 = arith.constant 2 : i32
    %add3A_50 = arith.addi %select_n3A, %add3A_49 : i32
    %mul3A_51 = arith.constant 2000 : i32
    %mul3A_52 = arith.muli %add3A_50, %mul3A_51 : i32
    %multiple_of3A_53 = tpu.assume_multiple %mul3A_52, 8 : i32
    %add3A_54 = arith.constant 2 : i32
    %add3A_55 = arith.addi %select_n3A, %add3A_54 : i32
    %mul3A_56 = arith.constant 2000 : i32
    %mul3A_57 = arith.muli %add3A_55, %mul3A_56 : i32
    %multiple_of3A_58 = tpu.assume_multiple %mul3A_57, 8 : i32
    "tpu.region"() ({
      %run_scoped3A = tpu.sem_alloc : memref<!tpu.dma_semaphore, #tpu.memory_space<semaphore_mem>>
      %dma_start3A_115 = tpu.memref_slice %arg2[%multiple_of3A_58] : memref<320000xi32, #tpu.memory_space<hbm>> -> memref<2000xi32, #tpu.memory_space<hbm>>
      %dma_start3A_116 = tpu.memref_slice %arg2[%multiple_of3A_58] : memref<320000xi32, #tpu.memory_space<hbm>> -> memref<2000xi32, #tpu.memory_space<hbm>>
      tpu.enqueue_dma source(%dma_start3A_116 : memref<2000xi32, #tpu.memory_space<hbm>>) target(%arg7 : memref<2000xi32, #tpu.memory_space<vmem>>) target_semaphore(%run_scoped3A : memref<!tpu.dma_semaphore, #tpu.memory_space<semaphore_mem>>)
      %dma_wait3A_117 = tpu.memref_slice %arg2[%multiple_of3A_58] : memref<320000xi32, #tpu.memory_space<hbm>> -> memref<2000xi32, #tpu.memory_space<hbm>>
      %dma_wait3A_118 = tpu.memref_slice %arg2[%multiple_of3A_58] : memref<320000xi32, #tpu.memory_space<hbm>> -> memref<2000xi32, #tpu.memory_space<hbm>>
      tpu.wait_dma2 semaphore(%run_scoped3A : memref<!tpu.dma_semaphore, #tpu.memory_space<semaphore_mem>>) src(%dma_wait3A_118 : memref<2000xi32, #tpu.memory_space<hbm>>) dst(%arg7 : memref<2000xi32, #tpu.memory_space<vmem>>)
      tpu.yield
    }) : () -> ()
    %dma_start3A_59 = arith.constant 0 : i32
    %dma_start3A_60 = arith.constant 0 : i32
    %dma_start3A_61 = tpu.memref_slice %arg4[%dma_start3A_59, %dma_start3A_60] : memref<10240x8xf32, #tpu.memory_space<hbm>> -> memref<10240x8xf32, #tpu.memory_space<hbm>>
    tpu.enqueue_indirect_dma source(%dma_start3A_61 : memref<10240x8xf32, #tpu.memory_space<hbm>>) target(%arg11 : memref<2000x8xf32, #tpu.memory_space<vmem>>) offsets(%arg7 : memref<2000xi32, #tpu.memory_space<vmem>>) semaphore(%arg14 : memref<!tpu.dma_semaphore, #tpu.memory_space<semaphore_mem>>)
    %dma_start3A_62 = tpu.memref_slice %arg3[%multiple_of3A_53] : memref<320000xi32, #tpu.memory_space<hbm>> -> memref<2000xi32, #tpu.memory_space<hbm>>
    %dma_start3A_63 = tpu.memref_slice %arg3[%multiple_of3A_53] : memref<320000xi32, #tpu.memory_space<hbm>> -> memref<2000xi32, #tpu.memory_space<hbm>>
    tpu.enqueue_dma source(%dma_start3A_63 : memref<2000xi32, #tpu.memory_space<hbm>>) target(%arg9 : memref<2000xi32, #tpu.memory_space<vmem>>) target_semaphore(%arg16 : memref<!tpu.dma_semaphore, #tpu.memory_space<semaphore_mem>>)
    %dma_wait3A_64 = arith.constant 0 : i32
    %dma_wait3A_65 = arith.constant 0 : i32
    %dma_wait3A_66 = tpu.memref_slice %arg4[%dma_wait3A_64, %dma_wait3A_65] : memref<10240x8xf32, #tpu.memory_space<hbm>> -> memref<10240x8xf32, #tpu.memory_space<hbm>>
    tpu.wait_indirect_dma semaphore(%arg15 : memref<!tpu.dma_semaphore, #tpu.memory_space<semaphore_mem>>) src(%dma_wait3A_66 : memref<10240x8xf32, #tpu.memory_space<hbm>>) dst(%arg12 : memref<2000x8xf32, #tpu.memory_space<vmem>>)
    %dma_wait3A_67 = tpu.memref_slice %arg3[%multiple_of3A_34] : memref<320000xi32, #tpu.memory_space<hbm>> -> memref<2000xi32, #tpu.memory_space<hbm>>
    %dma_wait3A_68 = tpu.memref_slice %arg3[%multiple_of3A_34] : memref<320000xi32, #tpu.memory_space<hbm>> -> memref<2000xi32, #tpu.memory_space<hbm>>
    tpu.wait_dma2 semaphore(%arg17 : memref<!tpu.dma_semaphore, #tpu.memory_space<semaphore_mem>>) src(%dma_wait3A_68 : memref<2000xi32, #tpu.memory_space<hbm>>) dst(%arg10 : memref<2000xi32, #tpu.memory_space<vmem>>)
    "tpu.region"() ({
      %run_scoped3A = tpu.sem_alloc : memref<!tpu.dma_semaphore, #tpu.memory_space<semaphore_mem>>
      %dma_start3A_115 = arith.constant 0 : i32
      %dma_start3A_116 = arith.constant 0 : i32
      %dma_start3A_117 = tpu.memref_slice %arg13[%dma_start3A_115, %dma_start3A_116] : memref<10240x8xf32, #tpu.memory_space<vmem_shared>> -> memref<10240x8xf32, #tpu.memory_space<vmem_shared>>
      tpu.enqueue_indirect_dma source(%arg12 : memref<2000x8xf32, #tpu.memory_space<vmem>>) target(%dma_start3A_117 : memref<10240x8xf32, #tpu.memory_space<vmem_shared>>) offsets(%arg10 : memref<2000xi32, #tpu.memory_space<vmem>>) semaphore(%run_scoped3A : memref<!tpu.dma_semaphore, #tpu.memory_space<semaphore_mem>>) {add = true}
      %dma_wait3A_118 = arith.constant 0 : i32
      %dma_wait3A_119 = arith.constant 0 : i32
      %dma_wait3A_120 = tpu.memref_slice %arg13[%dma_wait3A_118, %dma_wait3A_119] : memref<10240x8xf32, #tpu.memory_space<vmem_shared>> -> memref<10240x8xf32, #tpu.memory_space<vmem_shared>>
      tpu.wait_indirect_dma semaphore(%run_scoped3A : memref<!tpu.dma_semaphore, #tpu.memory_space<semaphore_mem>>) src(%arg12 : memref<2000x8xf32, #tpu.memory_space<vmem>>) dst(%dma_wait3A_120 : memref<10240x8xf32, #tpu.memory_space<vmem_shared>>)
      tpu.yield
    }) : () -> ()
    %add3A_69 = arith.constant 3 : i32
    %add3A_70 = arith.addi %select_n3A, %add3A_69 : i32
    %mul3A_71 = arith.constant 2000 : i32
    %mul3A_72 = arith.muli %add3A_70, %mul3A_71 : i32
    %multiple_of3A_73 = tpu.assume_multiple %mul3A_72, 8 : i32
    %add3A_74 = arith.constant 3 : i32
    %add3A_75 = arith.addi %select_n3A, %add3A_74 : i32
    %mul3A_76 = arith.constant 2000 : i32
    %mul3A_77 = arith.muli %add3A_75, %mul3A_76 : i32
    %multiple_of3A_78 = tpu.assume_multiple %mul3A_77, 8 : i32
    "tpu.region"() ({
      %run_scoped3A = tpu.sem_alloc : memref<!tpu.dma_semaphore, #tpu.memory_space<semaphore_mem>>
      %dma_start3A_115 = tpu.memref_slice %arg2[%multiple_of3A_78] : memref<320000xi32, #tpu.memory_space<hbm>> -> memref<2000xi32, #tpu.memory_space<hbm>>
      %dma_start3A_116 = tpu.memref_slice %arg2[%multiple_of3A_78] : memref<320000xi32, #tpu.memory_space<hbm>> -> memref<2000xi32, #tpu.memory_space<hbm>>
      tpu.enqueue_dma source(%dma_start3A_116 : memref<2000xi32, #tpu.memory_space<hbm>>) target(%arg8 : memref<2000xi32, #tpu.memory_space<vmem>>) target_semaphore(%run_scoped3A : memref<!tpu.dma_semaphore, #tpu.memory_space<semaphore_mem>>)
      %dma_wait3A_117 = tpu.memref_slice %arg2[%multiple_of3A_78] : memref<320000xi32, #tpu.memory_space<hbm>> -> memref<2000xi32, #tpu.memory_space<hbm>>
      %dma_wait3A_118 = tpu.memref_slice %arg2[%multiple_of3A_78] : memref<320000xi32, #tpu.memory_space<hbm>> -> memref<2000xi32, #tpu.memory_space<hbm>>
      tpu.wait_dma2 semaphore(%run_scoped3A : memref<!tpu.dma_semaphore, #tpu.memory_space<semaphore_mem>>) src(%dma_wait3A_118 : memref<2000xi32, #tpu.memory_space<hbm>>) dst(%arg8 : memref<2000xi32, #tpu.memory_space<vmem>>)
      tpu.yield
    }) : () -> ()
    %dma_start3A_79 = arith.constant 0 : i32
    %dma_start3A_80 = arith.constant 0 : i32
    %dma_start3A_81 = tpu.memref_slice %arg4[%dma_start3A_79, %dma_start3A_80] : memref<10240x8xf32, #tpu.memory_space<hbm>> -> memref<10240x8xf32, #tpu.memory_space<hbm>>
    tpu.enqueue_indirect_dma source(%dma_start3A_81 : memref<10240x8xf32, #tpu.memory_space<hbm>>) target(%arg12 : memref<2000x8xf32, #tpu.memory_space<vmem>>) offsets(%arg8 : memref<2000xi32, #tpu.memory_space<vmem>>) semaphore(%arg15 : memref<!tpu.dma_semaphore, #tpu.memory_space<semaphore_mem>>)
    %dma_start3A_82 = tpu.memref_slice %arg3[%multiple_of3A_73] : memref<320000xi32, #tpu.memory_space<hbm>> -> memref<2000xi32, #tpu.memory_space<hbm>>
    %dma_start3A_83 = tpu.memref_slice %arg3[%multiple_of3A_73] : memref<320000xi32, #tpu.memory_space<hbm>> -> memref<2000xi32, #tpu.memory_space<hbm>>
    tpu.enqueue_dma source(%dma_start3A_83 : memref<2000xi32, #tpu.memory_space<hbm>>) target(%arg10 : memref<2000xi32, #tpu.memory_space<vmem>>) target_semaphore(%arg17 : memref<!tpu.dma_semaphore, #tpu.memory_space<semaphore_mem>>)
    %dma_wait3A_84 = arith.constant 0 : i32
    %dma_wait3A_85 = arith.constant 0 : i32
    %dma_wait3A_86 = tpu.memref_slice %arg4[%dma_wait3A_84, %dma_wait3A_85] : memref<10240x8xf32, #tpu.memory_space<hbm>> -> memref<10240x8xf32, #tpu.memory_space<hbm>>
    tpu.wait_indirect_dma semaphore(%arg14 : memref<!tpu.dma_semaphore, #tpu.memory_space<semaphore_mem>>) src(%dma_wait3A_86 : memref<10240x8xf32, #tpu.memory_space<hbm>>) dst(%arg11 : memref<2000x8xf32, #tpu.memory_space<vmem>>)
    %dma_wait3A_87 = tpu.memref_slice %arg3[%multiple_of3A_53] : memref<320000xi32, #tpu.memory_space<hbm>> -> memref<2000xi32, #tpu.memory_space<hbm>>
    %dma_wait3A_88 = tpu.memref_slice %arg3[%multiple_of3A_53] : memref<320000xi32, #tpu.memory_space<hbm>> -> memref<2000xi32, #tpu.memory_space<hbm>>
    tpu.wait_dma2 semaphore(%arg16 : memref<!tpu.dma_semaphore, #tpu.memory_space<semaphore_mem>>) src(%dma_wait3A_88 : memref<2000xi32, #tpu.memory_space<hbm>>) dst(%arg9 : memref<2000xi32, #tpu.memory_space<vmem>>)
    "tpu.region"() ({
      %run_scoped3A = tpu.sem_alloc : memref<!tpu.dma_semaphore, #tpu.memory_space<semaphore_mem>>
      %dma_start3A_115 = arith.constant 0 : i32
      %dma_start3A_116 = arith.constant 0 : i32
      %dma_start3A_117 = tpu.memref_slice %arg13[%dma_start3A_115, %dma_start3A_116] : memref<10240x8xf32, #tpu.memory_space<vmem_shared>> -> memref<10240x8xf32, #tpu.memory_space<vmem_shared>>
      tpu.enqueue_indirect_dma source(%arg11 : memref<2000x8xf32, #tpu.memory_space<vmem>>) target(%dma_start3A_117 : memref<10240x8xf32, #tpu.memory_space<vmem_shared>>) offsets(%arg9 : memref<2000xi32, #tpu.memory_space<vmem>>) semaphore(%run_scoped3A : memref<!tpu.dma_semaphore, #tpu.memory_space<semaphore_mem>>) {add = true}
      %dma_wait3A_118 = arith.constant 0 : i32
      %dma_wait3A_119 = arith.constant 0 : i32
      %dma_wait3A_120 = tpu.memref_slice %arg13[%dma_wait3A_118, %dma_wait3A_119] : memref<10240x8xf32, #tpu.memory_space<vmem_shared>> -> memref<10240x8xf32, #tpu.memory_space<vmem_shared>>
      tpu.wait_indirect_dma semaphore(%run_scoped3A : memref<!tpu.dma_semaphore, #tpu.memory_space<semaphore_mem>>) src(%arg11 : memref<2000x8xf32, #tpu.memory_space<vmem>>) dst(%dma_wait3A_120 : memref<10240x8xf32, #tpu.memory_space<vmem_shared>>)
      tpu.yield
    }) : () -> ()
    %add3A_89 = arith.constant 4 : i32
    %add3A_90 = arith.addi %select_n3A, %add3A_89 : i32
    %mul3A_91 = arith.constant 2000 : i32
    %mul3A_92 = arith.muli %add3A_90, %mul3A_91 : i32
    %multiple_of3A_93 = tpu.assume_multiple %mul3A_92, 8 : i32
    %add3A_94 = arith.constant 4 : i32
    %add3A_95 = arith.addi %select_n3A, %add3A_94 : i32
    %mul3A_96 = arith.constant 2000 : i32
    %mul3A_97 = arith.muli %add3A_95, %mul3A_96 : i32
    %multiple_of3A_98 = tpu.assume_multiple %mul3A_97, 8 : i32
    "tpu.region"() ({
      %run_scoped3A = tpu.sem_alloc : memref<!tpu.dma_semaphore, #tpu.memory_space<semaphore_mem>>
      %dma_start3A_115 = tpu.memref_slice %arg2[%multiple_of3A_98] : memref<320000xi32, #tpu.memory_space<hbm>> -> memref<2000xi32, #tpu.memory_space<hbm>>
      %dma_start3A_116 = tpu.memref_slice %arg2[%multiple_of3A_98] : memref<320000xi32, #tpu.memory_space<hbm>> -> memref<2000xi32, #tpu.memory_space<hbm>>
      tpu.enqueue_dma source(%dma_start3A_116 : memref<2000xi32, #tpu.memory_space<hbm>>) target(%arg7 : memref<2000xi32, #tpu.memory_space<vmem>>) target_semaphore(%run_scoped3A : memref<!tpu.dma_semaphore, #tpu.memory_space<semaphore_mem>>)
      %dma_wait3A_117 = tpu.memref_slice %arg2[%multiple_of3A_98] : memref<320000xi32, #tpu.memory_space<hbm>> -> memref<2000xi32, #tpu.memory_space<hbm>>
      %dma_wait3A_118 = tpu.memref_slice %arg2[%multiple_of3A_98] : memref<320000xi32, #tpu.memory_space<hbm>> -> memref<2000xi32, #tpu.memory_space<hbm>>
      tpu.wait_dma2 semaphore(%run_scoped3A : memref<!tpu.dma_semaphore, #tpu.memory_space<semaphore_mem>>) src(%dma_wait3A_118 : memref<2000xi32, #tpu.memory_space<hbm>>) dst(%arg7 : memref<2000xi32, #tpu.memory_space<vmem>>)
      tpu.yield
    }) : () -> ()
    %dma_start3A_99 = arith.constant 0 : i32
    %dma_start3A_100 = arith.constant 0 : i32
    %dma_start3A_101 = tpu.memref_slice %arg4[%dma_start3A_99, %dma_start3A_100] : memref<10240x8xf32, #tpu.memory_space<hbm>> -> memref<10240x8xf32, #tpu.memory_space<hbm>>
    tpu.enqueue_indirect_dma source(%dma_start3A_101 : memref<10240x8xf32, #tpu.memory_space<hbm>>) target(%arg11 : memref<2000x8xf32, #tpu.memory_space<vmem>>) offsets(%arg7 : memref<2000xi32, #tpu.memory_space<vmem>>) semaphore(%arg14 : memref<!tpu.dma_semaphore, #tpu.memory_space<semaphore_mem>>)
    %dma_start3A_102 = tpu.memref_slice %arg3[%multiple_of3A_93] : memref<320000xi32, #tpu.memory_space<hbm>> -> memref<2000xi32, #tpu.memory_space<hbm>>
    %dma_start3A_103 = tpu.memref_slice %arg3[%multiple_of3A_93] : memref<320000xi32, #tpu.memory_space<hbm>> -> memref<2000xi32, #tpu.memory_space<hbm>>
    tpu.enqueue_dma source(%dma_start3A_103 : memref<2000xi32, #tpu.memory_space<hbm>>) target(%arg9 : memref<2000xi32, #tpu.memory_space<vmem>>) target_semaphore(%arg16 : memref<!tpu.dma_semaphore, #tpu.memory_space<semaphore_mem>>)
    %dma_wait3A_104 = arith.constant 0 : i32
    %dma_wait3A_105 = arith.constant 0 : i32
    %dma_wait3A_106 = tpu.memref_slice %arg4[%dma_wait3A_104, %dma_wait3A_105] : memref<10240x8xf32, #tpu.memory_space<hbm>> -> memref<10240x8xf32, #tpu.memory_space<hbm>>
    tpu.wait_indirect_dma semaphore(%arg15 : memref<!tpu.dma_semaphore, #tpu.memory_space<semaphore_mem>>) src(%dma_wait3A_106 : memref<10240x8xf32, #tpu.memory_space<hbm>>) dst(%arg12 : memref<2000x8xf32, #tpu.memory_space<vmem>>)
    %dma_wait3A_107 = tpu.memref_slice %arg3[%multiple_of3A_73] : memref<320000xi32, #tpu.memory_space<hbm>> -> memref<2000xi32, #tpu.memory_space<hbm>>
    %dma_wait3A_108 = tpu.memref_slice %arg3[%multiple_of3A_73] : memref<320000xi32, #tpu.memory_space<hbm>> -> memref<2000xi32, #tpu.memory_space<hbm>>
    tpu.wait_dma2 semaphore(%arg17 : memref<!tpu.dma_semaphore, #tpu.memory_space<semaphore_mem>>) src(%dma_wait3A_108 : memref<2000xi32, #tpu.memory_space<hbm>>) dst(%arg10 : memref<2000xi32, #tpu.memory_space<vmem>>)
    "tpu.region"() ({
      %run_scoped3A = tpu.sem_alloc : memref<!tpu.dma_semaphore, #tpu.memory_space<semaphore_mem>>
      %dma_start3A_115 = arith.constant 0 : i32
      %dma_start3A_116 = arith.constant 0 : i32
      %dma_start3A_117 = tpu.memref_slice %arg13[%dma_start3A_115, %dma_start3A_116] : memref<10240x8xf32, #tpu.memory_space<vmem_shared>> -> memref<10240x8xf32, #tpu.memory_space<vmem_shared>>
      tpu.enqueue_indirect_dma source(%arg12 : memref<2000x8xf32, #tpu.memory_space<vmem>>) target(%dma_start3A_117 : memref<10240x8xf32, #tpu.memory_space<vmem_shared>>) offsets(%arg10 : memref<2000xi32, #tpu.memory_space<vmem>>) semaphore(%run_scoped3A : memref<!tpu.dma_semaphore, #tpu.memory_space<semaphore_mem>>) {add = true}
      %dma_wait3A_118 = arith.constant 0 : i32
      %dma_wait3A_119 = arith.constant 0 : i32
      %dma_wait3A_120 = tpu.memref_slice %arg13[%dma_wait3A_118, %dma_wait3A_119] : memref<10240x8xf32, #tpu.memory_space<vmem_shared>> -> memref<10240x8xf32, #tpu.memory_space<vmem_shared>>
      tpu.wait_indirect_dma semaphore(%run_scoped3A : memref<!tpu.dma_semaphore, #tpu.memory_space<semaphore_mem>>) src(%arg12 : memref<2000x8xf32, #tpu.memory_space<vmem>>) dst(%dma_wait3A_120 : memref<10240x8xf32, #tpu.memory_space<vmem_shared>>)
      tpu.yield
    }) : () -> ()
    %dma_wait3A_109 = arith.constant 0 : i32
    %dma_wait3A_110 = arith.constant 0 : i32
    %dma_wait3A_111 = tpu.memref_slice %arg4[%dma_wait3A_109, %dma_wait3A_110] : memref<10240x8xf32, #tpu.memory_space<hbm>> -> memref<10240x8xf32, #tpu.memory_space<hbm>>
    tpu.wait_indirect_dma semaphore(%arg14 : memref<!tpu.dma_semaphore, #tpu.memory_space<semaphore_mem>>) src(%dma_wait3A_111 : memref<10240x8xf32, #tpu.memory_space<hbm>>) dst(%arg11 : memref<2000x8xf32, #tpu.memory_space<vmem>>)
    %dma_wait3A_112 = tpu.memref_slice %arg3[%multiple_of3A_93] : memref<320000xi32, #tpu.memory_space<hbm>> -> memref<2000xi32, #tpu.memory_space<hbm>>
    %dma_wait3A_113 = tpu.memref_slice %arg3[%multiple_of3A_93] : memref<320000xi32, #tpu.memory_space<hbm>> -> memref<2000xi32, #tpu.memory_space<hbm>>
    tpu.wait_dma2 semaphore(%arg16 : memref<!tpu.dma_semaphore, #tpu.memory_space<semaphore_mem>>) src(%dma_wait3A_113 : memref<2000xi32, #tpu.memory_space<hbm>>) dst(%arg9 : memref<2000xi32, #tpu.memory_space<vmem>>)
    "tpu.region"() ({
      %run_scoped3A = tpu.sem_alloc : memref<!tpu.dma_semaphore, #tpu.memory_space<semaphore_mem>>
      %dma_start3A_115 = arith.constant 0 : i32
      %dma_start3A_116 = arith.constant 0 : i32
      %dma_start3A_117 = tpu.memref_slice %arg13[%dma_start3A_115, %dma_start3A_116] : memref<10240x8xf32, #tpu.memory_space<vmem_shared>> -> memref<10240x8xf32, #tpu.memory_space<vmem_shared>>
      tpu.enqueue_indirect_dma source(%arg11 : memref<2000x8xf32, #tpu.memory_space<vmem>>) target(%dma_start3A_117 : memref<10240x8xf32, #tpu.memory_space<vmem_shared>>) offsets(%arg9 : memref<2000xi32, #tpu.memory_space<vmem>>) semaphore(%run_scoped3A : memref<!tpu.dma_semaphore, #tpu.memory_space<semaphore_mem>>) {add = true}
      %dma_wait3A_118 = arith.constant 0 : i32
      %dma_wait3A_119 = arith.constant 0 : i32
      %dma_wait3A_120 = tpu.memref_slice %arg13[%dma_wait3A_118, %dma_wait3A_119] : memref<10240x8xf32, #tpu.memory_space<vmem_shared>> -> memref<10240x8xf32, #tpu.memory_space<vmem_shared>>
      tpu.wait_indirect_dma semaphore(%run_scoped3A : memref<!tpu.dma_semaphore, #tpu.memory_space<semaphore_mem>>) src(%arg11 : memref<2000x8xf32, #tpu.memory_space<vmem>>) dst(%dma_wait3A_120 : memref<10240x8xf32, #tpu.memory_space<vmem_shared>>)
      tpu.yield
    }) : () -> ()
    %barrier3A_114 = arith.constant 0 : index
    tpu.barrier barrier_id(%barrier3A_114)
    "tpu.region"() ({
      %run_scoped3A = tpu.sem_alloc : memref<!tpu.dma_semaphore, #tpu.memory_space<semaphore_mem>>
      %dma_start3A_115 = arith.constant 0 : i32
      %dma_start3A_116 = tpu.memref_slice %arg6[%arg0, %mul3A_2, %dma_start3A_115] : memref<2x10240x8xf32, #tpu.memory_space<hbm>> -> memref<1x640x8xf32, #tpu.memory_space<hbm>>
      %dma_start3A_117 = tpu.memref_squeeze %dma_start3A_116 : memref<1x640x8xf32, #tpu.memory_space<hbm>> -> memref<640x8xf32, #tpu.memory_space<hbm>>
      %dma_start3A_118 = arith.constant 0 : i32
      %dma_start3A_119 = tpu.memref_slice %arg13[%mul3A_2, %dma_start3A_118] : memref<10240x8xf32, #tpu.memory_space<vmem_shared>> -> memref<640x8xf32, #tpu.memory_space<vmem_shared>>
      tpu.enqueue_dma source(%dma_start3A_119 : memref<640x8xf32, #tpu.memory_space<vmem_shared>>) target(%dma_start3A_117 : memref<640x8xf32, #tpu.memory_space<hbm>>) target_semaphore(%run_scoped3A : memref<!tpu.dma_semaphore, #tpu.memory_space<semaphore_mem>>)
      %dma_wait3A_120 = arith.constant 0 : i32
      %dma_wait3A_121 = tpu.memref_slice %arg6[%arg0, %mul3A_2, %dma_wait3A_120] : memref<2x10240x8xf32, #tpu.memory_space<hbm>> -> memref<1x640x8xf32, #tpu.memory_space<hbm>>
      %dma_wait3A_122 = tpu.memref_squeeze %dma_wait3A_121 : memref<1x640x8xf32, #tpu.memory_space<hbm>> -> memref<640x8xf32, #tpu.memory_space<hbm>>
      %dma_wait3A_123 = arith.constant 0 : i32
      %dma_wait3A_124 = tpu.memref_slice %arg13[%mul3A_2, %dma_wait3A_123] : memref<10240x8xf32, #tpu.memory_space<vmem_shared>> -> memref<640x8xf32, #tpu.memory_space<vmem_shared>>
      tpu.wait_dma2 semaphore(%run_scoped3A : memref<!tpu.dma_semaphore, #tpu.memory_space<semaphore_mem>>) src(%dma_wait3A_124 : memref<640x8xf32, #tpu.memory_space<vmem_shared>>) dst(%dma_wait3A_122 : memref<640x8xf32, #tpu.memory_space<hbm>>)
      tpu.yield
    }) : () -> ()
    return
  }
}

#map = affine_map<(d0, d1) -> (0)>
#map1 = affine_map<(d0, d1) -> (0, 0)>
#map2 = affine_map<(d0, d1) -> (0, 0, 0)>
module attributes {stable_mosaic.version = 14 : i64} {
  func.func @deg_kernel(%arg0: i32, %arg1: i32, %arg2: memref<320000xi32, #tpu.memory_space<hbm>>, %arg3: memref<2000x8xf32, #tpu.memory_space<hbm>>, %arg4: memref<10240x8xf32, #tpu.memory_space<hbm>>, %arg5: memref<2x10240x8xf32, #tpu.memory_space<hbm>>, %arg6: memref<2000xi32, #tpu.memory_space<vmem>>, %arg7: memref<2000xi32, #tpu.memory_space<vmem>>, %arg8: memref<2000x8xf32, #tpu.memory_space<vmem>>, %arg9: memref<10240x8xf32, #tpu.memory_space<vmem_shared>>, %arg10: memref<!tpu.dma_semaphore, #tpu.memory_space<semaphore_mem>>, %arg11: memref<!tpu.dma_semaphore, #tpu.memory_space<semaphore_mem>>) attributes {dimension_semantics = [#tpu.dimension_semantics<core_parallel>, #tpu.dimension_semantics<subcore_parallel>], iteration_bounds = array<i64: 2, 16>, scalar_prefetch = 0 : i64, scratch_operands = 6 : i64, tpu.core_type = #tpu.core_type<sc_vector_subcore>, window_params = [{transform_indices = #map}, {transform_indices = #map1}, {transform_indices = #map1}, {transform_indices = #map2}]} {
    %mul3A = arith.constant 2 : i32
    %mul3A_0 = arith.muli %arg1, %mul3A : i32
    %add3A = arith.addi %mul3A_0, %arg0 : i32
    %mul3A_1 = arith.constant 640 : i32
    %mul3A_2 = arith.muli %arg1, %mul3A_1 : i32
    "tpu.region"() ({
      %run_scoped3A = tpu.sem_alloc : memref<!tpu.dma_semaphore, #tpu.memory_space<semaphore_mem>>
      %dma_start3A_56 = arith.constant 0 : i32
      %dma_start3A_57 = tpu.memref_slice %arg9[%mul3A_2, %dma_start3A_56] : memref<10240x8xf32, #tpu.memory_space<vmem_shared>> -> memref<640x8xf32, #tpu.memory_space<vmem_shared>>
      %dma_start3A_58 = arith.constant 0 : i32
      %dma_start3A_59 = tpu.memref_slice %arg4[%mul3A_2, %dma_start3A_58] : memref<10240x8xf32, #tpu.memory_space<hbm>> -> memref<640x8xf32, #tpu.memory_space<hbm>>
      tpu.enqueue_dma source(%dma_start3A_59 : memref<640x8xf32, #tpu.memory_space<hbm>>) target(%dma_start3A_57 : memref<640x8xf32, #tpu.memory_space<vmem_shared>>) target_semaphore(%run_scoped3A : memref<!tpu.dma_semaphore, #tpu.memory_space<semaphore_mem>>)
      %dma_wait3A_60 = arith.constant 0 : i32
      %dma_wait3A_61 = tpu.memref_slice %arg9[%mul3A_2, %dma_wait3A_60] : memref<10240x8xf32, #tpu.memory_space<vmem_shared>> -> memref<640x8xf32, #tpu.memory_space<vmem_shared>>
      %dma_wait3A_62 = arith.constant 0 : i32
      %dma_wait3A_63 = tpu.memref_slice %arg4[%mul3A_2, %dma_wait3A_62] : memref<10240x8xf32, #tpu.memory_space<hbm>> -> memref<640x8xf32, #tpu.memory_space<hbm>>
      tpu.wait_dma2 semaphore(%run_scoped3A : memref<!tpu.dma_semaphore, #tpu.memory_space<semaphore_mem>>) src(%dma_wait3A_63 : memref<640x8xf32, #tpu.memory_space<hbm>>) dst(%dma_wait3A_61 : memref<640x8xf32, #tpu.memory_space<vmem_shared>>)
      tpu.yield
    }) : () -> ()
    "tpu.region"() ({
      %run_scoped3A = tpu.sem_alloc : memref<!tpu.dma_semaphore, #tpu.memory_space<semaphore_mem>>
      tpu.enqueue_dma source(%arg3 : memref<2000x8xf32, #tpu.memory_space<hbm>>) target(%arg8 : memref<2000x8xf32, #tpu.memory_space<vmem>>) target_semaphore(%run_scoped3A : memref<!tpu.dma_semaphore, #tpu.memory_space<semaphore_mem>>)
      tpu.wait_dma2 semaphore(%run_scoped3A : memref<!tpu.dma_semaphore, #tpu.memory_space<semaphore_mem>>) src(%arg3 : memref<2000x8xf32, #tpu.memory_space<hbm>>) dst(%arg8 : memref<2000x8xf32, #tpu.memory_space<vmem>>)
      tpu.yield
    }) : () -> ()
    %mul3A_3 = arith.constant 5 : i32
    %mul3A_4 = arith.muli %add3A, %mul3A_3 : i32
    %add3A_5 = arith.constant 0 : i32
    %add3A_6 = arith.addi %mul3A_4, %add3A_5 : i32
    %mul3A_7 = arith.constant 2000 : i32
    %mul3A_8 = arith.muli %add3A_6, %mul3A_7 : i32
    %multiple_of3A = tpu.assume_multiple %mul3A_8, 8 : i32
    %dma_start3A = tpu.memref_slice %arg2[%multiple_of3A] : memref<320000xi32, #tpu.memory_space<hbm>> -> memref<2000xi32, #tpu.memory_space<hbm>>
    %dma_start3A_9 = tpu.memref_slice %arg2[%multiple_of3A] : memref<320000xi32, #tpu.memory_space<hbm>> -> memref<2000xi32, #tpu.memory_space<hbm>>
    tpu.enqueue_dma source(%dma_start3A_9 : memref<2000xi32, #tpu.memory_space<hbm>>) target(%arg6 : memref<2000xi32, #tpu.memory_space<vmem>>) target_semaphore(%arg10 : memref<!tpu.dma_semaphore, #tpu.memory_space<semaphore_mem>>)
    %barrier3A = arith.constant 0 : index
    tpu.barrier barrier_id(%barrier3A)
    %mul3A_10 = arith.constant 5 : i32
    %mul3A_11 = arith.muli %add3A, %mul3A_10 : i32
    %add3A_12 = arith.constant 1 : i32
    %add3A_13 = arith.addi %mul3A_11, %add3A_12 : i32
    %mul3A_14 = arith.constant 2000 : i32
    %mul3A_15 = arith.muli %add3A_13, %mul3A_14 : i32
    %multiple_of3A_16 = tpu.assume_multiple %mul3A_15, 8 : i32
    %dma_start3A_17 = tpu.memref_slice %arg2[%multiple_of3A_16] : memref<320000xi32, #tpu.memory_space<hbm>> -> memref<2000xi32, #tpu.memory_space<hbm>>
    %dma_start3A_18 = tpu.memref_slice %arg2[%multiple_of3A_16] : memref<320000xi32, #tpu.memory_space<hbm>> -> memref<2000xi32, #tpu.memory_space<hbm>>
    tpu.enqueue_dma source(%dma_start3A_18 : memref<2000xi32, #tpu.memory_space<hbm>>) target(%arg7 : memref<2000xi32, #tpu.memory_space<vmem>>) target_semaphore(%arg11 : memref<!tpu.dma_semaphore, #tpu.memory_space<semaphore_mem>>)
    %dma_wait3A = tpu.memref_slice %arg2[%multiple_of3A] : memref<320000xi32, #tpu.memory_space<hbm>> -> memref<2000xi32, #tpu.memory_space<hbm>>
    %dma_wait3A_19 = tpu.memref_slice %arg2[%multiple_of3A] : memref<320000xi32, #tpu.memory_space<hbm>> -> memref<2000xi32, #tpu.memory_space<hbm>>
    tpu.wait_dma2 semaphore(%arg10 : memref<!tpu.dma_semaphore, #tpu.memory_space<semaphore_mem>>) src(%dma_wait3A_19 : memref<2000xi32, #tpu.memory_space<hbm>>) dst(%arg6 : memref<2000xi32, #tpu.memory_space<vmem>>)
    "tpu.region"() ({
      %run_scoped3A = tpu.sem_alloc : memref<!tpu.dma_semaphore, #tpu.memory_space<semaphore_mem>>
      %dma_start3A_56 = arith.constant 0 : i32
      %dma_start3A_57 = arith.constant 0 : i32
      %dma_start3A_58 = tpu.memref_slice %arg9[%dma_start3A_56, %dma_start3A_57] : memref<10240x8xf32, #tpu.memory_space<vmem_shared>> -> memref<10240x8xf32, #tpu.memory_space<vmem_shared>>
      tpu.enqueue_indirect_dma source(%arg8 : memref<2000x8xf32, #tpu.memory_space<vmem>>) target(%dma_start3A_58 : memref<10240x8xf32, #tpu.memory_space<vmem_shared>>) offsets(%arg6 : memref<2000xi32, #tpu.memory_space<vmem>>) semaphore(%run_scoped3A : memref<!tpu.dma_semaphore, #tpu.memory_space<semaphore_mem>>) {add = true}
      %dma_wait3A_59 = arith.constant 0 : i32
      %dma_wait3A_60 = arith.constant 0 : i32
      %dma_wait3A_61 = tpu.memref_slice %arg9[%dma_wait3A_59, %dma_wait3A_60] : memref<10240x8xf32, #tpu.memory_space<vmem_shared>> -> memref<10240x8xf32, #tpu.memory_space<vmem_shared>>
      tpu.wait_indirect_dma semaphore(%run_scoped3A : memref<!tpu.dma_semaphore, #tpu.memory_space<semaphore_mem>>) src(%arg8 : memref<2000x8xf32, #tpu.memory_space<vmem>>) dst(%dma_wait3A_61 : memref<10240x8xf32, #tpu.memory_space<vmem_shared>>)
      tpu.yield
    }) : () -> ()
    %mul3A_20 = arith.constant 5 : i32
    %mul3A_21 = arith.muli %add3A, %mul3A_20 : i32
    %add3A_22 = arith.constant 2 : i32
    %add3A_23 = arith.addi %mul3A_21, %add3A_22 : i32
    %mul3A_24 = arith.constant 2000 : i32
    %mul3A_25 = arith.muli %add3A_23, %mul3A_24 : i32
    %multiple_of3A_26 = tpu.assume_multiple %mul3A_25, 8 : i32
    %dma_start3A_27 = tpu.memref_slice %arg2[%multiple_of3A_26] : memref<320000xi32, #tpu.memory_space<hbm>> -> memref<2000xi32, #tpu.memory_space<hbm>>
    %dma_start3A_28 = tpu.memref_slice %arg2[%multiple_of3A_26] : memref<320000xi32, #tpu.memory_space<hbm>> -> memref<2000xi32, #tpu.memory_space<hbm>>
    tpu.enqueue_dma source(%dma_start3A_28 : memref<2000xi32, #tpu.memory_space<hbm>>) target(%arg6 : memref<2000xi32, #tpu.memory_space<vmem>>) target_semaphore(%arg10 : memref<!tpu.dma_semaphore, #tpu.memory_space<semaphore_mem>>)
    %dma_wait3A_29 = tpu.memref_slice %arg2[%multiple_of3A_16] : memref<320000xi32, #tpu.memory_space<hbm>> -> memref<2000xi32, #tpu.memory_space<hbm>>
    %dma_wait3A_30 = tpu.memref_slice %arg2[%multiple_of3A_16] : memref<320000xi32, #tpu.memory_space<hbm>> -> memref<2000xi32, #tpu.memory_space<hbm>>
    tpu.wait_dma2 semaphore(%arg11 : memref<!tpu.dma_semaphore, #tpu.memory_space<semaphore_mem>>) src(%dma_wait3A_30 : memref<2000xi32, #tpu.memory_space<hbm>>) dst(%arg7 : memref<2000xi32, #tpu.memory_space<vmem>>)
    "tpu.region"() ({
      %run_scoped3A = tpu.sem_alloc : memref<!tpu.dma_semaphore, #tpu.memory_space<semaphore_mem>>
      %dma_start3A_56 = arith.constant 0 : i32
      %dma_start3A_57 = arith.constant 0 : i32
      %dma_start3A_58 = tpu.memref_slice %arg9[%dma_start3A_56, %dma_start3A_57] : memref<10240x8xf32, #tpu.memory_space<vmem_shared>> -> memref<10240x8xf32, #tpu.memory_space<vmem_shared>>
      tpu.enqueue_indirect_dma source(%arg8 : memref<2000x8xf32, #tpu.memory_space<vmem>>) target(%dma_start3A_58 : memref<10240x8xf32, #tpu.memory_space<vmem_shared>>) offsets(%arg7 : memref<2000xi32, #tpu.memory_space<vmem>>) semaphore(%run_scoped3A : memref<!tpu.dma_semaphore, #tpu.memory_space<semaphore_mem>>) {add = true}
      %dma_wait3A_59 = arith.constant 0 : i32
      %dma_wait3A_60 = arith.constant 0 : i32
      %dma_wait3A_61 = tpu.memref_slice %arg9[%dma_wait3A_59, %dma_wait3A_60] : memref<10240x8xf32, #tpu.memory_space<vmem_shared>> -> memref<10240x8xf32, #tpu.memory_space<vmem_shared>>
      tpu.wait_indirect_dma semaphore(%run_scoped3A : memref<!tpu.dma_semaphore, #tpu.memory_space<semaphore_mem>>) src(%arg8 : memref<2000x8xf32, #tpu.memory_space<vmem>>) dst(%dma_wait3A_61 : memref<10240x8xf32, #tpu.memory_space<vmem_shared>>)
      tpu.yield
    }) : () -> ()
    %mul3A_31 = arith.constant 5 : i32
    %mul3A_32 = arith.muli %add3A, %mul3A_31 : i32
    %add3A_33 = arith.constant 3 : i32
    %add3A_34 = arith.addi %mul3A_32, %add3A_33 : i32
    %mul3A_35 = arith.constant 2000 : i32
    %mul3A_36 = arith.muli %add3A_34, %mul3A_35 : i32
    %multiple_of3A_37 = tpu.assume_multiple %mul3A_36, 8 : i32
    %dma_start3A_38 = tpu.memref_slice %arg2[%multiple_of3A_37] : memref<320000xi32, #tpu.memory_space<hbm>> -> memref<2000xi32, #tpu.memory_space<hbm>>
    %dma_start3A_39 = tpu.memref_slice %arg2[%multiple_of3A_37] : memref<320000xi32, #tpu.memory_space<hbm>> -> memref<2000xi32, #tpu.memory_space<hbm>>
    tpu.enqueue_dma source(%dma_start3A_39 : memref<2000xi32, #tpu.memory_space<hbm>>) target(%arg7 : memref<2000xi32, #tpu.memory_space<vmem>>) target_semaphore(%arg11 : memref<!tpu.dma_semaphore, #tpu.memory_space<semaphore_mem>>)
    %dma_wait3A_40 = tpu.memref_slice %arg2[%multiple_of3A_26] : memref<320000xi32, #tpu.memory_space<hbm>> -> memref<2000xi32, #tpu.memory_space<hbm>>
    %dma_wait3A_41 = tpu.memref_slice %arg2[%multiple_of3A_26] : memref<320000xi32, #tpu.memory_space<hbm>> -> memref<2000xi32, #tpu.memory_space<hbm>>
    tpu.wait_dma2 semaphore(%arg10 : memref<!tpu.dma_semaphore, #tpu.memory_space<semaphore_mem>>) src(%dma_wait3A_41 : memref<2000xi32, #tpu.memory_space<hbm>>) dst(%arg6 : memref<2000xi32, #tpu.memory_space<vmem>>)
    "tpu.region"() ({
      %run_scoped3A = tpu.sem_alloc : memref<!tpu.dma_semaphore, #tpu.memory_space<semaphore_mem>>
      %dma_start3A_56 = arith.constant 0 : i32
      %dma_start3A_57 = arith.constant 0 : i32
      %dma_start3A_58 = tpu.memref_slice %arg9[%dma_start3A_56, %dma_start3A_57] : memref<10240x8xf32, #tpu.memory_space<vmem_shared>> -> memref<10240x8xf32, #tpu.memory_space<vmem_shared>>
      tpu.enqueue_indirect_dma source(%arg8 : memref<2000x8xf32, #tpu.memory_space<vmem>>) target(%dma_start3A_58 : memref<10240x8xf32, #tpu.memory_space<vmem_shared>>) offsets(%arg6 : memref<2000xi32, #tpu.memory_space<vmem>>) semaphore(%run_scoped3A : memref<!tpu.dma_semaphore, #tpu.memory_space<semaphore_mem>>) {add = true}
      %dma_wait3A_59 = arith.constant 0 : i32
      %dma_wait3A_60 = arith.constant 0 : i32
      %dma_wait3A_61 = tpu.memref_slice %arg9[%dma_wait3A_59, %dma_wait3A_60] : memref<10240x8xf32, #tpu.memory_space<vmem_shared>> -> memref<10240x8xf32, #tpu.memory_space<vmem_shared>>
      tpu.wait_indirect_dma semaphore(%run_scoped3A : memref<!tpu.dma_semaphore, #tpu.memory_space<semaphore_mem>>) src(%arg8 : memref<2000x8xf32, #tpu.memory_space<vmem>>) dst(%dma_wait3A_61 : memref<10240x8xf32, #tpu.memory_space<vmem_shared>>)
      tpu.yield
    }) : () -> ()
    %mul3A_42 = arith.constant 5 : i32
    %mul3A_43 = arith.muli %add3A, %mul3A_42 : i32
    %add3A_44 = arith.constant 4 : i32
    %add3A_45 = arith.addi %mul3A_43, %add3A_44 : i32
    %mul3A_46 = arith.constant 2000 : i32
    %mul3A_47 = arith.muli %add3A_45, %mul3A_46 : i32
    %multiple_of3A_48 = tpu.assume_multiple %mul3A_47, 8 : i32
    %dma_start3A_49 = tpu.memref_slice %arg2[%multiple_of3A_48] : memref<320000xi32, #tpu.memory_space<hbm>> -> memref<2000xi32, #tpu.memory_space<hbm>>
    %dma_start3A_50 = tpu.memref_slice %arg2[%multiple_of3A_48] : memref<320000xi32, #tpu.memory_space<hbm>> -> memref<2000xi32, #tpu.memory_space<hbm>>
    tpu.enqueue_dma source(%dma_start3A_50 : memref<2000xi32, #tpu.memory_space<hbm>>) target(%arg6 : memref<2000xi32, #tpu.memory_space<vmem>>) target_semaphore(%arg10 : memref<!tpu.dma_semaphore, #tpu.memory_space<semaphore_mem>>)
    %dma_wait3A_51 = tpu.memref_slice %arg2[%multiple_of3A_37] : memref<320000xi32, #tpu.memory_space<hbm>> -> memref<2000xi32, #tpu.memory_space<hbm>>
    %dma_wait3A_52 = tpu.memref_slice %arg2[%multiple_of3A_37] : memref<320000xi32, #tpu.memory_space<hbm>> -> memref<2000xi32, #tpu.memory_space<hbm>>
    tpu.wait_dma2 semaphore(%arg11 : memref<!tpu.dma_semaphore, #tpu.memory_space<semaphore_mem>>) src(%dma_wait3A_52 : memref<2000xi32, #tpu.memory_space<hbm>>) dst(%arg7 : memref<2000xi32, #tpu.memory_space<vmem>>)
    "tpu.region"() ({
      %run_scoped3A = tpu.sem_alloc : memref<!tpu.dma_semaphore, #tpu.memory_space<semaphore_mem>>
      %dma_start3A_56 = arith.constant 0 : i32
      %dma_start3A_57 = arith.constant 0 : i32
      %dma_start3A_58 = tpu.memref_slice %arg9[%dma_start3A_56, %dma_start3A_57] : memref<10240x8xf32, #tpu.memory_space<vmem_shared>> -> memref<10240x8xf32, #tpu.memory_space<vmem_shared>>
      tpu.enqueue_indirect_dma source(%arg8 : memref<2000x8xf32, #tpu.memory_space<vmem>>) target(%dma_start3A_58 : memref<10240x8xf32, #tpu.memory_space<vmem_shared>>) offsets(%arg7 : memref<2000xi32, #tpu.memory_space<vmem>>) semaphore(%run_scoped3A : memref<!tpu.dma_semaphore, #tpu.memory_space<semaphore_mem>>) {add = true}
      %dma_wait3A_59 = arith.constant 0 : i32
      %dma_wait3A_60 = arith.constant 0 : i32
      %dma_wait3A_61 = tpu.memref_slice %arg9[%dma_wait3A_59, %dma_wait3A_60] : memref<10240x8xf32, #tpu.memory_space<vmem_shared>> -> memref<10240x8xf32, #tpu.memory_space<vmem_shared>>
      tpu.wait_indirect_dma semaphore(%run_scoped3A : memref<!tpu.dma_semaphore, #tpu.memory_space<semaphore_mem>>) src(%arg8 : memref<2000x8xf32, #tpu.memory_space<vmem>>) dst(%dma_wait3A_61 : memref<10240x8xf32, #tpu.memory_space<vmem_shared>>)
      tpu.yield
    }) : () -> ()
    %dma_wait3A_53 = tpu.memref_slice %arg2[%multiple_of3A_48] : memref<320000xi32, #tpu.memory_space<hbm>> -> memref<2000xi32, #tpu.memory_space<hbm>>
    %dma_wait3A_54 = tpu.memref_slice %arg2[%multiple_of3A_48] : memref<320000xi32, #tpu.memory_space<hbm>> -> memref<2000xi32, #tpu.memory_space<hbm>>
    tpu.wait_dma2 semaphore(%arg10 : memref<!tpu.dma_semaphore, #tpu.memory_space<semaphore_mem>>) src(%dma_wait3A_54 : memref<2000xi32, #tpu.memory_space<hbm>>) dst(%arg6 : memref<2000xi32, #tpu.memory_space<vmem>>)
    "tpu.region"() ({
      %run_scoped3A = tpu.sem_alloc : memref<!tpu.dma_semaphore, #tpu.memory_space<semaphore_mem>>
      %dma_start3A_56 = arith.constant 0 : i32
      %dma_start3A_57 = arith.constant 0 : i32
      %dma_start3A_58 = tpu.memref_slice %arg9[%dma_start3A_56, %dma_start3A_57] : memref<10240x8xf32, #tpu.memory_space<vmem_shared>> -> memref<10240x8xf32, #tpu.memory_space<vmem_shared>>
      tpu.enqueue_indirect_dma source(%arg8 : memref<2000x8xf32, #tpu.memory_space<vmem>>) target(%dma_start3A_58 : memref<10240x8xf32, #tpu.memory_space<vmem_shared>>) offsets(%arg6 : memref<2000xi32, #tpu.memory_space<vmem>>) semaphore(%run_scoped3A : memref<!tpu.dma_semaphore, #tpu.memory_space<semaphore_mem>>) {add = true}
      %dma_wait3A_59 = arith.constant 0 : i32
      %dma_wait3A_60 = arith.constant 0 : i32
      %dma_wait3A_61 = tpu.memref_slice %arg9[%dma_wait3A_59, %dma_wait3A_60] : memref<10240x8xf32, #tpu.memory_space<vmem_shared>> -> memref<10240x8xf32, #tpu.memory_space<vmem_shared>>
      tpu.wait_indirect_dma semaphore(%run_scoped3A : memref<!tpu.dma_semaphore, #tpu.memory_space<semaphore_mem>>) src(%arg8 : memref<2000x8xf32, #tpu.memory_space<vmem>>) dst(%dma_wait3A_61 : memref<10240x8xf32, #tpu.memory_space<vmem_shared>>)
      tpu.yield
    }) : () -> ()
    %barrier3A_55 = arith.constant 0 : index
    tpu.barrier barrier_id(%barrier3A_55)
    "tpu.region"() ({
      %run_scoped3A = tpu.sem_alloc : memref<!tpu.dma_semaphore, #tpu.memory_space<semaphore_mem>>
      %dma_start3A_56 = arith.constant 0 : i32
      %dma_start3A_57 = tpu.memref_slice %arg5[%arg0, %mul3A_2, %dma_start3A_56] : memref<2x10240x8xf32, #tpu.memory_space<hbm>> -> memref<1x640x8xf32, #tpu.memory_space<hbm>>
      %dma_start3A_58 = tpu.memref_squeeze %dma_start3A_57 : memref<1x640x8xf32, #tpu.memory_space<hbm>> -> memref<640x8xf32, #tpu.memory_space<hbm>>
      %dma_start3A_59 = arith.constant 0 : i32
      %dma_start3A_60 = tpu.memref_slice %arg9[%mul3A_2, %dma_start3A_59] : memref<10240x8xf32, #tpu.memory_space<vmem_shared>> -> memref<640x8xf32, #tpu.memory_space<vmem_shared>>
      tpu.enqueue_dma source(%dma_start3A_60 : memref<640x8xf32, #tpu.memory_space<vmem_shared>>) target(%dma_start3A_58 : memref<640x8xf32, #tpu.memory_space<hbm>>) target_semaphore(%run_scoped3A : memref<!tpu.dma_semaphore, #tpu.memory_space<semaphore_mem>>)
      %dma_wait3A_61 = arith.constant 0 : i32
      %dma_wait3A_62 = tpu.memref_slice %arg5[%arg0, %mul3A_2, %dma_wait3A_61] : memref<2x10240x8xf32, #tpu.memory_space<hbm>> -> memref<1x640x8xf32, #tpu.memory_space<hbm>>
      %dma_wait3A_63 = tpu.memref_squeeze %dma_wait3A_62 : memref<1x640x8xf32, #tpu.memory_space<hbm>> -> memref<640x8xf32, #tpu.memory_space<hbm>>
      %dma_wait3A_64 = arith.constant 0 : i32
      %dma_wait3A_65 = tpu.memref_slice %arg9[%mul3A_2, %dma_wait3A_64] : memref<10240x8xf32, #tpu.memory_space<vmem_shared>> -> memref<640x8xf32, #tpu.memory_space<vmem_shared>>
      tpu.wait_dma2 semaphore(%run_scoped3A : memref<!tpu.dma_semaphore, #tpu.memory_space<semaphore_mem>>) src(%dma_wait3A_65 : memref<640x8xf32, #tpu.memory_space<vmem_shared>>) dst(%dma_wait3A_63 : memref<640x8xf32, #tpu.memory_space<hbm>>)
      tpu.yield
    }) : () -> ()
    return
  }
}

module attributes {stable_mosaic.version = 14 : i64} {
  func.func @_dense1_body(%arg0: i32, %arg1: memref<2048x128xf32, #tpu.memory_space<vmem>>, %arg2: memref<128x64xf32, #tpu.memory_space<vmem>>, %arg3: memref<2x2048x8xf32, #tpu.memory_space<vmem>>, %arg4: memref<2048x64xf32, #tpu.memory_space<vmem>>, %arg5: memref<2048x1xf32, #tpu.memory_space<vmem>>) attributes {dimension_semantics = [#tpu.dimension_semantics<arbitrary>], iteration_bounds = array<i64: 5>, scalar_prefetch = 0 : i64, scratch_operands = 0 : i64, tpu.core_type = #tpu.core_type<tc>, window_params = [{transform_indices = @transform_0, window_bounds = array<i64: 2048, 128>}, {pipeline_mode = #tpu.pipeline_mode<synchronous>, transform_indices = @transform_1, window_bounds = array<i64: 128, 64>}, {transform_indices = @transform_2, window_bounds = array<i64: 2, 2048, 8>}, {transform_indices = @transform_3, window_bounds = array<i64: 2048, 64>}, {transform_indices = @transform_4, window_bounds = array<i64: 2048, 1>}]} {
    %get3A = arith.constant 0 : index
    %get3A_0 = arith.constant 0 : index
    %get3A_1 = arith.constant 0 : index
    %get3A_2 = vector.load %arg3[%get3A, %get3A_0, %get3A_1] : memref<2x2048x8xf32, #tpu.memory_space<vmem>>, vector<1x2048x1xf32>
    %get3A_3 = vector.shape_cast %get3A_2 : vector<1x2048x1xf32> to vector<2048x1xf32>
    %get3A_4 = arith.constant 1 : index
    %get3A_5 = arith.constant 0 : index
    %get3A_6 = arith.constant 0 : index
    %get3A_7 = vector.load %arg3[%get3A_4, %get3A_5, %get3A_6] : memref<2x2048x8xf32, #tpu.memory_space<vmem>>, vector<1x2048x1xf32>
    %get3A_8 = vector.shape_cast %get3A_7 : vector<1x2048x1xf32> to vector<2048x1xf32>
    %add3A = arith.addf %get3A_3, %get3A_8 : vector<2048x1xf32>
    %add3A_9 = arith.constant 1.000000e+00 : f32
    %add3A_10 = vector.broadcast %add3A_9 : f32 to vector<2048x1xf32>
    %add3A_11 = arith.addf %add3A, %add3A_10 : vector<2048x1xf32>
    %rsqrt3A = math.rsqrt %add3A_11 : vector<2048x1xf32>
    %get3A_12 = arith.constant 0 : index
    %get3A_13 = arith.constant 0 : index
    %get3A_14 = vector.load %arg1[%get3A_12, %get3A_13] : memref<2048x128xf32, #tpu.memory_space<vmem>>, vector<2048x128xf32>
    %get3A_15 = arith.constant 0 : index
    %get3A_16 = arith.constant 0 : index
    %get3A_17 = vector.load %arg2[%get3A_15, %get3A_16] : memref<128x64xf32, #tpu.memory_space<vmem>>, vector<128x64xf32>
    %dot_general3A = arith.constant dense<0.000000e+00> : vector<2048x64xf32>
    %dot_general3A_18 = tpu.matmul %get3A_14, %get3A_17, %dot_general3A {dimension_numbers = #tpu.dot_dimension_numbers<[1], [0], [0], [1], [0, 0, 1, 1], [], []>, transpose_lhs_hint = false} : vector<2048x128xf32>, vector<128x64xf32>, vector<2048x64xf32> -> vector<2048x64xf32>
    %mul3A = vector.broadcast %rsqrt3A : vector<2048x1xf32> to vector<2048x64xf32>
    %mul3A_19 = arith.mulf %dot_general3A_18, %mul3A : vector<2048x64xf32>
    %swap3A = arith.constant 0 : index
    %swap3A_20 = arith.constant 0 : index
    %swap3A_21 = vector.load %arg4[%swap3A, %swap3A_20] : memref<2048x64xf32, #tpu.memory_space<vmem>>, vector<2048x64xf32>
    tpu.vector_store %arg4[%swap3A, %swap3A_20], %mul3A_19 {strides = array<i32>} : memref<2048x64xf32, #tpu.memory_space<vmem>>, vector<2048x64xf32>,
    %swap3A_22 = arith.constant 0 : index
    %swap3A_23 = arith.constant 0 : index
    %swap3A_24 = vector.load %arg5[%swap3A_22, %swap3A_23] : memref<2048x1xf32, #tpu.memory_space<vmem>>, vector<2048x1xf32>
    tpu.vector_store %arg5[%swap3A_22, %swap3A_23], %rsqrt3A {strides = array<i32>} : memref<2048x1xf32, #tpu.memory_space<vmem>>, vector<2048x1xf32>,
    return
  }
  func.func @transform_0(%arg0: i32) -> (i32, i32) {
    %c0_i32 = arith.constant 0 : i32
    %c0_i32_0 = arith.constant 0 : i32
    return %arg0, %c0_i32 : i32, i32
  }
  func.func @transform_1(%arg0: i32) -> (i32, i32) {
    %c0_i32 = arith.constant 0 : i32
    %c0_i32_0 = arith.constant 0 : i32
    %c0_i32_1 = arith.constant 0 : i32
    return %c0_i32, %c0_i32_0 : i32, i32
  }
  func.func @transform_2(%arg0: i32) -> (i32, i32, i32) {
    %c0_i32 = arith.constant 0 : i32
    %c0_i32_0 = arith.constant 0 : i32
    %c0_i32_1 = arith.constant 0 : i32
    return %c0_i32, %arg0, %c0_i32_0 : i32, i32, i32
  }
  func.func @transform_3(%arg0: i32) -> (i32, i32) {
    %c0_i32 = arith.constant 0 : i32
    %c0_i32_0 = arith.constant 0 : i32
    return %arg0, %c0_i32 : i32, i32
  }
  func.func @transform_4(%arg0: i32) -> (i32, i32) {
    %c0_i32 = arith.constant 0 : i32
    %c0_i32_0 = arith.constant 0 : i32
    return %arg0, %c0_i32 : i32, i32
  }
}

module attributes {stable_mosaic.version = 14 : i64} {
  func.func @_dense2_body(%arg0: i32, %arg1: memref<2x2048x64xf32, #tpu.memory_space<vmem>>, %arg2: memref<2048x1xf32, #tpu.memory_space<vmem>>, %arg3: memref<64x8xf32, #tpu.memory_space<vmem>>, %arg4: memref<1x64xf32, #tpu.memory_space<vmem>>, %arg5: memref<2048x8xf32, #tpu.memory_space<vmem>>) attributes {dimension_semantics = [#tpu.dimension_semantics<arbitrary>], iteration_bounds = array<i64: 5>, scalar_prefetch = 0 : i64, scratch_operands = 0 : i64, tpu.core_type = #tpu.core_type<tc>, window_params = [{transform_indices = @transform_0, window_bounds = array<i64: 2, 2048, 64>}, {transform_indices = @transform_1, window_bounds = array<i64: 2048, 1>}, {pipeline_mode = #tpu.pipeline_mode<synchronous>, transform_indices = @transform_2, window_bounds = array<i64: 64, 8>}, {pipeline_mode = #tpu.pipeline_mode<synchronous>, transform_indices = @transform_3, window_bounds = array<i64: 1, 64>}, {transform_indices = @transform_4, window_bounds = array<i64: 2048, 8>}]} {
    %get3A = arith.constant 0 : index
    %get3A_0 = arith.constant 0 : index
    %get3A_1 = vector.load %arg2[%get3A, %get3A_0] : memref<2048x1xf32, #tpu.memory_space<vmem>>, vector<2048x1xf32>
    %get3A_2 = arith.constant 0 : index
    %get3A_3 = arith.constant 0 : index
    %get3A_4 = arith.constant 0 : index
    %get3A_5 = vector.load %arg1[%get3A_2, %get3A_3, %get3A_4] : memref<2x2048x64xf32, #tpu.memory_space<vmem>>, vector<1x2048x64xf32>
    %get3A_6 = vector.shape_cast %get3A_5 : vector<1x2048x64xf32> to vector<2048x64xf32>
    %get3A_7 = arith.constant 1 : index
    %get3A_8 = arith.constant 0 : index
    %get3A_9 = arith.constant 0 : index
    %get3A_10 = vector.load %arg1[%get3A_7, %get3A_8, %get3A_9] : memref<2x2048x64xf32, #tpu.memory_space<vmem>>, vector<1x2048x64xf32>
    %get3A_11 = vector.shape_cast %get3A_10 : vector<1x2048x64xf32> to vector<2048x64xf32>
    %add3A = arith.addf %get3A_6, %get3A_11 : vector<2048x64xf32>
    %mul3A = vector.broadcast %get3A_1 : vector<2048x1xf32> to vector<2048x64xf32>
    %mul3A_12 = arith.mulf %add3A, %mul3A : vector<2048x64xf32>
    %get3A_13 = arith.constant 0 : index
    %get3A_14 = arith.constant 0 : index
    %get3A_15 = vector.load %arg4[%get3A_13, %get3A_14] : memref<1x64xf32, #tpu.memory_space<vmem>>, vector<1x64xf32>
    %add3A_16 = vector.broadcast %get3A_15 : vector<1x64xf32> to vector<2048x64xf32>
    %add3A_17 = arith.addf %mul3A_12, %add3A_16 : vector<2048x64xf32>
    %max3A = arith.constant 0.000000e+00 : f32
    %max3A_18 = vector.broadcast %max3A : f32 to vector<2048x64xf32>
    %max3A_19 = arith.maximumf %add3A_17, %max3A_18 : vector<2048x64xf32>
    %get3A_20 = arith.constant 0 : index
    %get3A_21 = arith.constant 0 : index
    %get3A_22 = vector.load %arg3[%get3A_20, %get3A_21] : memref<64x8xf32, #tpu.memory_space<vmem>>, vector<64x8xf32>
    %dot_general3A = arith.constant dense<0.000000e+00> : vector<2048x8xf32>
    %dot_general3A_23 = tpu.matmul %max3A_19, %get3A_22, %dot_general3A {dimension_numbers = #tpu.dot_dimension_numbers<[1], [0], [0], [1], [0, 0, 1, 1], [], []>, transpose_lhs_hint = false} : vector<2048x64xf32>, vector<64x8xf32>, vector<2048x8xf32> -> vector<2048x8xf32>
    %mul3A_24 = vector.broadcast %get3A_1 : vector<2048x1xf32> to vector<2048x8xf32>
    %mul3A_25 = arith.mulf %dot_general3A_23, %mul3A_24 : vector<2048x8xf32>
    %swap3A = arith.constant 0 : index
    %swap3A_26 = arith.constant 0 : index
    %swap3A_27 = vector.load %arg5[%swap3A, %swap3A_26] : memref<2048x8xf32, #tpu.memory_space<vmem>>, vector<2048x8xf32>
    tpu.vector_store %arg5[%swap3A, %swap3A_26], %mul3A_25 {strides = array<i32>} : memref<2048x8xf32, #tpu.memory_space<vmem>>, vector<2048x8xf32>,
    return
  }
  func.func @transform_0(%arg0: i32) -> (i32, i32, i32) {
    %c0_i32 = arith.constant 0 : i32
    %c0_i32_0 = arith.constant 0 : i32
    %c0_i32_1 = arith.constant 0 : i32
    return %c0_i32, %arg0, %c0_i32_0 : i32, i32, i32
  }
  func.func @transform_1(%arg0: i32) -> (i32, i32) {
    %c0_i32 = arith.constant 0 : i32
    %c0_i32_0 = arith.constant 0 : i32
    return %arg0, %c0_i32 : i32, i32
  }
  func.func @transform_2(%arg0: i32) -> (i32, i32) {
    %c0_i32 = arith.constant 0 : i32
    %c0_i32_0 = arith.constant 0 : i32
    %c0_i32_1 = arith.constant 0 : i32
    return %c0_i32, %c0_i32_0 : i32, i32
  }
  func.func @transform_3(%arg0: i32) -> (i32, i32) {
    %c0_i32 = arith.constant 0 : i32
    %c0_i32_0 = arith.constant 0 : i32
    %c0_i32_1 = arith.constant 0 : i32
    return %c0_i32, %c0_i32_0 : i32, i32
  }
  func.func @transform_4(%arg0: i32) -> (i32, i32) {
    %c0_i32 = arith.constant 0 : i32
    %c0_i32_0 = arith.constant 0 : i32
    return %arg0, %c0_i32 : i32, i32
  }
}

module attributes {stable_mosaic.version = 14 : i64} {
  func.func @_dense3_body(%arg0: i32, %arg1: memref<2x2048x8xf32, #tpu.memory_space<vmem>>, %arg2: memref<2048x1xf32, #tpu.memory_space<vmem>>, %arg3: memref<1x2xf32, #tpu.memory_space<vmem>>, %arg4: memref<2048x2xf32, #tpu.memory_space<vmem>>) attributes {dimension_semantics = [#tpu.dimension_semantics<arbitrary>], iteration_bounds = array<i64: 5>, scalar_prefetch = 0 : i64, scratch_operands = 0 : i64, tpu.core_type = #tpu.core_type<tc>, window_params = [{transform_indices = @transform_0, window_bounds = array<i64: 2, 2048, 8>}, {transform_indices = @transform_1, window_bounds = array<i64: 2048, 1>}, {pipeline_mode = #tpu.pipeline_mode<synchronous>, transform_indices = @transform_2, window_bounds = array<i64: 1, 2>}, {transform_indices = @transform_3, window_bounds = array<i64: 2048, 2>}]} {
    %get3A = arith.constant 0 : index
    %get3A_0 = arith.constant 0 : index
    %get3A_1 = arith.constant 0 : index
    %get3A_2 = vector.load %arg1[%get3A, %get3A_0, %get3A_1] : memref<2x2048x8xf32, #tpu.memory_space<vmem>>, vector<1x2048x2xf32>
    %get3A_3 = vector.shape_cast %get3A_2 : vector<1x2048x2xf32> to vector<2048x2xf32>
    %get3A_4 = arith.constant 1 : index
    %get3A_5 = arith.constant 0 : index
    %get3A_6 = arith.constant 0 : index
    %get3A_7 = vector.load %arg1[%get3A_4, %get3A_5, %get3A_6] : memref<2x2048x8xf32, #tpu.memory_space<vmem>>, vector<1x2048x2xf32>
    %get3A_8 = vector.shape_cast %get3A_7 : vector<1x2048x2xf32> to vector<2048x2xf32>
    %add3A = arith.addf %get3A_3, %get3A_8 : vector<2048x2xf32>
    %get3A_9 = arith.constant 0 : index
    %get3A_10 = arith.constant 0 : index
    %get3A_11 = vector.load %arg2[%get3A_9, %get3A_10] : memref<2048x1xf32, #tpu.memory_space<vmem>>, vector<2048x1xf32>
    %mul3A = vector.broadcast %get3A_11 : vector<2048x1xf32> to vector<2048x2xf32>
    %mul3A_12 = arith.mulf %add3A, %mul3A : vector<2048x2xf32>
    %get3A_13 = arith.constant 0 : index
    %get3A_14 = arith.constant 0 : index
    %get3A_15 = vector.load %arg3[%get3A_13, %get3A_14] : memref<1x2xf32, #tpu.memory_space<vmem>>, vector<1x2xf32>
    %add3A_16 = vector.broadcast %get3A_15 : vector<1x2xf32> to vector<2048x2xf32>
    %add3A_17 = arith.addf %mul3A_12, %add3A_16 : vector<2048x2xf32>
    %swap3A = arith.constant 0 : index
    %swap3A_18 = arith.constant 0 : index
    %swap3A_19 = vector.load %arg4[%swap3A, %swap3A_18] : memref<2048x2xf32, #tpu.memory_space<vmem>>, vector<2048x2xf32>
    tpu.vector_store %arg4[%swap3A, %swap3A_18], %add3A_17 {strides = array<i32>} : memref<2048x2xf32, #tpu.memory_space<vmem>>, vector<2048x2xf32>,
    return
  }
  func.func @transform_0(%arg0: i32) -> (i32, i32, i32) {
    %c0_i32 = arith.constant 0 : i32
    %c0_i32_0 = arith.constant 0 : i32
    %c0_i32_1 = arith.constant 0 : i32
    return %c0_i32, %arg0, %c0_i32_0 : i32, i32, i32
  }
  func.func @transform_1(%arg0: i32) -> (i32, i32) {
    %c0_i32 = arith.constant 0 : i32
    %c0_i32_0 = arith.constant 0 : i32
    return %arg0, %c0_i32 : i32, i32
  }
  func.func @transform_2(%arg0: i32) -> (i32, i32) {
    %c0_i32 = arith.constant 0 : i32
    %c0_i32_0 = arith.constant 0 : i32
    %c0_i32_1 = arith.constant 0 : i32
    return %c0_i32, %c0_i32_0 : i32, i32
  }
  func.func @transform_3(%arg0: i32) -> (i32, i32) {
    %c0_i32 = arith.constant 0 : i32
    %c0_i32_0 = arith.constant 0 : i32
    return %arg0, %c0_i32 : i32, i32
  }
}

</mosaic_0001>

<sc_bundles>
// kernel: kernel.11.cloned.1.call-start
scs
__scs_entry_jumppad:
0x0: {  	(pc) =	sbr.rel $0x88, $3  }
0x1: {  	(tag) =	ssettag $0x0;
	lr =	simm.s32 $0x1  }
0x2: {  	[smem:$0x3F9B] =	sst lr;
	_ =	strace $0xD0000000  }
0x3: {  	_ = 	snop  }
0x4: {  	_ = 	snop  }
0x5: {  	_ = 	snop  }
0x6: {  	_ = 	snop  }
0x7: {  	_ = 	snop  }
__scs_overlays_trampoline_lowered:
0x8: {  	[smem:$0x3FAA] =	sst s0  }
0x9: {  	[smem:$0x3FAB] =	sst s1  }
0xa: {  	[smem:$0x3FAC] =	sst s2  }
0xb: {  	[smem:$0x3FAD] =	sst s3  }
0xc: {  	[smem:$0x3FAE] =	sst s4  }
0xd: {  	[smem:$0x3FAF] =	sst s5  }
0xe: {  	[smem:$0x3FB0] =	sst s6  }
0xf: {  	[smem:$0x3FB1] =	sst s7  }
0x10: {  	[smem:$0x3FB2] =	sst s8  }
0x11: {  	[smem:$0x3FB3] =	sst s9;
	s0 =	simm.s32 @!p0 $0x0  }
0x12: {  	s1 =	sld [smem:$0x3F99];
	s0 =	simm.s32 @p0 $0x1  }
0x13: {  	[smem:$0x3FB4] =	sst s0;
	s0 =	simm.s32 @!p1 $0x0  }
0x14: {  	s2 =	sld [smem:$0x3F98];
	s0 =	simm.s32 @p1 $0x1  }
0x15: {  	[smem:$0x3FB5] =	sst s0;
	s0 =	simm.s32 @!p2 $0x0  }
0x16: {  	s3 =	sld [smem:$0x3FDB];
	s0 =	simm.s32 @p2 $0x1  }
0x17: {  	s4 =	simm.s32 $0x1BF5;
	[smem:$0x3FB7] =	sst s0  }
0x18: {  	s0 =	sld [smem:$0x3F9A];
	_ =	swait.ge [sflag:s4], $0x0  }
0x19: {  	s7 =	sld [smem:$0x3F9B]  }
0x1a: {  	s8 =	sadd.s32 $0xFFFFE003, lr  }
0x1b: {  	s9 =	sadd.s32 $0xFFFFFEF7, lr;
	s5 =	simm.s32 $0xFFFFFFFF;
	p2 =	slt.u32 s8, $0xFFFFF086  }
0x1c: {  	p1 =	slt.u32 s9, $0xF7A;
	s5 =	simm.s32 @!p2 $0x0  }
0x1d: {  	s5 =	simm.s32 @p1 $0x1;
	p0 =	seq.s32 s7, s2  }
0x1e: {  	s7 =	smul.u32 @!p0 $0xF7A, s2;
	p2 =	seq.s32 @!p0 s5, $0x0  }
0x1f: {  	s9 =	smul.u32 $0xF7A, s1;
	s8 =	simm.s32 @!p0 $0x1BF5;
	p2 =	por !p2, p0  }
0x20: {  	[sflag:s8] =	ssyncset.s32 @!p0 $0xFFFFF086;
	s6 =	sadd.s32 @!p0 s3, s7;
	s7 =	simm.s32 @!p0 $0x108  }
0x21: {  	s3 =	sadd.s32 s3, s9;
	s6 =	sadd.s32 @!p0 $0x88, s6;
	s7 =	simm.s32 @p2 $0x1082  }
0x22: {  	[simem:s7], [sflag:s8] =	dma.local @!p0 [hbm:s6], $0xF7A  }
0x23: {  	s9 =	sor.u32 $0xD0000000, s2;
	s6 =	simm.s32 $0x108;
	_ =	swait.ge @!p0 [sflag:s8], $0x0  }
0x24: {  	s3 =	sadd.s32 $0x88, s3;
	s6 =	simm.s32 @!p1 $0x1082;
	[sflag:s4] =	ssyncset.s32 $0xFFFFF086  }
0x25: {  	[simem:s6], [sflag:s4] =	dma.local [hbm:s3], $0xF7A  }
0x26: {  	[smem:$0x3F9B] =	sst s1;
	(tag) =	ssettag s2;
	_ =	strace s9  }
0x27: {  	s1 =	sld [smem:$0x3FAB]  }
0x28: {  	s2 =	sld [smem:$0x3FAC]  }
0x29: {  	s4 =	sld [smem:$0x3FAE]  }
0x2a: {  	p0 =	seq.s32 s5, $0x0;
	s5 =	sld [smem:$0x3FAF]  }
0x2b: {  	s6 =	sld [smem:$0x3FB0]  }
0x2c: {  	s7 =	sld [smem:$0x3FB1]  }
0x2d: {  	s3 =	simm.s32 $0x108;
	s8 =	sld [smem:$0x3FB2]  }
0x2e: {  	s3 =	simm.s32 @!p0 $0x1082;
	s9 =	sld [smem:$0x3FB3]  }
0x2f: {  	lr =	sadd.s32 s0, s3;
	s0 =	sld [smem:$0x3FAA]  }
0x30: {  	s3 =	sld [smem:$0x3FAD]  }
0x31: {  	[smem:$0x3FB6] =	sst s10  }
0x32: {  	s10 =	sld [smem:$0x3FB4];
	_ =	sdelay $0x3  }
0x33: {  	p0 =	seq.s32 s10, $0x1;
	s10 =	sld [smem:$0x3FB6];
	_ =	sdelay $0x3  }
0x34: {  	[smem:$0x3FB6] =	sst s10  }
0x35: {  	s10 =	sld [smem:$0x3FB5];
	_ =	sdelay $0x3  }
0x36: {  	p1 =	seq.s32 s10, $0x1;
	s10 =	sld [smem:$0x3FB6];
	_ =	sdelay $0x3  }
0x37: {  	[smem:$0x3FB6] =	sst s10  }
0x38: {  	s10 =	sld [smem:$0x3FB7]  }
0x39: {  	_ = 	snop;
	(pc) =	sbr.ind lr, $3  }
0x3a: {  	_ = 	snop  }
0x3b: {  	_ = 	snop  }
0x3c: {  	p2 =	seq.s32 s10, $0x1;
	s10 =	sld [smem:$0x3FB6]  }
0x3d: {  	_ =	shalt  }
0x3e: {  	_ =	shalt  }
0x3f: {  	_ =	shalt  }
0x40: {  	_ =	shalt  }
0x41: {  	_ =	shalt  }
0x42: {  	_ =	shalt  }
0x43: {  	_ =	shalt  }
0x44: {  	_ =	shalt  }
0x45: {  	_ =	shalt  }
0x46: {  	_ =	shalt  }
0x47: {  	_ =	shalt  }
0x48: {  	_ =	shalt  }
0x49: {  	_ =	shalt  }
0x4a: {  	_ =	shalt  }
0x4b: {  	_ =	shalt  }
0x4c: {  	_ =	shalt  }
0x4d: {  	_ =	shalt  }
0x4e: {  	_ =	shalt  }
0x4f: {  	_ =	shalt  }
0x50: {  	_ =	shalt  }
0x51: {  	_ =	shalt  }
0x52: {  	_ =	shalt  }
0x53: {  	_ =	shalt  }
0x54: {  	_ =	shalt  }
0x55: {  	_ =	shalt  }
0x56: {  	_ =	shalt  }
0x57: {  	_ =	shalt  }
0x58: {  	_ =	shalt  }
0x59: {  	_ =	shalt  }
0x5a: {  	_ =	shalt  }
0x5b: {  	_ =	shalt  }
0x5c: {  	_ =	shalt  }
0x5d: {  	_ =	shalt  }
0x5e: {  	_ =	shalt  }
0x5f: {  	_ =	shalt  }
0x60: {  	_ =	shalt  }
0x61: {  	_ =	shalt  }
0x62: {  	_ =	shalt  }
0x63: {  	_ =	shalt  }
0x64: {  	_ =	shalt  }
0x65: {  	_ =	shalt  }
0x66: {  	_ =	shalt  }
0x67: {  	_ =	shalt  }
0x68: {  	_ =	shalt  }
0x69: {  	_ =	shalt  }
0x6a: {  	_ =	shalt  }
0x6b: {  	_ =	shalt  }
0x6c: {  	_ =	shalt  }
0x6d: {  	_ =	shalt  }
0x6e: {  	_ =	shalt  }
0x6f: {  	_ =	shalt  }
0x70: {  	_ =	shalt  }
0x71: {  	_ =	shalt  }
0x72: {  	_ =	shalt  }
0x73: {  	_ =	shalt  }
0x74: {  	_ =	shalt  }
0x75: {  	_ =	shalt  }
0x76: {  	_ =	shalt  }
0x77: {  	_ =	shalt  }
0x78: {  	_ =	shalt  }
0x79: {  	_ =	shalt  }
0x7a: {  	_ =	shalt  }
0x7b: {  	_ =	shalt  }
0x7c: {  	_ =	shalt  }
0x7d: {  	_ =	shalt  }
0x7e: {  	_ =	shalt  }
0x7f: {  	_ =	shalt  }
0x80: {  	_ =	shalt  }
0x81: {  	_ =	shalt  }
0x82: {  	_ =	shalt  }
0x83: {  	_ =	shalt  }
0x84: {  	_ =	shalt  }
0x85: {  	_ =	shalt  }
0x86: {  	_ =	shalt  }
0x87: {  	_ =	shalt  }
.Lfunc_end0:
.L_simem_size_0:
called_computation.1_lowered:
.L_overlay_start_0:
0x88: {  	s2 =	sld [smem:$0x3FD9]  }
0x89: {  	s3 =	sld [smem:$0x3FFE];
	_ =	sdelay $0x1  }
0x8a: {  	s1 =	srdreg.scid  }
0x8b: {  	s0 =	sand.u32 $0x1, s1  }
0x8c: {  	s16 =	sshll.u32 s0, $0xA;
	s2 =	sadd.s32 s3, s2  }
0x8d: {  	s2 =	sadd.s32 s2, s16  }
0x8e: {  	[smem:$0x3FC2] =	sst s2  }
0x8f: {  	_ = 	snop  }
0x90: {  	(tm) =	ssettm $0x1  }
0x91: {  	s17 =	sld [smem:$0x3FFB];
	_ =	sdelay $0x3  }
0x92: {  	_ =	strace s17  }
0x93: {  	s2 =	sld [smem:$0x3FFC];
	_ =	sdelay $0x3  }
0x94: {  	_ =	strace s2  }
0x95: {  	s2 =	sld [smem:$0x3FFD];
	_ =	sdelay $0x3  }
0x96: {  	_ =	strace s2  }
0x97: {  	_ =	strace $0x8FFFFFFF  }
0x98: {  	s18 =	sld [smem:$0x3FDB];
	_ =	sdelay $0x1  }
0x99: {  	s19 =	simm.s32 $_scs_section_size  }
0x9a: {  	s4 =	simm.s32 $_size__tile_overlayer_lowered;
	s5 =	simm.s32 $_tile_overlayer_lowered  }
0x9b: {  	s22 =	simm.s32 $0x1BFF;
	s21 =	sshll.u32 s5, $0x1;
	s2 =	sadd.s32 s19, s18  }
0x9c: {  	s6 =	simm.s32 $0x0;
	s20 =	sshll.u32 s4, $0x1;
	s4 =	sadd.s32 s21, s2  }
0x9d: {  	[timem:s6], [sflag:s22] =	dma.local [hbm:s4], s20  }
0x9e: {  	_ =	swait.ge [sflag:s22], s20  }
0x9f: {  	s3 =	ssub.s32 $0x0, s20;
	[sflag:s22] =	ssyncset.done $0x0  }
0xa0: {  	[sflag:s22] =	ssyncadd.s32 s3;
	_ =	sdelay $0x1  }
0xa1: {  	s23 =	simm.s32 $0x1B8B  }
0xa2: {  	_ =	swait.ge [sflag:s23], $0x1  }
0xa3: {  	[sflag:s23] =	ssyncset.done $0x0  }
0xa4: {  	s25 =	simm.s32 $0x1B8E;
	s24 =	sld [smem:$0x3FFE];
	[sflag:s23] =	ssyncadd.s32 $0xFFFFFFFF  }
0xa5: {  	s26 =	simm.s32 $execute0_lowered;
	[smem:$0x3FD2] =	sst s25  }
0xa6: {  	s4 =	sshll.u32 s26, $0x1;
	_ =	strace $0x80000049;
	[dreg:$0x1] =	wrdreg $0xFFFFFFFF  }
0xa7: {  	s28 =	simm.s32 $_size_execute0_lowered;
	s2 =	sadd.s32 s2, s4;
	[dreg:$0x0] =	wrdreg $0x0  }
0xa8: {  	s4 =	sshll.u32 s28, $0x1;
	[dreg:$0x2] =	wrdreg s2  }
0xa9: {  	[dreg:$0x3] =	wrdreg s4  }
0xaa: {  	[dreg:$0x4] =	wrdreg $0xC0  }
0xab: {  	_ =	task [dreg:s6], $0x5FFFF  }
0xac: {  	[dreg:$0x1] =	wrdreg $0xFFFFFFFF  }
0xad: {  	[dreg:$0x0] =	wrdreg $0x60  }
0xae: {  	[dreg:$0x2] =	wrdreg s24  }
0xaf: {  	[dreg:$0x3] =	wrdreg $0x14A000  }
0xb0: {  	[dreg:$0x4] =	wrdreg $0x9  }
0xb1: {  	_ =	task.clear_ibuf [dreg:s6], $0x5FFFF;
	_ =	strace $0x90000049  }
0xb2: {  	s29 =	simm.s32 $0x9;
	_ =	strace $0x8000004B  }
0xb3: {  	_ =	swait.ge [sflag:s29], $0x1  }
0xb4: {  	[sflag:s29] =	ssyncadd.s32 $0xFFFFFFFF  }
0xb5: {  	_ =	strace $0x9000004B  }
0xb6: {  	_ =	sfence  }
0xb7: {  	s30 =	sld [smem:$0x0];
	_ =	sdelay $0x2  }
0xb8: {  	s31 =	sshll.u32 s1, $0xD;
	s1 =	sshrl.u32 s1, $0x2  }
0xb9: {  	s3 =	sand.u32 $0x4000, s31;
	s1 =	sadd.s32 s1, s30  }
0xba: {  	s0 =	sor.u32 s3, s0;
	s1 =	sshll.u32 s1, $0x11  }
0xbb: {  	s0 =	sor.u32 s1, s0  }
0xbc: {  	s0 =	sadd.s32 $0x8F2B, s0  }
0xbd: {  	[sflag:s0] =	ssyncadd.remote.s32 $0x1  }
0xbe: {  	_ =	sfence.sel $0xFFFF  }
0xbf: {  	[dreg:$0x0] =	wrdreg $0xFFFFFFFF;
	(pc) =	sbr.abs _section_cstart, $3  }
0xc0: {  	[dreg:$0x1] =	wrdreg $0xFFFFFFFF  }
0xc1: {  	_ =	task.clear_ibuf [dreg:s6], $0x2FFFF;
	_ =	strace $0x9FFFFFFF  }
0xc2: {  	(tm) =	ssettm $0x7FFFFFFF  }
0xc3: {  	_ =	shalt  }
tec
execute0_lowered:
.L_overlay_start_1:
0x0: {  	(tag) =	ssettag $0x1  }
0x1: {  	s0 =	srdreg.scid;
	s17 =	stileid.u32  }
0x2: {  	s0 =	sand.u32 $0x1, s0;
	s1 =	sshll.u32 s17, $0x1  }
0x3: {  	s1 =	sor.u32 s0, s1  }
0x4: {  	s7 =	rddreg [dreg:$0x0];
	s3 =	smul.u32 $0xF, s1  }
0x5: {  	s2 =	rddreg [dreg:$0x1]  }
0x6: {  	p0 =	slt.u32 s17, $0xA;
	s4 =	sshll.u32 s1, $0x4;
	s5 =	sadd.s32 $0x14, s3  }
0x7: {  	s18 =	rddreg [dreg:$0x2];
	s1 =	smul.u32 $0xA000, s17;
	s5 =	smov.u32 @p0 s4  }
0x8: {  	p1 =	por $0x0, $0x0;
	s3 =	simm.s32 $0x0;
	s4 =	smul.u32 $0x50, s5  }
0x9: {  	s6 =	sadd.s32 $0xB400, s7;
	[smem:$0x7FF] =	sst s3;
	s8 =	smul.u32 $0x280, s5  }
0xa: {  	s9 =	sadd.s32 s1, s2;
	_ =	strace $0x8000004A;
	s5 =	sadd.s32 $0x1600, s7  }
0xb: {  	[dreg:$0x3] =	wrdreg s9;
	s20 =	sadd.s32 s6, s4;
	s8 =	sshrl.u32 s8, $0x3  }
0xc: {  	s4 =	sadd.s32 s5, s4;
	[dreg:$0x4] =	wrdreg s20;
	s21 =	sadd.s32 $0x50, s8  }
0xd: {  	p0 =	seq.s32 s0, $0x0;
	[dreg:$0x5] =	wrdreg s4;
	s22 =	sadd.s32 s6, s21  }
0xe: {  	s24 =	sadd.s32 $0xA0, s8;
	s23 =	sadd.s32 s5, s21;
	[dreg:$0x6] =	wrdreg s22  }
0xf: {  	s28 =	sadd.s32 $0xF0, s8;
	s25 =	sadd.s32 s6, s24;
	[dreg:$0x7] =	wrdreg s23  }
0x10: {  	s31 =	sadd.s32 $0x140, s8;
	s26 =	sadd.s32 s5, s24;
	[dreg:$0x8] =	wrdreg s25  }
0x11: {  	s12 =	sadd.s32 $0x190, s8;
	s29 =	sadd.s32 s6, s28;
	[dreg:$0x9] =	wrdreg s26  }
0x12: {  	s15 =	sadd.s32 $0x1E0, s8;
	s30 =	sadd.s32 s5, s28;
	[dreg:$0xa] =	wrdreg s29  }
0x13: {  	s4 =	sadd.s32 $0x17A00, s7;
	s10 =	sadd.s32 s6, s31;
	[dreg:$0xb] =	wrdreg s30  }
0x14: {  	s11 =	sadd.s32 s5, s31;
	s13 =	sadd.s32 s6, s12;
	[dreg:$0xc] =	wrdreg s10  }
0x15: {  	s14 =	sadd.s32 s5, s12;
	s16 =	sadd.s32 s6, s15;
	[dreg:$0xd] =	wrdreg s11  }
0x16: {  	s9 =	sadd.s32 s5, s15;
	s21 =	sadd.s32 $0x280, s8;
	[dreg:$0xe] =	wrdreg s13  }
0x17: {  	s24 =	sadd.s32 $0x2D0, s8;
	s12 =	smul.u32 $0xA0000, s0;
	[dreg:$0xf] =	wrdreg s14  }
0x18: {  	s28 =	sadd.s32 $0x320, s8;
	s31 =	sadd.s32 $0x370, s8;
	[dreg:$0x10] =	wrdreg s16  }
0x19: {  	s15 =	sadd.s32 $0x3C0, s8;
	[dreg:$0x11] =	wrdreg s9;
	s22 =	sadd.s32 s6, s21  }
0x1a: {  	s10 =	sadd.s32 $0x230, s8;
	s23 =	sadd.s32 s5, s21;
	[dreg:$0x14] =	wrdreg s22  }
0x1b: {  	s11 =	sadd.s32 $0x2BA00, s7;
	s25 =	sadd.s32 s6, s24;
	[dreg:$0x15] =	wrdreg s23  }
0x1c: {  	s26 =	sadd.s32 s5, s24;
	s29 =	sadd.s32 s6, s28;
	[dreg:$0x16] =	wrdreg s25  }
0x1d: {  	s30 =	sadd.s32 s5, s28;
	s13 =	sadd.s32 s6, s31;
	[dreg:$0x17] =	wrdreg s26  }
0x1e: {  	s14 =	sadd.s32 s5, s31;
	s16 =	sadd.s32 s6, s15;
	[dreg:$0x18] =	wrdreg s29  }
0x1f: {  	s21 =	ssub.s32 $0x2, s0;
	s24 =	sadd.s32 $0x460, s8;
	[dreg:$0x19] =	wrdreg s30  }
0x20: {  	s31 =	sshll.u32 s17, $0x6;
	s9 =	simm.s32 $0x780;
	[dreg:$0x1a] =	wrdreg s13  }
0x21: {  	s19 =	sadd.s32 s6, s10;
	s20 =	sadd.s32 s5, s10;
	[dreg:$0x1b] =	wrdreg s14  }
0x22: {  	s12 =	sadd.s32 s1, s12;
	[dreg:$0x1c] =	wrdreg s16;
	s13 =	sshrl.u32 s21, $0x1  }
0x23: {  	s25 =	sadd.s32 s6, s24;
	s26 =	sadd.s32 s5, s24;
	s1 =	sshrl.u32 s1, $0x3  }
0x24: {  	s11 =	smov.u32 @p0 s4;
	p0 =	sgt.u32 s17, $0x9;
	[dreg:$0x12] =	wrdreg s19  }
0x25: {  	s10 =	simm.s32 $0xA00;
	s14 =	simm.s32 $0x3;
	[dreg:$0x13] =	wrdreg s20  }
0x26: {  	s12 =	sshrl.u32 s12, $0x3;
	s19 =	sadd.s32 s5, s15;
	s20 =	sadd.s32 $0x410, s8  }
0x27: {  	[smem:$0x7F9] =	sst s25;
	s8 =	sadd.s32 $0x4B0, s8;
	s28 =	ssub.s32 s21, s13  }
0x28: {  	[smem:$0x7FA] =	sst s26;
	s15 =	simm.s32 $0x1;
	s7 =	sadd.s32 s12, s7  }
0x29: {  	[dreg:$0x1d] =	wrdreg s19;
	s22 =	sadd.s32 s6, s20;
	s12 =	smax.u32 s28, $0x1  }
0x2a: {  	s23 =	sadd.s32 s5, s20;
	s20 =	rddreg [dreg:$0x3];
	s21 =	sadd.s32 $0xFFFFFFFF, s12  }
0x2b: {  	s13 =	simm.s32 $0x2;
	[dreg:$0x1e] =	wrdreg s22;
	p2 =	sne.s32 s21, $0x0  }
.Ltmp0:
0x2c: {  	s6 =	sadd.s32 s6, s8;
	[dreg:$0x1f] =	wrdreg s23;
	(pc) =	sbr.rel @!p2 .LBB2_5-.Ltmp0, $4  }
0x2d: {  	s29 =	sadd.s32 s5, s8;
	s5 =	simm.s32 $0x5;
	[smem:$0x7FB] =	sst s6  }
0x2e: {  	s8 =	simm.s32 $0xAA00;
	[smem:$0x7FC] =	sst s29;
	s30 =	sadd.s32 $0x3FA00, s7  }
0x2f: {  	s22 =	sadd.s32 s11, s1;
	s6 =	sor.u32 $0x1C05, s31;
	s7 =	simm.s32 $0x280  }
0x30: {  	s11 =	simm.s32 $0x500;
	s12 =	simm.s32 $0x4;
	[smem:$0x7FD] =	sst s30  }
0x31: {  	s20 =	sshrl.u32 s20, $0x3  }
0x32: {  	[spmem:s20], [sflag:s6] =	dma.local [hbm:s22], $0x1400  }
0x33: {  	_ =	swait.ge [sflag:s5], $0x1400  }
0x34: {  	[sflag:s5] =	ssyncset.done $0x0  }
0x35: {  	s0 =	rddreg [dreg:$0x4];
	[sflag:s5] =	ssyncadd.s32 $0xFFFFEC00  }
0x36: {  	[tilespmem:s3], [sflag:$0x5] =	stream.linear.gather [hbm4b:s0+s3], $0x280, $0x38;
	[tilespmem:$0x1EA00] =	vst v63  }
0x37: {  	_ =	swait.ge [sflag:s5], $0x280  }
0x38: {  	[sflag:s5] =	ssyncset.done $0x0  }
0x39: {  	[sflag:s5] =	ssyncadd.s32 $0xFFFFFD80  }
0x3a: {  	[tilespmem:s10], [sflag:$0x1] =	stream.indirect.gather [hbm4b:s4+s7], $0x40, s3, s7, $0xb8;
	[tilespmem:$0x1EA00] =	vst v63  }
0x3b: {  	s18 =	rddreg [dreg:$0x5]  }
0x3c: {  	[tilespmem:s11], [sflag:$0x3] =	stream.linear.gather [hbm4b:s18+s3], $0x280, $0x38;
	[tilespmem:$0x1EA00] =	vst v63  }
0x3d: {  	[bflag:$0x0] =	sbarrier.arrive $0xFFFF  }
0x3e: {  	s19 =	rddreg [dreg:$0x6]  }
0x3f: {  	[tilespmem:s7], [sflag:$0x5] =	stream.linear.gather [hbm4b:s19+s3], $0x280, $0x38;
	[tilespmem:$0x1EA00] =	vst v63  }
0x40: {  	_ =	swait.ge [sflag:s5], $0x280  }
0x41: {  	[sflag:s5] =	ssyncset.done $0x0  }
0x42: {  	[sflag:s5] =	ssyncadd.s32 $0xFFFFFD80  }
0x43: {  	[tilespmem:s8], [sflag:$0x2] =	stream.indirect.gather [hbm4b:s4+s7], $0x40, s7, s7, $0xb8;
	[tilespmem:$0x1EA00] =	vst v63  }
0x44: {  	s23 =	rddreg [dreg:$0x7]  }
0x45: {  	[tilespmem:s9], [sflag:$0x4] =	stream.linear.gather [hbm4b:s23+s3], $0x280, $0x38;
	[tilespmem:$0x1EA00] =	vst v63  }
0x46: {  	_ =	swait.ge [sflag:s15], $0xA000  }
0x47: {  	[sflag:s15] =	ssyncset.done $0x0  }
0x48: {  	[sflag:s15] =	ssyncadd.s32 $0xFFFF6000  }
0x49: {  	_ =	swait.ge [sflag:s14], $0x280  }
0x4a: {  	[sflag:s14] =	ssyncset.done $0x0  }
0x4b: {  	[sflag:s14] =	ssyncadd.s32 $0xFFFFFD80  }
0x4c: {  	[spmem:s2] =	stream.indirect.scatter.add.f32 [tilespmem:s10], [sflag:$0x5], $0x40, s11, s7, $0xb8;
	[tilespmem:$0x1EA00] =	vst v63  }
0x4d: {  	_ =	swait.ge [sflag:s5], $0xA000  }
0x4e: {  	[sflag:s5] =	ssyncset.done $0x0  }
0x4f: {  	s24 =	rddreg [dreg:$0x8];
	[sflag:s5] =	ssyncadd.s32 $0xFFFF6000  }
0x50: {  	[tilespmem:s3], [sflag:$0x5] =	stream.linear.gather [hbm4b:s24+s3], $0x280, $0x38;
	[tilespmem:$0x1EA00] =	vst v63  }
0x51: {  	_ =	swait.ge [sflag:s5], $0x280  }
0x52: {  	[sflag:s5] =	ssyncset.done $0x0  }
0x53: {  	[sflag:s5] =	ssyncadd.s32 $0xFFFFFD80  }
0x54: {  	[tilespmem:s10], [sflag:$0x1] =	stream.indirect.gather [hbm4b:s4+s7], $0x40, s3, s7, $0xb8;
	[tilespmem:$0x1EA00] =	vst v63  }
0x55: {  	s25 =	rddreg [dreg:$0x9]  }
0x56: {  	[tilespmem:s11], [sflag:$0x3] =	stream.linear.gather [hbm4b:s25+s3], $0x280, $0x38;
	[tilespmem:$0x1EA00] =	vst v63  }
0x57: {  	_ =	swait.ge [sflag:s13], $0xA000  }
0x58: {  	[sflag:s13] =	ssyncset.done $0x0  }
0x59: {  	[sflag:s13] =	ssyncadd.s32 $0xFFFF6000  }
0x5a: {  	_ =	swait.ge [sflag:s12], $0x280  }
0x5b: {  	[sflag:s12] =	ssyncset.done $0x0  }
0x5c: {  	[sflag:s12] =	ssyncadd.s32 $0xFFFFFD80  }
0x5d: {  	[spmem:s2] =	stream.indirect.scatter.add.f32 [tilespmem:s8], [sflag:$0x5], $0x40, s9, s7, $0xb8;
	[tilespmem:$0x1EA00] =	vst v63  }
0x5e: {  	_ =	swait.ge [sflag:s5], $0xA000  }
0x5f: {  	[sflag:s5] =	ssyncset.done $0x0  }
0x60: {  	s26 =	rddreg [dreg:$0xa];
	[sflag:s5] =	ssyncadd.s32 $0xFFFF6000  }
0x61: {  	[tilespmem:s7], [sflag:$0x5] =	stream.linear.gather [hbm4b:s26+s3], $0x280, $0x38;
	[tilespmem:$0x1EA00] =	vst v63  }
0x62: {  	_ =	swait.ge [sflag:s5], $0x280  }
0x63: {  	[sflag:s5] =	ssyncset.done $0x0  }
0x64: {  	[sflag:s5] =	ssyncadd.s32 $0xFFFFFD80  }
0x65: {  	[tilespmem:s8], [sflag:$0x2] =	stream.indirect.gather [hbm4b:s4+s7], $0x40, s7, s7, $0xb8;
	[tilespmem:$0x1EA00] =	vst v63  }
0x66: {  	s30 =	rddreg [dreg:$0xb]  }
0x67: {  	[tilespmem:s9], [sflag:$0x4] =	stream.linear.gather [hbm4b:s30+s3], $0x280, $0x38;
	[tilespmem:$0x1EA00] =	vst v63  }
0x68: {  	_ =	swait.ge [sflag:s15], $0xA000  }
0x69: {  	[sflag:s15] =	ssyncset.done $0x0  }
0x6a: {  	[sflag:s15] =	ssyncadd.s32 $0xFFFF6000  }
0x6b: {  	_ =	swait.ge [sflag:s14], $0x280  }
0x6c: {  	[sflag:s14] =	ssyncset.done $0x0  }
0x6d: {  	[sflag:s14] =	ssyncadd.s32 $0xFFFFFD80  }
0x6e: {  	[spmem:s2] =	stream.indirect.scatter.add.f32 [tilespmem:s10], [sflag:$0x5], $0x40, s11, s7, $0xb8;
	[tilespmem:$0x1EA00] =	vst v63  }
0x6f: {  	_ =	swait.ge [sflag:s5], $0xA000  }
0x70: {  	[sflag:s5] =	ssyncset.done $0x0  }
0x71: {  	s31 =	rddreg [dreg:$0xc];
	[sflag:s5] =	ssyncadd.s32 $0xFFFF6000  }
0x72: {  	[tilespmem:s3], [sflag:$0x5] =	stream.linear.gather [hbm4b:s31+s3], $0x280, $0x38;
	[tilespmem:$0x1EA00] =	vst v63  }
0x73: {  	_ =	swait.ge [sflag:s5], $0x280  }
0x74: {  	[sflag:s5] =	ssyncset.done $0x0  }
0x75: {  	[sflag:s5] =	ssyncadd.s32 $0xFFFFFD80  }
0x76: {  	[tilespmem:s10], [sflag:$0x1] =	stream.indirect.gather [hbm4b:s4+s7], $0x40, s3, s7, $0xb8;
	[tilespmem:$0x1EA00] =	vst v63  }
0x77: {  	s1 =	rddreg [dreg:$0xd]  }
0x78: {  	[tilespmem:s11], [sflag:$0x3] =	stream.linear.gather [hbm4b:s1+s3], $0x280, $0x38;
	[tilespmem:$0x1EA00] =	vst v63  }
0x79: {  	_ =	swait.ge [sflag:s13], $0xA000  }
0x7a: {  	[sflag:s13] =	ssyncset.done $0x0  }
0x7b: {  	[sflag:s13] =	ssyncadd.s32 $0xFFFF6000  }
0x7c: {  	_ =	swait.ge [sflag:s12], $0x280  }
0x7d: {  	[sflag:s12] =	ssyncset.done $0x0  }
0x7e: {  	[sflag:s12] =	ssyncadd.s32 $0xFFFFFD80  }
0x7f: {  	[spmem:s2] =	stream.indirect.scatter.add.f32 [tilespmem:s8], [sflag:$0x5], $0x40, s9, s7, $0xb8;
	[tilespmem:$0x1EA00] =	vst v63  }
0x80: {  	_ =	swait.ge [sflag:s5], $0xA000  }
0x81: {  	[sflag:s5] =	ssyncset.done $0x0  }
0x82: {  	s16 =	rddreg [dreg:$0xe];
	[sflag:s5] =	ssyncadd.s32 $0xFFFF6000  }
0x83: {  	[tilespmem:s7], [sflag:$0x5] =	stream.linear.gather [hbm4b:s16+s3], $0x280, $0x38;
	[tilespmem:$0x1EA00] =	vst v63  }
0x84: {  	_ =	swait.ge [sflag:s5], $0x280  }
0x85: {  	[sflag:s5] =	ssyncset.done $0x0  }
0x86: {  	[sflag:s5] =	ssyncadd.s32 $0xFFFFFD80  }
0x87: {  	[tilespmem:s8], [sflag:$0x2] =	stream.indirect.gather [hbm4b:s4+s7], $0x40, s7, s7, $0xb8;
	[tilespmem:$0x1EA00] =	vst v63  }
0x88: {  	s17 =	rddreg [dreg:$0xf]  }
0x89: {  	[tilespmem:s9], [sflag:$0x4] =	stream.linear.gather [hbm4b:s17+s3], $0x280, $0x38;
	[tilespmem:$0x1EA00] =	vst v63  }
0x8a: {  	_ =	swait.ge [sflag:s15], $0xA000  }
0x8b: {  	[sflag:s15] =	ssyncset.done $0x0  }
0x8c: {  	[sflag:s15] =	ssyncadd.s32 $0xFFFF6000  }
0x8d: {  	_ =	swait.ge [sflag:s14], $0x280  }
0x8e: {  	[sflag:s14] =	ssyncset.done $0x0  }
0x8f: {  	[sflag:s14] =	ssyncadd.s32 $0xFFFFFD80  }
0x90: {  	[spmem:s2] =	stream.indirect.scatter.add.f32 [tilespmem:s10], [sflag:$0x5], $0x40, s11, s7, $0xb8;
	[tilespmem:$0x1EA00] =	vst v63  }
0x91: {  	_ =	swait.ge [sflag:s5], $0xA000  }
0x92: {  	[sflag:s5] =	ssyncset.done $0x0  }
0x93: {  	s18 =	rddreg [dreg:$0x10];
	[sflag:s5] =	ssyncadd.s32 $0xFFFF6000  }
0x94: {  	[tilespmem:s3], [sflag:$0x5] =	stream.linear.gather [hbm4b:s18+s3], $0x280, $0x38;
	[tilespmem:$0x1EA00] =	vst v63  }
0x95: {  	_ =	swait.ge [sflag:s5], $0x280  }
0x96: {  	[sflag:s5] =	ssyncset.done $0x0  }
0x97: {  	[sflag:s5] =	ssyncadd.s32 $0xFFFFFD80  }
0x98: {  	[tilespmem:s10], [sflag:$0x1] =	stream.indirect.gather [hbm4b:s4+s7], $0x40, s3, s7, $0xb8;
	[tilespmem:$0x1EA00] =	vst v63  }
0x99: {  	s19 =	rddreg [dreg:$0x11]  }
0x9a: {  	[tilespmem:s11], [sflag:$0x3] =	stream.linear.gather [hbm4b:s19+s3], $0x280, $0x38;
	[tilespmem:$0x1EA00] =	vst v63  }
0x9b: {  	_ =	swait.ge [sflag:s13], $0xA000  }
0x9c: {  	[sflag:s13] =	ssyncset.done $0x0  }
0x9d: {  	[sflag:s13] =	ssyncadd.s32 $0xFFFF6000  }
0x9e: {  	_ =	swait.ge [sflag:s12], $0x280  }
0x9f: {  	[sflag:s12] =	ssyncset.done $0x0  }
0xa0: {  	[sflag:s12] =	ssyncadd.s32 $0xFFFFFD80  }
0xa1: {  	[spmem:s2] =	stream.indirect.scatter.add.f32 [tilespmem:s8], [sflag:$0x5], $0x40, s9, s7, $0xb8;
	[tilespmem:$0x1EA00] =	vst v63  }
0xa2: {  	_ =	swait.ge [sflag:s5], $0xA000  }
0xa3: {  	[sflag:s5] =	ssyncset.done $0x0  }
0xa4: {  	s23 =	rddreg [dreg:$0x12];
	[sflag:s5] =	ssyncadd.s32 $0xFFFF6000  }
0xa5: {  	[tilespmem:s7], [sflag:$0x5] =	stream.linear.gather [hbm4b:s23+s3], $0x280, $0x38;
	[tilespmem:$0x1EA00] =	vst v63  }
0xa6: {  	_ =	swait.ge [sflag:s5], $0x280  }
0xa7: {  	[sflag:s5] =	ssyncset.done $0x0  }
0xa8: {  	[sflag:s5] =	ssyncadd.s32 $0xFFFFFD80  }
0xa9: {  	[tilespmem:s8], [sflag:$0x2] =	stream.indirect.gather [hbm4b:s4+s7], $0x40, s7, s7, $0xb8;
	[tilespmem:$0x1EA00] =	vst v63  }
0xaa: {  	s24 =	rddreg [dreg:$0x13]  }
0xab: {  	[tilespmem:s9], [sflag:$0x4] =	stream.linear.gather [hbm4b:s24+s3], $0x280, $0x38;
	[tilespmem:$0x1EA00] =	vst v63  }
0xac: {  	_ =	swait.ge [sflag:s15], $0xA000  }
0xad: {  	[sflag:s15] =	ssyncset.done $0x0  }
0xae: {  	[sflag:s15] =	ssyncadd.s32 $0xFFFF6000  }
0xaf: {  	_ =	swait.ge [sflag:s14], $0x280  }
0xb0: {  	[sflag:s14] =	ssyncset.done $0x0  }
0xb1: {  	[sflag:s14] =	ssyncadd.s32 $0xFFFFFD80  }
0xb2: {  	[spmem:s2] =	stream.indirect.scatter.add.f32 [tilespmem:s10], [sflag:$0x5], $0x40, s11, s7, $0xb8;
	[tilespmem:$0x1EA00] =	vst v63  }
0xb3: {  	_ =	swait.ge [sflag:s5], $0xA000  }
0xb4: {  	[sflag:s5] =	ssyncset.done $0x0  }
0xb5: {  	s25 =	rddreg [dreg:$0x14];
	[sflag:s5] =	ssyncadd.s32 $0xFFFF6000  }
0xb6: {  	[tilespmem:s3], [sflag:$0x5] =	stream.linear.gather [hbm4b:s25+s3], $0x280, $0x38;
	[tilespmem:$0x1EA00] =	vst v63  }
0xb7: {  	_ =	swait.ge [sflag:s5], $0x280  }
0xb8: {  	[sflag:s5] =	ssyncset.done $0x0  }
0xb9: {  	[sflag:s5] =	ssyncadd.s32 $0xFFFFFD80  }
0xba: {  	[tilespmem:s10], [sflag:$0x1] =	stream.indirect.gather [hbm4b:s4+s7], $0x40, s3, s7, $0xb8;
	[tilespmem:$0x1EA00] =	vst v63  }
0xbb: {  	s26 =	rddreg [dreg:$0x15]  }
0xbc: {  	[tilespmem:s11], [sflag:$0x3] =	stream.linear.gather [hbm4b:s26+s3], $0x280, $0x38;
	[tilespmem:$0x1EA00] =	vst v63  }
0xbd: {  	_ =	swait.ge [sflag:s13], $0xA000  }
0xbe: {  	[sflag:s13] =	ssyncset.done $0x0  }
0xbf: {  	[sflag:s13] =	ssyncadd.s32 $0xFFFF6000  }
0xc0: {  	_ =	swait.ge [sflag:s12], $0x280  }
0xc1: {  	[sflag:s12] =	ssyncset.done $0x0  }
0xc2: {  	[sflag:s12] =	ssyncadd.s32 $0xFFFFFD80  }
0xc3: {  	[spmem:s2] =	stream.indirect.scatter.add.f32 [tilespmem:s8], [sflag:$0x5], $0x40, s9, s7, $0xb8;
	[tilespmem:$0x1EA00] =	vst v63  }
0xc4: {  	_ =	swait.ge [sflag:s5], $0xA000  }
0xc5: {  	[sflag:s5] =	ssyncset.done $0x0  }
0xc6: {  	s30 =	rddreg [dreg:$0x16];
	[sflag:s5] =	ssyncadd.s32 $0xFFFF6000  }
0xc7: {  	[tilespmem:s7], [sflag:$0x5] =	stream.linear.gather [hbm4b:s30+s3], $0x280, $0x38;
	[tilespmem:$0x1EA00] =	vst v63  }
0xc8: {  	_ =	swait.ge [sflag:s5], $0x280  }
0xc9: {  	[sflag:s5] =	ssyncset.done $0x0  }
0xca: {  	[sflag:s5] =	ssyncadd.s32 $0xFFFFFD80  }
0xcb: {  	[tilespmem:s8], [sflag:$0x2] =	stream.indirect.gather [hbm4b:s4+s7], $0x40, s7, s7, $0xb8;
	[tilespmem:$0x1EA00] =	vst v63  }
0xcc: {  	s31 =	rddreg [dreg:$0x17]  }
0xcd: {  	[tilespmem:s9], [sflag:$0x4] =	stream.linear.gather [hbm4b:s31+s3], $0x280, $0x38;
	[tilespmem:$0x1EA00] =	vst v63  }
0xce: {  	_ =	swait.ge [sflag:s15], $0xA000  }
0xcf: {  	[sflag:s15] =	ssyncset.done $0x0  }
0xd0: {  	[sflag:s15] =	ssyncadd.s32 $0xFFFF6000  }
0xd1: {  	_ =	swait.ge [sflag:s14], $0x280  }
0xd2: {  	[sflag:s14] =	ssyncset.done $0x0  }
0xd3: {  	[sflag:s14] =	ssyncadd.s32 $0xFFFFFD80  }
0xd4: {  	[spmem:s2] =	stream.indirect.scatter.add.f32 [tilespmem:s10], [sflag:$0x5], $0x40, s11, s7, $0xb8;
	[tilespmem:$0x1EA00] =	vst v63  }
0xd5: {  	_ =	swait.ge [sflag:s5], $0xA000  }
0xd6: {  	[sflag:s5] =	ssyncset.done $0x0  }
0xd7: {  	s1 =	rddreg [dreg:$0x18];
	[sflag:s5] =	ssyncadd.s32 $0xFFFF6000  }
0xd8: {  	[tilespmem:s3], [sflag:$0x5] =	stream.linear.gather [hbm4b:s1+s3], $0x280, $0x38;
	[tilespmem:$0x1EA00] =	vst v63  }
0xd9: {  	_ =	swait.ge [sflag:s5], $0x280  }
0xda: {  	[sflag:s5] =	ssyncset.done $0x0  }
0xdb: {  	[sflag:s5] =	ssyncadd.s32 $0xFFFFFD80  }
0xdc: {  	[tilespmem:s10], [sflag:$0x1] =	stream.indirect.gather [hbm4b:s4+s7], $0x40, s3, s7, $0xb8;
	[tilespmem:$0x1EA00] =	vst v63  }
0xdd: {  	s16 =	rddreg [dreg:$0x19]  }
0xde: {  	[tilespmem:s11], [sflag:$0x3] =	stream.linear.gather [hbm4b:s16+s3], $0x280, $0x38;
	[tilespmem:$0x1EA00] =	vst v63  }
0xdf: {  	_ =	swait.ge [sflag:s13], $0xA000  }
0xe0: {  	[sflag:s13] =	ssyncset.done $0x0  }
0xe1: {  	[sflag:s13] =	ssyncadd.s32 $0xFFFF6000  }
0xe2: {  	_ =	swait.ge [sflag:s12], $0x280  }
0xe3: {  	[sflag:s12] =	ssyncset.done $0x0  }
0xe4: {  	[sflag:s12] =	ssyncadd.s32 $0xFFFFFD80  }
0xe5: {  	[spmem:s2] =	stream.indirect.scatter.add.f32 [tilespmem:s8], [sflag:$0x5], $0x40, s9, s7, $0xb8;
	[tilespmem:$0x1EA00] =	vst v63  }
0xe6: {  	_ =	swait.ge [sflag:s5], $0xA000  }
0xe7: {  	[sflag:s5] =	ssyncset.done $0x0  }
0xe8: {  	s17 =	rddreg [dreg:$0x1a];
	[sflag:s5] =	ssyncadd.s32 $0xFFFF6000  }
0xe9: {  	[tilespmem:s7], [sflag:$0x5] =	stream.linear.gather [hbm4b:s17+s3], $0x280, $0x38;
	[tilespmem:$0x1EA00] =	vst v63  }
0xea: {  	_ =	swait.ge [sflag:s5], $0x280  }
0xeb: {  	[sflag:s5] =	ssyncset.done $0x0  }
0xec: {  	[sflag:s5] =	ssyncadd.s32 $0xFFFFFD80  }
0xed: {  	[tilespmem:s8], [sflag:$0x2] =	stream.indirect.gather [hbm4b:s4+s7], $0x40, s7, s7, $0xb8;
	[tilespmem:$0x1EA00] =	vst v63  }
0xee: {  	s18 =	rddreg [dreg:$0x1b]  }
0xef: {  	[tilespmem:s9], [sflag:$0x4] =	stream.linear.gather [hbm4b:s18+s3], $0x280, $0x38;
	[tilespmem:$0x1EA00] =	vst v63  }
0xf0: {  	_ =	swait.ge [sflag:s15], $0xA000  }
0xf1: {  	[sflag:s15] =	ssyncset.done $0x0  }
0xf2: {  	[sflag:s15] =	ssyncadd.s32 $0xFFFF6000  }
0xf3: {  	_ =	swait.ge [sflag:s14], $0x280  }
0xf4: {  	[sflag:s14] =	ssyncset.done $0x0  }
0xf5: {  	[sflag:s14] =	ssyncadd.s32 $0xFFFFFD80  }
0xf6: {  	[spmem:s2] =	stream.indirect.scatter.add.f32 [tilespmem:s10], [sflag:$0x5], $0x40, s11, s7, $0xb8;
	[tilespmem:$0x1EA00] =	vst v63  }
0xf7: {  	_ =	swait.ge [sflag:s5], $0xA000  }
0xf8: {  	[sflag:s5] =	ssyncset.done $0x0  }
0xf9: {  	s19 =	rddreg [dreg:$0x1c];
	[sflag:s5] =	ssyncadd.s32 $0xFFFF6000  }
0xfa: {  	[tilespmem:s3], [sflag:$0x5] =	stream.linear.gather [hbm4b:s19+s3], $0x280, $0x38;
	[tilespmem:$0x1EA00] =	vst v63  }
0xfb: {  	_ =	swait.ge [sflag:s5], $0x280  }
0xfc: {  	[sflag:s5] =	ssyncset.done $0x0  }
0xfd: {  	[sflag:s5] =	ssyncadd.s32 $0xFFFFFD80  }
0xfe: {  	[tilespmem:s10], [sflag:$0x1] =	stream.indirect.gather [hbm4b:s4+s7], $0x40, s3, s7, $0xb8;
	[tilespmem:$0x1EA00] =	vst v63  }
0xff: {  	s23 =	rddreg [dreg:$0x1d]  }
0x100: {  	[tilespmem:s11], [sflag:$0x3] =	stream.linear.gather [hbm4b:s23+s3], $0x280, $0x38;
	[tilespmem:$0x1EA00] =	vst v63  }
0x101: {  	_ =	swait.ge [sflag:s13], $0xA000  }
0x102: {  	[sflag:s13] =	ssyncset.done $0x0  }
0x103: {  	[sflag:s13] =	ssyncadd.s32 $0xFFFF6000  }
0x104: {  	_ =	swait.ge [sflag:s12], $0x280  }
0x105: {  	[sflag:s12] =	ssyncset.done $0x0  }
0x106: {  	[sflag:s12] =	ssyncadd.s32 $0xFFFFFD80  }
0x107: {  	[spmem:s2] =	stream.indirect.scatter.add.f32 [tilespmem:s8], [sflag:$0x5], $0x40, s9, s7, $0xb8;
	[tilespmem:$0x1EA00] =	vst v63  }
0x108: {  	_ =	swait.ge [sflag:s5], $0xA000  }
0x109: {  	[sflag:s5] =	ssyncset.done $0x0  }
0x10a: {  	s24 =	rddreg [dreg:$0x1e];
	[sflag:s5] =	ssyncadd.s32 $0xFFFF6000  }
0x10b: {  	[tilespmem:s7], [sflag:$0x5] =	stream.linear.gather [hbm4b:s24+s3], $0x280, $0x38;
	[tilespmem:$0x1EA00] =	vst v63  }
0x10c: {  	_ =	swait.ge [sflag:s5], $0x280  }
0x10d: {  	[sflag:s5] =	ssyncset.done $0x0  }
0x10e: {  	[sflag:s5] =	ssyncadd.s32 $0xFFFFFD80  }
0x10f: {  	[tilespmem:s8], [sflag:$0x2] =	stream.indirect.gather [hbm4b:s4+s7], $0x40, s7, s7, $0xb8;
	[tilespmem:$0x1EA00] =	vst v63  }
0x110: {  	s25 =	rddreg [dreg:$0x1f]  }
0x111: {  	[tilespmem:s9], [sflag:$0x4] =	stream.linear.gather [hbm4b:s25+s3], $0x280, $0x38;
	[tilespmem:$0x1EA00] =	vst v63  }
0x112: {  	_ =	swait.ge [sflag:s15], $0xA000  }
0x113: {  	[sflag:s15] =	ssyncset.done $0x0  }
0x114: {  	[sflag:s15] =	ssyncadd.s32 $0xFFFF6000  }
0x115: {  	_ =	swait.ge [sflag:s14], $0x280  }
0x116: {  	[sflag:s14] =	ssyncset.done $0x0  }
0x117: {  	[sflag:s14] =	ssyncadd.s32 $0xFFFFFD80  }
0x118: {  	[spmem:s2] =	stream.indirect.scatter.add.f32 [tilespmem:s10], [sflag:$0x5], $0x40, s11, s7, $0xb8;
	[tilespmem:$0x1EA00] =	vst v63  }
0x119: {  	_ =	swait.ge [sflag:s5], $0xA000  }
0x11a: {  	s26 =	sld [smem:$0x7F9]  }
0x11b: {  	[sflag:s5] =	ssyncset.done $0x0  }
0x11c: {  	[sflag:s5] =	ssyncadd.s32 $0xFFFF6000  }
0x11d: {  	[tilespmem:s3], [sflag:$0x5] =	stream.linear.gather [hbm4b:s26+s3], $0x280, $0x38;
	[tilespmem:$0x1EA00] =	vst v63  }
0x11e: {  	_ =	swait.ge [sflag:s5], $0x280  }
0x11f: {  	[sflag:s5] =	ssyncset.done $0x0  }
0x120: {  	s30 =	sld [smem:$0x7FA];
	[sflag:s5] =	ssyncadd.s32 $0xFFFFFD80  }
0x121: {  	[tilespmem:s10], [sflag:$0x1] =	stream.indirect.gather [hbm4b:s4+s7], $0x40, s3, s7, $0xb8;
	[tilespmem:$0x1EA00] =	vst v63  }
0x122: {  	_ = 	snop  }
0x123: {  	[tilespmem:s11], [sflag:$0x3] =	stream.linear.gather [hbm4b:s30+s3], $0x280, $0x38;
	[tilespmem:$0x1EA00] =	vst v63  }
0x124: {  	_ =	swait.ge [sflag:s13], $0xA000  }
0x125: {  	[sflag:s13] =	ssyncset.done $0x0  }
0x126: {  	[sflag:s13] =	ssyncadd.s32 $0xFFFF6000  }
0x127: {  	_ =	swait.ge [sflag:s12], $0x280  }
0x128: {  	[sflag:s12] =	ssyncset.done $0x0  }
0x129: {  	[sflag:s12] =	ssyncadd.s32 $0xFFFFFD80  }
0x12a: {  	[spmem:s2] =	stream.indirect.scatter.add.f32 [tilespmem:s8], [sflag:$0x5], $0x40, s9, s7, $0xb8;
	[tilespmem:$0x1EA00] =	vst v63  }
0x12b: {  	_ =	swait.ge [sflag:s5], $0xA000  }
0x12c: {  	[sflag:s5] =	ssyncset.done $0x0  }
0x12d: {  	s17 =	simm.s32 @p0 $0x1;
	[sflag:s5] =	ssyncadd.s32 $0xFFFF6000  }
0x12e: {  	_ =	swait.ge @p0 [sflag:s17], $0xA000  }
0x12f: {  	[sflag:s17] =	ssyncset.done @p0 $0x0  }
0x130: {  	s18 =	simm.s32 @p0 $0x3;
	[sflag:s17] =	ssyncadd.s32 @p0 $0xFFFF6000  }
0x131: {  	_ =	swait.ge @p0 [sflag:s18], $0x280  }
0x132: {  	s1 =	simm.s32 @p0 $0x500;
	s16 =	simm.s32 @p0 $0x280;
	[sflag:s18] =	ssyncset.done @p0 $0x0  }
0x133: {  	s19 =	simm.s32 @p0 $0xA00;
	s0 =	sld [smem:$0x7FB];
	[sflag:s18] =	ssyncadd.s32 @p0 $0xFFFFFD80  }
0x134: {  	[spmem:s2] =	stream.indirect.scatter.add.f32 @p0 [tilespmem:s19], [sflag:$0x5], $0x40, s1, s16, $0xb8;
	[tilespmem:$0x1EA00] =	vst v63  }
0x135: {  	s23 =	simm.s32 @!p0 $0x280;
	s24 =	simm.s32 @!p0 $0x5;
	s1 =	simm.s32 @!p0 $0x0  }
0x136: {  	[tilespmem:s23], [sflag:$0x5] =	stream.linear.gather @!p0 [hbm4b:s0+s1], $0x280, $0x38;
	[tilespmem:$0x1EA00] =	vst v63  }
0x137: {  	_ =	swait.ge @!p0 [sflag:s24], $0x280  }
0x138: {  	[sflag:s24] =	ssyncset.done @!p0 $0x0  }
0x139: {  	s25 =	simm.s32 @!p0 $0xAA00;
	s0 =	sld [smem:$0x7FC];
	[sflag:s24] =	ssyncadd.s32 @!p0 $0xFFFFFD80  }
0x13a: {  	[tilespmem:s25], [sflag:$0x2] =	stream.indirect.gather @!p0 [hbm4b:s4+s23], $0x40, s23, s23, $0xb8;
	[tilespmem:$0x1EA00] =	vst v63  }
0x13b: {  	s28 =	simm.s32 @!p0 $0x1;
	s26 =	simm.s32 @!p0 $0x780  }
0x13c: {  	[tilespmem:s26], [sflag:$0x4] =	stream.linear.gather @!p0 [hbm4b:s0+s1], $0x280, $0x38;
	[tilespmem:$0x1EA00] =	vst v63  }
0x13d: {  	_ =	swait.ge @!p0 [sflag:s28], $0xA000  }
0x13e: {  	[sflag:s28] =	ssyncset.done @!p0 $0x0  }
0x13f: {  	s29 =	simm.s32 @!p0 $0x3;
	[sflag:s28] =	ssyncadd.s32 @!p0 $0xFFFF6000  }
0x140: {  	_ =	swait.ge @!p0 [sflag:s29], $0x280  }
0x141: {  	[sflag:s29] =	ssyncset.done @!p0 $0x0  }
0x142: {  	s0 =	simm.s32 @!p0 $0x500;
	s1 =	simm.s32 @!p0 $0xA00;
	[sflag:s29] =	ssyncadd.s32 @!p0 $0xFFFFFD80  }
0x143: {  	[spmem:s2] =	stream.indirect.scatter.add.f32 @!p0 [tilespmem:s1], [sflag:$0x5], $0x40, s0, s23, $0xb8;
	[tilespmem:$0x1EA00] =	vst v63  }
0x144: {  	_ =	swait.ge @!p0 [sflag:s24], $0xA000  }
0x145: {  	[sflag:s24] =	ssyncset.done @!p0 $0x0  }
0x146: {  	s1 =	simm.s32 @!p0 $0x2;
	[sflag:s24] =	ssyncadd.s32 @!p0 $0xFFFF6000  }
0x147: {  	_ =	swait.ge @!p0 [sflag:s1], $0xA000  }
0x148: {  	[sflag:s1] =	ssyncset.done @!p0 $0x0  }
0x149: {  	s0 =	simm.s32 @!p0 $0x4;
	[sflag:s1] =	ssyncadd.s32 @!p0 $0xFFFF6000  }
0x14a: {  	_ =	swait.ge @!p0 [sflag:s0], $0x280  }
0x14b: {  	[sflag:s0] =	ssyncset.done @!p0 $0x0  }
0x14c: {  	[sflag:s0] =	ssyncadd.s32 @!p0 $0xFFFFFD80  }
0x14d: {  	[spmem:s2] =	stream.indirect.scatter.add.f32 @!p0 [tilespmem:s25], [sflag:$0x5], $0x40, s26, s23, $0xb8;
	[tilespmem:$0x1EA00] =	vst v63  }
0x14e: {  	_ =	swait.ge [sflag:s5], $0xA000  }
0x14f: {  	[sflag:s5] =	ssyncset.done $0x0  }
0x150: {  	[sflag:s5] =	ssyncadd.s32 $0xFFFF6000  }
0x151: {  	s19 =	sadd.s32 $0xFFFFFFFF, s21;
	[bflag:$0x0] =	sbarrier.arrive $0xFFFF  }
0x152: {  	p2 =	sne.s32 s19, $0x0;
	s31 =	sld [smem:$0x7FD]  }
.Ltmp1:
0x153: {  	_ = 	snop;
	(pc) =	sbr.rel @!p2 .LBB2_2-.Ltmp1, $4  }
0x154: {  	_ = 	snop  }
0x155: {  	[hbm:s31], [sflag:s6] =	dma.local [spmem:s20], $0x1400  }
0x156: {  	_ =	swait.ge [sflag:s5], $0x1400  }
0x157: {  	p1 =	por $0x1, $0x1;
	s20 =	rddreg [dreg:$0x3];
	[sflag:s5] =	ssyncset.done $0x0  }
.LBB2_3:
0x158: {  	[sflag:s5] =	ssyncadd.s32 $0xFFFFEC00;
	s20 =	sshrl.u32 s20, $0x3  }
0x159: {  	[spmem:s20], [sflag:s6] =	dma.local [hbm:s22], $0x1400  }
0x15a: {  	_ =	swait.ge [sflag:s5], $0x1400  }
0x15b: {  	[sflag:s5] =	ssyncset.done $0x0  }
0x15c: {  	s21 =	rddreg [dreg:$0x4];
	[sflag:s5] =	ssyncadd.s32 $0xFFFFEC00  }
0x15d: {  	[tilespmem:s3], [sflag:$0x5] =	stream.linear.gather [hbm4b:s21+s3], $0x280, $0x38;
	[tilespmem:$0x1EA00] =	vst v63  }
0x15e: {  	_ =	swait.ge [sflag:s5], $0x280  }
0x15f: {  	[sflag:s5] =	ssyncset.done $0x0  }
0x160: {  	[sflag:s5] =	ssyncadd.s32 $0xFFFFFD80  }
0x161: {  	[tilespmem:s10], [sflag:$0x1] =	stream.indirect.gather [hbm4b:s4+s7], $0x40, s3, s7, $0xb8;
	[tilespmem:$0x1EA00] =	vst v63  }
0x162: {  	s16 =	rddreg [dreg:$0x5]  }
0x163: {  	[tilespmem:s11], [sflag:$0x3] =	stream.linear.gather [hbm4b:s16+s3], $0x280, $0x38;
	[tilespmem:$0x1EA00] =	vst v63  }
0x164: {  	[bflag:$0x0] =	sbarrier.arrive $0xFFFF  }
0x165: {  	s30 =	rddreg [dreg:$0x6]  }
0x166: {  	[tilespmem:s7], [sflag:$0x5] =	stream.linear.gather [hbm4b:s30+s3], $0x280, $0x38;
	[tilespmem:$0x1EA00] =	vst v63  }
0x167: {  	_ =	swait.ge [sflag:s5], $0x280  }
0x168: {  	[sflag:s5] =	ssyncset.done $0x0  }
0x169: {  	[sflag:s5] =	ssyncadd.s32 $0xFFFFFD80  }
0x16a: {  	[tilespmem:s8], [sflag:$0x2] =	stream.indirect.gather [hbm4b:s4+s7], $0x40, s7, s7, $0xb8;
	[tilespmem:$0x1EA00] =	vst v63  }
0x16b: {  	s31 =	rddreg [dreg:$0x7]  }
0x16c: {  	[tilespmem:s9], [sflag:$0x4] =	stream.linear.gather [hbm4b:s31+s3], $0x280, $0x38;
	[tilespmem:$0x1EA00] =	vst v63  }
0x16d: {  	_ =	swait.ge [sflag:s15], $0xA000  }
0x16e: {  	[sflag:s15] =	ssyncset.done $0x0  }
0x16f: {  	[sflag:s15] =	ssyncadd.s32 $0xFFFF6000  }
0x170: {  	_ =	swait.ge [sflag:s14], $0x280  }
0x171: {  	[sflag:s14] =	ssyncset.done $0x0  }
0x172: {  	[sflag:s14] =	ssyncadd.s32 $0xFFFFFD80  }
0x173: {  	[spmem:s2] =	stream.indirect.scatter.add.f32 [tilespmem:s10], [sflag:$0x5], $0x40, s11, s7, $0xb8;
	[tilespmem:$0x1EA00] =	vst v63  }
0x174: {  	_ =	swait.ge [sflag:s5], $0xA000  }
0x175: {  	[sflag:s5] =	ssyncset.done $0x0  }
0x176: {  	s16 =	rddreg [dreg:$0x8];
	[sflag:s5] =	ssyncadd.s32 $0xFFFF6000  }
0x177: {  	[tilespmem:s3], [sflag:$0x5] =	stream.linear.gather [hbm4b:s16+s3], $0x280, $0x38;
	[tilespmem:$0x1EA00] =	vst v63  }
0x178: {  	_ =	swait.ge [sflag:s5], $0x280  }
0x179: {  	[sflag:s5] =	ssyncset.done $0x0  }
0x17a: {  	[sflag:s5] =	ssyncadd.s32 $0xFFFFFD80  }
0x17b: {  	[tilespmem:s10], [sflag:$0x1] =	stream.indirect.gather [hbm4b:s4+s7], $0x40, s3, s7, $0xb8;
	[tilespmem:$0x1EA00] =	vst v63  }
0x17c: {  	s30 =	rddreg [dreg:$0x9]  }
0x17d: {  	[tilespmem:s11], [sflag:$0x3] =	stream.linear.gather [hbm4b:s30+s3], $0x280, $0x38;
	[tilespmem:$0x1EA00] =	vst v63  }
0x17e: {  	_ =	swait.ge [sflag:s13], $0xA000  }
0x17f: {  	[sflag:s13] =	ssyncset.done $0x0  }
0x180: {  	[sflag:s13] =	ssyncadd.s32 $0xFFFF6000  }
0x181: {  	_ =	swait.ge [sflag:s12], $0x280  }
0x182: {  	[sflag:s12] =	ssyncset.done $0x0  }
0x183: {  	[sflag:s12] =	ssyncadd.s32 $0xFFFFFD80  }
0x184: {  	[spmem:s2] =	stream.indirect.scatter.add.f32 [tilespmem:s8], [sflag:$0x5], $0x40, s9, s7, $0xb8;
	[tilespmem:$0x1EA00] =	vst v63  }
0x185: {  	_ =	swait.ge [sflag:s5], $0xA000  }
0x186: {  	[sflag:s5] =	ssyncset.done $0x0  }
0x187: {  	s31 =	rddreg [dreg:$0xa];
	[sflag:s5] =	ssyncadd.s32 $0xFFFF6000  }
0x188: {  	[tilespmem:s7], [sflag:$0x5] =	stream.linear.gather [hbm4b:s31+s3], $0x280, $0x38;
	[tilespmem:$0x1EA00] =	vst v63  }
0x189: {  	_ =	swait.ge [sflag:s5], $0x280  }
0x18a: {  	[sflag:s5] =	ssyncset.done $0x0  }
0x18b: {  	[sflag:s5] =	ssyncadd.s32 $0xFFFFFD80  }
0x18c: {  	[tilespmem:s8], [sflag:$0x2] =	stream.indirect.gather [hbm4b:s4+s7], $0x40, s7, s7, $0xb8;
	[tilespmem:$0x1EA00] =	vst v63  }
0x18d: {  	s16 =	rddreg [dreg:$0xb]  }
0x18e: {  	[tilespmem:s9], [sflag:$0x4] =	stream.linear.gather [hbm4b:s16+s3], $0x280, $0x38;
	[tilespmem:$0x1EA00] =	vst v63  }
0x18f: {  	_ =	swait.ge [sflag:s15], $0xA000  }
0x190: {  	[sflag:s15] =	ssyncset.done $0x0  }
0x191: {  	[sflag:s15] =	ssyncadd.s32 $0xFFFF6000  }
0x192: {  	_ =	swait.ge [sflag:s14], $0x280  }
0x193: {  	[sflag:s14] =	ssyncset.done $0x0  }
0x194: {  	[sflag:s14] =	ssyncadd.s32 $0xFFFFFD80  }
0x195: {  	[spmem:s2] =	stream.indirect.scatter.add.f32 [tilespmem:s10], [sflag:$0x5], $0x40, s11, s7, $0xb8;
	[tilespmem:$0x1EA00] =	vst v63  }
0x196: {  	_ =	swait.ge [sflag:s5], $0xA000  }
0x197: {  	[sflag:s5] =	ssyncset.done $0x0  }
0x198: {  	s30 =	rddreg [dreg:$0xc];
	[sflag:s5] =	ssyncadd.s32 $0xFFFF6000  }
0x199: {  	[tilespmem:s3], [sflag:$0x5] =	stream.linear.gather [hbm4b:s30+s3], $0x280, $0x38;
	[tilespmem:$0x1EA00] =	vst v63  }
0x19a: {  	_ =	swait.ge [sflag:s5], $0x280  }
0x19b: {  	[sflag:s5] =	ssyncset.done $0x0  }
0x19c: {  	[sflag:s5] =	ssyncadd.s32 $0xFFFFFD80  }
0x19d: {  	[tilespmem:s10], [sflag:$0x1] =	stream.indirect.gather [hbm4b:s4+s7], $0x40, s3, s7, $0xb8;
	[tilespmem:$0x1EA00] =	vst v63  }
0x19e: {  	s31 =	rddreg [dreg:$0xd]  }
0x19f: {  	[tilespmem:s11], [sflag:$0x3] =	stream.linear.gather [hbm4b:s31+s3], $0x280, $0x38;
	[tilespmem:$0x1EA00] =	vst v63  }
0x1a0: {  	_ =	swait.ge [sflag:s13], $0xA000  }
0x1a1: {  	[sflag:s13] =	ssyncset.done $0x0  }
0x1a2: {  	[sflag:s13] =	ssyncadd.s32 $0xFFFF6000  }
0x1a3: {  	_ =	swait.ge [sflag:s12], $0x280  }
0x1a4: {  	[sflag:s12] =	ssyncset.done $0x0  }
0x1a5: {  	[sflag:s12] =	ssyncadd.s32 $0xFFFFFD80  }
0x1a6: {  	[spmem:s2] =	stream.indirect.scatter.add.f32 [tilespmem:s8], [sflag:$0x5], $0x40, s9, s7, $0xb8;
	[tilespmem:$0x1EA00] =	vst v63  }
0x1a7: {  	_ =	swait.ge [sflag:s5], $0xA000  }
0x1a8: {  	[sflag:s5] =	ssyncset.done $0x0  }
0x1a9: {  	s16 =	rddreg [dreg:$0xe];
	[sflag:s5] =	ssyncadd.s32 $0xFFFF6000  }
0x1aa: {  	[tilespmem:s7], [sflag:$0x5] =	stream.linear.gather [hbm4b:s16+s3], $0x280, $0x38;
	[tilespmem:$0x1EA00] =	vst v63  }
0x1ab: {  	_ =	swait.ge [sflag:s5], $0x280  }
0x1ac: {  	[sflag:s5] =	ssyncset.done $0x0  }
0x1ad: {  	[sflag:s5] =	ssyncadd.s32 $0xFFFFFD80  }
0x1ae: {  	[tilespmem:s8], [sflag:$0x2] =	stream.indirect.gather [hbm4b:s4+s7], $0x40, s7, s7, $0xb8;
	[tilespmem:$0x1EA00] =	vst v63  }
0x1af: {  	s30 =	rddreg [dreg:$0xf]  }
0x1b0: {  	[tilespmem:s9], [sflag:$0x4] =	stream.linear.gather [hbm4b:s30+s3], $0x280, $0x38;
	[tilespmem:$0x1EA00] =	vst v63  }
0x1b1: {  	_ =	swait.ge [sflag:s15], $0xA000  }
0x1b2: {  	[sflag:s15] =	ssyncset.done $0x0  }
0x1b3: {  	[sflag:s15] =	ssyncadd.s32 $0xFFFF6000  }
0x1b4: {  	_ =	swait.ge [sflag:s14], $0x280  }
0x1b5: {  	[sflag:s14] =	ssyncset.done $0x0  }
0x1b6: {  	[sflag:s14] =	ssyncadd.s32 $0xFFFFFD80  }
0x1b7: {  	[spmem:s2] =	stream.indirect.scatter.add.f32 [tilespmem:s10], [sflag:$0x5], $0x40, s11, s7, $0xb8;
	[tilespmem:$0x1EA00] =	vst v63  }
0x1b8: {  	_ =	swait.ge [sflag:s5], $0xA000  }
0x1b9: {  	[sflag:s5] =	ssyncset.done $0x0  }
0x1ba: {  	s31 =	rddreg [dreg:$0x10];
	[sflag:s5] =	ssyncadd.s32 $0xFFFF6000  }
0x1bb: {  	[tilespmem:s3], [sflag:$0x5] =	stream.linear.gather [hbm4b:s31+s3], $0x280, $0x38;
	[tilespmem:$0x1EA00] =	vst v63  }
0x1bc: {  	_ =	swait.ge [sflag:s5], $0x280  }
0x1bd: {  	[sflag:s5] =	ssyncset.done $0x0  }
0x1be: {  	[sflag:s5] =	ssyncadd.s32 $0xFFFFFD80  }
0x1bf: {  	[tilespmem:s10], [sflag:$0x1] =	stream.indirect.gather [hbm4b:s4+s7], $0x40, s3, s7, $0xb8;
	[tilespmem:$0x1EA00] =	vst v63  }
0x1c0: {  	s16 =	rddreg [dreg:$0x11]  }
0x1c1: {  	[tilespmem:s11], [sflag:$0x3] =	stream.linear.gather [hbm4b:s16+s3], $0x280, $0x38;
	[tilespmem:$0x1EA00] =	vst v63  }
0x1c2: {  	_ =	swait.ge [sflag:s13], $0xA000  }
0x1c3: {  	[sflag:s13] =	ssyncset.done $0x0  }
0x1c4: {  	[sflag:s13] =	ssyncadd.s32 $0xFFFF6000  }
0x1c5: {  	_ =	swait.ge [sflag:s12], $0x280  }
0x1c6: {  	[sflag:s12] =	ssyncset.done $0x0  }
0x1c7: {  	[sflag:s12] =	ssyncadd.s32 $0xFFFFFD80  }
0x1c8: {  	[spmem:s2] =	stream.indirect.scatter.add.f32 [tilespmem:s8], [sflag:$0x5], $0x40, s9, s7, $0xb8;
	[tilespmem:$0x1EA00] =	vst v63  }
0x1c9: {  	_ =	swait.ge [sflag:s5], $0xA000  }
0x1ca: {  	[sflag:s5] =	ssyncset.done $0x0  }
0x1cb: {  	s30 =	rddreg [dreg:$0x12];
	[sflag:s5] =	ssyncadd.s32 $0xFFFF6000  }
0x1cc: {  	[tilespmem:s7], [sflag:$0x5] =	stream.linear.gather [hbm4b:s30+s3], $0x280, $0x38;
	[tilespmem:$0x1EA00] =	vst v63  }
0x1cd: {  	_ =	swait.ge [sflag:s5], $0x280  }
0x1ce: {  	[sflag:s5] =	ssyncset.done $0x0  }
0x1cf: {  	[sflag:s5] =	ssyncadd.s32 $0xFFFFFD80  }
0x1d0: {  	[tilespmem:s8], [sflag:$0x2] =	stream.indirect.gather [hbm4b:s4+s7], $0x40, s7, s7, $0xb8;
	[tilespmem:$0x1EA00] =	vst v63  }
0x1d1: {  	s31 =	rddreg [dreg:$0x13]  }
0x1d2: {  	[tilespmem:s9], [sflag:$0x4] =	stream.linear.gather [hbm4b:s31+s3], $0x280, $0x38;
	[tilespmem:$0x1EA00] =	vst v63  }
0x1d3: {  	_ =	swait.ge [sflag:s15], $0xA000  }
0x1d4: {  	[sflag:s15] =	ssyncset.done $0x0  }
0x1d5: {  	[sflag:s15] =	ssyncadd.s32 $0xFFFF6000  }
0x1d6: {  	_ =	swait.ge [sflag:s14], $0x280  }
0x1d7: {  	[sflag:s14] =	ssyncset.done $0x0  }
0x1d8: {  	[sflag:s14] =	ssyncadd.s32 $0xFFFFFD80  }
0x1d9: {  	[spmem:s2] =	stream.indirect.scatter.add.f32 [tilespmem:s10], [sflag:$0x5], $0x40, s11, s7, $0xb8;
	[tilespmem:$0x1EA00] =	vst v63  }
0x1da: {  	_ =	swait.ge [sflag:s5], $0xA000  }
0x1db: {  	[sflag:s5] =	ssyncset.done $0x0  }
0x1dc: {  	s16 =	rddreg [dreg:$0x14];
	[sflag:s5] =	ssyncadd.s32 $0xFFFF6000  }
0x1dd: {  	[tilespmem:s3], [sflag:$0x5] =	stream.linear.gather [hbm4b:s16+s3], $0x280, $0x38;
	[tilespmem:$0x1EA00] =	vst v63  }
0x1de: {  	_ =	swait.ge [sflag:s5], $0x280  }
0x1df: {  	[sflag:s5] =	ssyncset.done $0x0  }
0x1e0: {  	[sflag:s5] =	ssyncadd.s32 $0xFFFFFD80  }
0x1e1: {  	[tilespmem:s10], [sflag:$0x1] =	stream.indirect.gather [hbm4b:s4+s7], $0x40, s3, s7, $0xb8;
	[tilespmem:$0x1EA00] =	vst v63  }
0x1e2: {  	s30 =	rddreg [dreg:$0x15]  }
0x1e3: {  	[tilespmem:s11], [sflag:$0x3] =	stream.linear.gather [hbm4b:s30+s3], $0x280, $0x38;
	[tilespmem:$0x1EA00] =	vst v63  }
0x1e4: {  	_ =	swait.ge [sflag:s13], $0xA000  }
0x1e5: {  	[sflag:s13] =	ssyncset.done $0x0  }
0x1e6: {  	[sflag:s13] =	ssyncadd.s32 $0xFFFF6000  }
0x1e7: {  	_ =	swait.ge [sflag:s12], $0x280  }
0x1e8: {  	[sflag:s12] =	ssyncset.done $0x0  }
0x1e9: {  	[sflag:s12] =	ssyncadd.s32 $0xFFFFFD80  }
0x1ea: {  	[spmem:s2] =	stream.indirect.scatter.add.f32 [tilespmem:s8], [sflag:$0x5], $0x40, s9, s7, $0xb8;
	[tilespmem:$0x1EA00] =	vst v63  }
0x1eb: {  	_ =	swait.ge [sflag:s5], $0xA000  }
0x1ec: {  	[sflag:s5] =	ssyncset.done $0x0  }
0x1ed: {  	s31 =	rddreg [dreg:$0x16];
	[sflag:s5] =	ssyncadd.s32 $0xFFFF6000  }
0x1ee: {  	[tilespmem:s7], [sflag:$0x5] =	stream.linear.gather [hbm4b:s31+s3], $0x280, $0x38;
	[tilespmem:$0x1EA00] =	vst v63  }
0x1ef: {  	_ =	swait.ge [sflag:s5], $0x280  }
0x1f0: {  	[sflag:s5] =	ssyncset.done $0x0  }
0x1f1: {  	[sflag:s5] =	ssyncadd.s32 $0xFFFFFD80  }
0x1f2: {  	[tilespmem:s8], [sflag:$0x2] =	stream.indirect.gather [hbm4b:s4+s7], $0x40, s7, s7, $0xb8;
	[tilespmem:$0x1EA00] =	vst v63  }
0x1f3: {  	s16 =	rddreg [dreg:$0x17]  }
0x1f4: {  	[tilespmem:s9], [sflag:$0x4] =	stream.linear.gather [hbm4b:s16+s3], $0x280, $0x38;
	[tilespmem:$0x1EA00] =	vst v63  }
0x1f5: {  	_ =	swait.ge [sflag:s15], $0xA000  }
0x1f6: {  	[sflag:s15] =	ssyncset.done $0x0  }
0x1f7: {  	[sflag:s15] =	ssyncadd.s32 $0xFFFF6000  }
0x1f8: {  	_ =	swait.ge [sflag:s14], $0x280  }
0x1f9: {  	[sflag:s14] =	ssyncset.done $0x0  }
0x1fa: {  	[sflag:s14] =	ssyncadd.s32 $0xFFFFFD80  }
0x1fb: {  	[spmem:s2] =	stream.indirect.scatter.add.f32 [tilespmem:s10], [sflag:$0x5], $0x40, s11, s7, $0xb8;
	[tilespmem:$0x1EA00] =	vst v63  }
0x1fc: {  	_ =	swait.ge [sflag:s5], $0xA000  }
0x1fd: {  	[sflag:s5] =	ssyncset.done $0x0  }
0x1fe: {  	s30 =	rddreg [dreg:$0x18];
	[sflag:s5] =	ssyncadd.s32 $0xFFFF6000  }
0x1ff: {  	[tilespmem:s3], [sflag:$0x5] =	stream.linear.gather [hbm4b:s30+s3], $0x280, $0x38;
	[tilespmem:$0x1EA00] =	vst v63  }
0x200: {  	_ =	swait.ge [sflag:s5], $0x280  }
0x201: {  	[sflag:s5] =	ssyncset.done $0x0  }
0x202: {  	[sflag:s5] =	ssyncadd.s32 $0xFFFFFD80  }
0x203: {  	[tilespmem:s10], [sflag:$0x1] =	stream.indirect.gather [hbm4b:s4+s7], $0x40, s3, s7, $0xb8;
	[tilespmem:$0x1EA00] =	vst v63  }
0x204: {  	s31 =	rddreg [dreg:$0x19]  }
0x205: {  	[tilespmem:s11], [sflag:$0x3] =	stream.linear.gather [hbm4b:s31+s3], $0x280, $0x38;
	[tilespmem:$0x1EA00] =	vst v63  }
0x206: {  	_ =	swait.ge [sflag:s13], $0xA000  }
0x207: {  	[sflag:s13] =	ssyncset.done $0x0  }
0x208: {  	[sflag:s13] =	ssyncadd.s32 $0xFFFF6000  }
0x209: {  	_ =	swait.ge [sflag:s12], $0x280  }
0x20a: {  	[sflag:s12] =	ssyncset.done $0x0  }
0x20b: {  	[sflag:s12] =	ssyncadd.s32 $0xFFFFFD80  }
0x20c: {  	[spmem:s2] =	stream.indirect.scatter.add.f32 [tilespmem:s8], [sflag:$0x5], $0x40, s9, s7, $0xb8;
	[tilespmem:$0x1EA00] =	vst v63  }
0x20d: {  	_ =	swait.ge [sflag:s5], $0xA000  }
0x20e: {  	[sflag:s5] =	ssyncset.done $0x0  }
0x20f: {  	s16 =	rddreg [dreg:$0x1a];
	[sflag:s5] =	ssyncadd.s32 $0xFFFF6000  }
0x210: {  	[tilespmem:s7], [sflag:$0x5] =	stream.linear.gather [hbm4b:s16+s3], $0x280, $0x38;
	[tilespmem:$0x1EA00] =	vst v63  }
0x211: {  	_ =	swait.ge [sflag:s5], $0x280  }
0x212: {  	[sflag:s5] =	ssyncset.done $0x0  }
0x213: {  	[sflag:s5] =	ssyncadd.s32 $0xFFFFFD80  }
0x214: {  	[tilespmem:s8], [sflag:$0x2] =	stream.indirect.gather [hbm4b:s4+s7], $0x40, s7, s7, $0xb8;
	[tilespmem:$0x1EA00] =	vst v63  }
0x215: {  	s30 =	rddreg [dreg:$0x1b]  }
0x216: {  	[tilespmem:s9], [sflag:$0x4] =	stream.linear.gather [hbm4b:s30+s3], $0x280, $0x38;
	[tilespmem:$0x1EA00] =	vst v63  }
0x217: {  	_ =	swait.ge [sflag:s15], $0xA000  }
0x218: {  	[sflag:s15] =	ssyncset.done $0x0  }
0x219: {  	[sflag:s15] =	ssyncadd.s32 $0xFFFF6000  }
0x21a: {  	_ =	swait.ge [sflag:s14], $0x280  }
0x21b: {  	[sflag:s14] =	ssyncset.done $0x0  }
0x21c: {  	[sflag:s14] =	ssyncadd.s32 $0xFFFFFD80  }
0x21d: {  	[spmem:s2] =	stream.indirect.scatter.add.f32 [tilespmem:s10], [sflag:$0x5], $0x40, s11, s7, $0xb8;
	[tilespmem:$0x1EA00] =	vst v63  }
0x21e: {  	_ =	swait.ge [sflag:s5], $0xA000  }
0x21f: {  	[sflag:s5] =	ssyncset.done $0x0  }
0x220: {  	s31 =	rddreg [dreg:$0x1c];
	[sflag:s5] =	ssyncadd.s32 $0xFFFF6000  }
0x221: {  	[tilespmem:s3], [sflag:$0x5] =	stream.linear.gather [hbm4b:s31+s3], $0x280, $0x38;
	[tilespmem:$0x1EA00] =	vst v63  }
0x222: {  	_ =	swait.ge [sflag:s5], $0x280  }
0x223: {  	[sflag:s5] =	ssyncset.done $0x0  }
0x224: {  	[sflag:s5] =	ssyncadd.s32 $0xFFFFFD80  }
0x225: {  	[tilespmem:s10], [sflag:$0x1] =	stream.indirect.gather [hbm4b:s4+s7], $0x40, s3, s7, $0xb8;
	[tilespmem:$0x1EA00] =	vst v63  }
0x226: {  	s16 =	rddreg [dreg:$0x1d]  }
0x227: {  	[tilespmem:s11], [sflag:$0x3] =	stream.linear.gather [hbm4b:s16+s3], $0x280, $0x38;
	[tilespmem:$0x1EA00] =	vst v63  }
0x228: {  	_ =	swait.ge [sflag:s13], $0xA000  }
0x229: {  	[sflag:s13] =	ssyncset.done $0x0  }
0x22a: {  	[sflag:s13] =	ssyncadd.s32 $0xFFFF6000  }
0x22b: {  	_ =	swait.ge [sflag:s12], $0x280  }
0x22c: {  	[sflag:s12] =	ssyncset.done $0x0  }
0x22d: {  	[sflag:s12] =	ssyncadd.s32 $0xFFFFFD80  }
0x22e: {  	[spmem:s2] =	stream.indirect.scatter.add.f32 [tilespmem:s8], [sflag:$0x5], $0x40, s9, s7, $0xb8;
	[tilespmem:$0x1EA00] =	vst v63  }
0x22f: {  	_ =	swait.ge [sflag:s5], $0xA000  }
0x230: {  	[sflag:s5] =	ssyncset.done $0x0  }
0x231: {  	s30 =	rddreg [dreg:$0x1e];
	[sflag:s5] =	ssyncadd.s32 $0xFFFF6000  }
0x232: {  	[tilespmem:s7], [sflag:$0x5] =	stream.linear.gather [hbm4b:s30+s3], $0x280, $0x38;
	[tilespmem:$0x1EA00] =	vst v63  }
0x233: {  	_ =	swait.ge [sflag:s5], $0x280  }
0x234: {  	[sflag:s5] =	ssyncset.done $0x0  }
0x235: {  	[sflag:s5] =	ssyncadd.s32 $0xFFFFFD80  }
0x236: {  	[tilespmem:s8], [sflag:$0x2] =	stream.indirect.gather [hbm4b:s4+s7], $0x40, s7, s7, $0xb8;
	[tilespmem:$0x1EA00] =	vst v63  }
0x237: {  	s31 =	rddreg [dreg:$0x1f]  }
0x238: {  	[tilespmem:s9], [sflag:$0x4] =	stream.linear.gather [hbm4b:s31+s3], $0x280, $0x38;
	[tilespmem:$0x1EA00] =	vst v63  }
0x239: {  	_ =	swait.ge [sflag:s15], $0xA000  }
0x23a: {  	[sflag:s15] =	ssyncset.done $0x0  }
0x23b: {  	[sflag:s15] =	ssyncadd.s32 $0xFFFF6000  }
0x23c: {  	_ =	swait.ge [sflag:s14], $0x280  }
0x23d: {  	[sflag:s14] =	ssyncset.done $0x0  }
0x23e: {  	[sflag:s14] =	ssyncadd.s32 $0xFFFFFD80  }
0x23f: {  	[spmem:s2] =	stream.indirect.scatter.add.f32 [tilespmem:s10], [sflag:$0x5], $0x40, s11, s7, $0xb8;
	[tilespmem:$0x1EA00] =	vst v63  }
0x240: {  	_ =	swait.ge [sflag:s5], $0xA000  }
0x241: {  	s16 =	sld [smem:$0x7F9]  }
0x242: {  	[sflag:s5] =	ssyncset.done $0x0  }
0x243: {  	[sflag:s5] =	ssyncadd.s32 $0xFFFF6000  }
0x244: {  	[tilespmem:s3], [sflag:$0x5] =	stream.linear.gather [hbm4b:s16+s3], $0x280, $0x38;
	[tilespmem:$0x1EA00] =	vst v63  }
0x245: {  	_ =	swait.ge [sflag:s5], $0x280  }
0x246: {  	[sflag:s5] =	ssyncset.done $0x0  }
0x247: {  	s30 =	sld [smem:$0x7FA];
	[sflag:s5] =	ssyncadd.s32 $0xFFFFFD80  }
0x248: {  	[tilespmem:s10], [sflag:$0x1] =	stream.indirect.gather [hbm4b:s4+s7], $0x40, s3, s7, $0xb8;
	[tilespmem:$0x1EA00] =	vst v63  }
0x249: {  	_ = 	snop  }
0x24a: {  	[tilespmem:s11], [sflag:$0x3] =	stream.linear.gather [hbm4b:s30+s3], $0x280, $0x38;
	[tilespmem:$0x1EA00] =	vst v63  }
0x24b: {  	_ =	swait.ge [sflag:s13], $0xA000  }
0x24c: {  	[sflag:s13] =	ssyncset.done $0x0  }
0x24d: {  	[sflag:s13] =	ssyncadd.s32 $0xFFFF6000  }
0x24e: {  	_ =	swait.ge [sflag:s12], $0x280  }
0x24f: {  	[sflag:s12] =	ssyncset.done $0x0  }
0x250: {  	[sflag:s12] =	ssyncadd.s32 $0xFFFFFD80  }
0x251: {  	[spmem:s2] =	stream.indirect.scatter.add.f32 [tilespmem:s8], [sflag:$0x5], $0x40, s9, s7, $0xb8;
	[tilespmem:$0x1EA00] =	vst v63  }
0x252: {  	_ =	swait.ge [sflag:s5], $0xA000  }
0x253: {  	[sflag:s5] =	ssyncset.done $0x0  }
0x254: {  	[sflag:s5] =	ssyncadd.s32 $0xFFFF6000  }
0x255: {  	_ =	swait.ge @p0 [sflag:s17], $0xA000  }
0x256: {  	[sflag:s17] =	ssyncset.done @p0 $0x0  }
0x257: {  	[sflag:s17] =	ssyncadd.s32 @p0 $0xFFFF6000  }
0x258: {  	_ =	swait.ge @p0 [sflag:s18], $0x280  }
0x259: {  	s31 =	simm.s32 @p0 $0xA00;
	s16 =	simm.s32 @p0 $0x280;
	[sflag:s18] =	ssyncset.done @p0 $0x0  }
0x25a: {  	s30 =	simm.s32 @p0 $0x500;
	s21 =	sld [smem:$0x7FB];
	[sflag:s18] =	ssyncadd.s32 @p0 $0xFFFFFD80  }
0x25b: {  	[spmem:s2] =	stream.indirect.scatter.add.f32 @p0 [tilespmem:s31], [sflag:$0x5], $0x40, s30, s16, $0xb8;
	[tilespmem:$0x1EA00] =	vst v63  }
0x25c: {  	s16 =	simm.s32 @!p0 $0x0  }
0x25d: {  	[tilespmem:s23], [sflag:$0x5] =	stream.linear.gather @!p0 [hbm4b:s21+s16], $0x280, $0x38;
	[tilespmem:$0x1EA00] =	vst v63  }
0x25e: {  	_ =	swait.ge @!p0 [sflag:s24], $0x280  }
0x25f: {  	[sflag:s24] =	ssyncset.done @!p0 $0x0  }
0x260: {  	s21 =	sld [smem:$0x7FC];
	[sflag:s24] =	ssyncadd.s32 @!p0 $0xFFFFFD80  }
0x261: {  	[tilespmem:s25], [sflag:$0x2] =	stream.indirect.gather @!p0 [hbm4b:s4+s23], $0x40, s23, s23, $0xb8;
	[tilespmem:$0x1EA00] =	vst v63  }
0x262: {  	_ = 	snop  }
0x263: {  	[tilespmem:s26], [sflag:$0x4] =	stream.linear.gather @!p0 [hbm4b:s21+s16], $0x280, $0x38;
	[tilespmem:$0x1EA00] =	vst v63  }
0x264: {  	_ =	swait.ge @!p0 [sflag:s28], $0xA000  }
0x265: {  	[sflag:s28] =	ssyncset.done @!p0 $0x0  }
0x266: {  	[sflag:s28] =	ssyncadd.s32 @!p0 $0xFFFF6000  }
0x267: {  	_ =	swait.ge @!p0 [sflag:s29], $0x280  }
0x268: {  	[sflag:s29] =	ssyncset.done @!p0 $0x0  }
0x269: {  	s16 =	simm.s32 @!p0 $0x500;
	s21 =	simm.s32 @!p0 $0xA00;
	[sflag:s29] =	ssyncadd.s32 @!p0 $0xFFFFFD80  }
0x26a: {  	[spmem:s2] =	stream.indirect.scatter.add.f32 @!p0 [tilespmem:s21], [sflag:$0x5], $0x40, s16, s23, $0xb8;
	[tilespmem:$0x1EA00] =	vst v63  }
0x26b: {  	_ =	swait.ge @!p0 [sflag:s24], $0xA000  }
0x26c: {  	[sflag:s24] =	ssyncset.done @!p0 $0x0  }
0x26d: {  	[sflag:s24] =	ssyncadd.s32 @!p0 $0xFFFF6000  }
0x26e: {  	_ =	swait.ge @!p0 [sflag:s1], $0xA000  }
0x26f: {  	[sflag:s1] =	ssyncset.done @!p0 $0x0  }
0x270: {  	[sflag:s1] =	ssyncadd.s32 @!p0 $0xFFFF6000  }
0x271: {  	_ =	swait.ge @!p0 [sflag:s0], $0x280  }
0x272: {  	[sflag:s0] =	ssyncset.done @!p0 $0x0  }
0x273: {  	[sflag:s0] =	ssyncadd.s32 @!p0 $0xFFFFFD80  }
0x274: {  	[spmem:s2] =	stream.indirect.scatter.add.f32 @!p0 [tilespmem:s25], [sflag:$0x5], $0x40, s26, s23, $0xb8;
	[tilespmem:$0x1EA00] =	vst v63  }
0x275: {  	_ =	swait.ge [sflag:s5], $0xA000  }
0x276: {  	[sflag:s5] =	ssyncset.done $0x0  }
0x277: {  	[sflag:s5] =	ssyncadd.s32 $0xFFFF6000  }
0x278: {  	s19 =	sadd.s32 $0xFFFFFFFF, s19;
	[bflag:$0x0] =	sbarrier.arrive $0xFFFF  }
0x279: {  	p2 =	sne.s32 s19, $0x0;
	s31 =	sld [smem:$0x7FD]  }
.Ltmp2:
0x27a: {  	_ = 	snop;
	(pc) =	sbr.rel @p2 .LBB2_3-.Ltmp2, $4  }
0x27b: {  	_ = 	snop  }
0x27c: {  	[hbm:s31], [sflag:s6] =	dma.local [spmem:s20], $0x1400  }
0x27d: {  	_ =	swait.ge [sflag:s5], $0x1400  }
0x27e: {  	s20 =	rddreg [dreg:$0x3];
	[sflag:s5] =	ssyncset.done $0x0  }
0x27f: {  	s17 =	stileid.u32;
	s18 =	rddreg [dreg:$0x2]  }
.LBB2_5:
0x280: {  	[sflag:s5] =	ssyncadd.s32 @p1 $0xFFFFEC00;
	s0 =	sshrl.u32 s20, $0x3  }
0x281: {  	[spmem:s0], [sflag:s6] =	dma.local [hbm:s22], $0x1400  }
0x282: {  	_ =	swait.ge [sflag:s5], $0x1400  }
0x283: {  	[sflag:s5] =	ssyncset.done $0x0  }
0x284: {  	s1 =	rddreg [dreg:$0x4];
	[sflag:s5] =	ssyncadd.s32 $0xFFFFEC00  }
0x285: {  	[tilespmem:s3], [sflag:$0x5] =	stream.linear.gather [hbm4b:s1+s3], $0x280, $0x38;
	[tilespmem:$0x1EA00] =	vst v63  }
0x286: {  	_ =	swait.ge [sflag:s5], $0x280  }
0x287: {  	[sflag:s5] =	ssyncset.done $0x0  }
0x288: {  	[sflag:s5] =	ssyncadd.s32 $0xFFFFFD80  }
0x289: {  	[tilespmem:s10], [sflag:$0x1] =	stream.indirect.gather [hbm4b:s4+s7], $0x40, s3, s7, $0xb8;
	[tilespmem:$0x1EA00] =	vst v63  }
0x28a: {  	s28 =	rddreg [dreg:$0x5]  }
0x28b: {  	[tilespmem:s11], [sflag:$0x3] =	stream.linear.gather [hbm4b:s28+s3], $0x280, $0x38;
	[tilespmem:$0x1EA00] =	vst v63  }
0x28c: {  	[bflag:$0x0] =	sbarrier.arrive $0xFFFF  }
0x28d: {  	s29 =	rddreg [dreg:$0x6]  }
0x28e: {  	[tilespmem:s7], [sflag:$0x5] =	stream.linear.gather [hbm4b:s29+s3], $0x280, $0x38;
	[tilespmem:$0x1EA00] =	vst v63  }
0x28f: {  	_ =	swait.ge [sflag:s5], $0x280  }
0x290: {  	[sflag:s5] =	ssyncset.done $0x0  }
0x291: {  	[sflag:s5] =	ssyncadd.s32 $0xFFFFFD80  }
0x292: {  	[tilespmem:s8], [sflag:$0x2] =	stream.indirect.gather [hbm4b:s4+s7], $0x40, s7, s7, $0xb8;
	[tilespmem:$0x1EA00] =	vst v63  }
0x293: {  	s30 =	rddreg [dreg:$0x7]  }
0x294: {  	[tilespmem:s9], [sflag:$0x4] =	stream.linear.gather [hbm4b:s30+s3], $0x280, $0x38;
	[tilespmem:$0x1EA00] =	vst v63  }
0x295: {  	_ =	swait.ge [sflag:s15], $0xA000  }
0x296: {  	[sflag:s15] =	ssyncset.done $0x0  }
0x297: {  	[sflag:s15] =	ssyncadd.s32 $0xFFFF6000  }
0x298: {  	_ =	swait.ge [sflag:s14], $0x280  }
0x299: {  	[sflag:s14] =	ssyncset.done $0x0  }
0x29a: {  	[sflag:s14] =	ssyncadd.s32 $0xFFFFFD80  }
0x29b: {  	[spmem:s2] =	stream.indirect.scatter.add.f32 [tilespmem:s10], [sflag:$0x5], $0x40, s11, s7, $0xb8;
	[tilespmem:$0x1EA00] =	vst v63  }
0x29c: {  	_ =	swait.ge [sflag:s5], $0xA000  }
0x29d: {  	[sflag:s5] =	ssyncset.done $0x0  }
0x29e: {  	s31 =	rddreg [dreg:$0x8];
	[sflag:s5] =	ssyncadd.s32 $0xFFFF6000  }
0x29f: {  	[tilespmem:s3], [sflag:$0x5] =	stream.linear.gather [hbm4b:s31+s3], $0x280, $0x38;
	[tilespmem:$0x1EA00] =	vst v63  }
0x2a0: {  	_ =	swait.ge [sflag:s5], $0x280  }
0x2a1: {  	[sflag:s5] =	ssyncset.done $0x0  }
0x2a2: {  	[sflag:s5] =	ssyncadd.s32 $0xFFFFFD80  }
0x2a3: {  	[tilespmem:s10], [sflag:$0x1] =	stream.indirect.gather [hbm4b:s4+s7], $0x40, s3, s7, $0xb8;
	[tilespmem:$0x1EA00] =	vst v63  }
0x2a4: {  	s16 =	rddreg [dreg:$0x9]  }
0x2a5: {  	[tilespmem:s11], [sflag:$0x3] =	stream.linear.gather [hbm4b:s16+s3], $0x280, $0x38;
	[tilespmem:$0x1EA00] =	vst v63  }
0x2a6: {  	_ =	swait.ge [sflag:s13], $0xA000  }
0x2a7: {  	[sflag:s13] =	ssyncset.done $0x0  }
0x2a8: {  	[sflag:s13] =	ssyncadd.s32 $0xFFFF6000  }
0x2a9: {  	_ =	swait.ge [sflag:s12], $0x280  }
0x2aa: {  	[sflag:s12] =	ssyncset.done $0x0  }
0x2ab: {  	[sflag:s12] =	ssyncadd.s32 $0xFFFFFD80  }
0x2ac: {  	[spmem:s2] =	stream.indirect.scatter.add.f32 [tilespmem:s8], [sflag:$0x5], $0x40, s9, s7, $0xb8;
	[tilespmem:$0x1EA00] =	vst v63  }
0x2ad: {  	_ =	swait.ge [sflag:s5], $0xA000  }
0x2ae: {  	[sflag:s5] =	ssyncset.done $0x0  }
0x2af: {  	s19 =	rddreg [dreg:$0xa];
	[sflag:s5] =	ssyncadd.s32 $0xFFFF6000  }
0x2b0: {  	[tilespmem:s7], [sflag:$0x5] =	stream.linear.gather [hbm4b:s19+s3], $0x280, $0x38;
	[tilespmem:$0x1EA00] =	vst v63  }
0x2b1: {  	_ =	swait.ge [sflag:s5], $0x280  }
0x2b2: {  	[sflag:s5] =	ssyncset.done $0x0  }
0x2b3: {  	[sflag:s5] =	ssyncadd.s32 $0xFFFFFD80  }
0x2b4: {  	[tilespmem:s8], [sflag:$0x2] =	stream.indirect.gather [hbm4b:s4+s7], $0x40, s7, s7, $0xb8;
	[tilespmem:$0x1EA00] =	vst v63  }
0x2b5: {  	s20 =	rddreg [dreg:$0xb]  }
0x2b6: {  	[tilespmem:s9], [sflag:$0x4] =	stream.linear.gather [hbm4b:s20+s3], $0x280, $0x38;
	[tilespmem:$0x1EA00] =	vst v63  }
0x2b7: {  	_ =	swait.ge [sflag:s15], $0xA000  }
0x2b8: {  	[sflag:s15] =	ssyncset.done $0x0  }
0x2b9: {  	[sflag:s15] =	ssyncadd.s32 $0xFFFF6000  }
0x2ba: {  	_ =	swait.ge [sflag:s14], $0x280  }
0x2bb: {  	[sflag:s14] =	ssyncset.done $0x0  }
0x2bc: {  	[sflag:s14] =	ssyncadd.s32 $0xFFFFFD80  }
0x2bd: {  	[spmem:s2] =	stream.indirect.scatter.add.f32 [tilespmem:s10], [sflag:$0x5], $0x40, s11, s7, $0xb8;
	[tilespmem:$0x1EA00] =	vst v63  }
0x2be: {  	_ =	swait.ge [sflag:s5], $0xA000  }
0x2bf: {  	[sflag:s5] =	ssyncset.done $0x0  }
0x2c0: {  	s21 =	rddreg [dreg:$0xc];
	[sflag:s5] =	ssyncadd.s32 $0xFFFF6000  }
0x2c1: {  	[tilespmem:s3], [sflag:$0x5] =	stream.linear.gather [hbm4b:s21+s3], $0x280, $0x38;
	[tilespmem:$0x1EA00] =	vst v63  }
0x2c2: {  	_ =	swait.ge [sflag:s5], $0x280  }
0x2c3: {  	[sflag:s5] =	ssyncset.done $0x0  }
0x2c4: {  	[sflag:s5] =	ssyncadd.s32 $0xFFFFFD80  }
0x2c5: {  	[tilespmem:s10], [sflag:$0x1] =	stream.indirect.gather [hbm4b:s4+s7], $0x40, s3, s7, $0xb8;
	[tilespmem:$0x1EA00] =	vst v63  }
0x2c6: {  	s22 =	rddreg [dreg:$0xd]  }
0x2c7: {  	[tilespmem:s11], [sflag:$0x3] =	stream.linear.gather [hbm4b:s22+s3], $0x280, $0x38;
	[tilespmem:$0x1EA00] =	vst v63  }
0x2c8: {  	_ =	swait.ge [sflag:s13], $0xA000  }
0x2c9: {  	[sflag:s13] =	ssyncset.done $0x0  }
0x2ca: {  	[sflag:s13] =	ssyncadd.s32 $0xFFFF6000  }
0x2cb: {  	_ =	swait.ge [sflag:s12], $0x280  }
0x2cc: {  	[sflag:s12] =	ssyncset.done $0x0  }
0x2cd: {  	[sflag:s12] =	ssyncadd.s32 $0xFFFFFD80  }
0x2ce: {  	[spmem:s2] =	stream.indirect.scatter.add.f32 [tilespmem:s8], [sflag:$0x5], $0x40, s9, s7, $0xb8;
	[tilespmem:$0x1EA00] =	vst v63  }
0x2cf: {  	_ =	swait.ge [sflag:s5], $0xA000  }
0x2d0: {  	[sflag:s5] =	ssyncset.done $0x0  }
0x2d1: {  	s23 =	rddreg [dreg:$0xe];
	[sflag:s5] =	ssyncadd.s32 $0xFFFF6000  }
0x2d2: {  	[tilespmem:s7], [sflag:$0x5] =	stream.linear.gather [hbm4b:s23+s3], $0x280, $0x38;
	[tilespmem:$0x1EA00] =	vst v63  }
0x2d3: {  	_ =	swait.ge [sflag:s5], $0x280  }
0x2d4: {  	[sflag:s5] =	ssyncset.done $0x0  }
0x2d5: {  	[sflag:s5] =	ssyncadd.s32 $0xFFFFFD80  }
0x2d6: {  	[tilespmem:s8], [sflag:$0x2] =	stream.indirect.gather [hbm4b:s4+s7], $0x40, s7, s7, $0xb8;
	[tilespmem:$0x1EA00] =	vst v63  }
0x2d7: {  	s24 =	rddreg [dreg:$0xf]  }
0x2d8: {  	[tilespmem:s9], [sflag:$0x4] =	stream.linear.gather [hbm4b:s24+s3], $0x280, $0x38;
	[tilespmem:$0x1EA00] =	vst v63  }
0x2d9: {  	_ =	swait.ge [sflag:s15], $0xA000  }
0x2da: {  	[sflag:s15] =	ssyncset.done $0x0  }
0x2db: {  	[sflag:s15] =	ssyncadd.s32 $0xFFFF6000  }
0x2dc: {  	_ =	swait.ge [sflag:s14], $0x280  }
0x2dd: {  	[sflag:s14] =	ssyncset.done $0x0  }
0x2de: {  	[sflag:s14] =	ssyncadd.s32 $0xFFFFFD80  }
0x2df: {  	[spmem:s2] =	stream.indirect.scatter.add.f32 [tilespmem:s10], [sflag:$0x5], $0x40, s11, s7, $0xb8;
	[tilespmem:$0x1EA00] =	vst v63  }
0x2e0: {  	_ =	swait.ge [sflag:s5], $0xA000  }
0x2e1: {  	[sflag:s5] =	ssyncset.done $0x0  }
0x2e2: {  	s25 =	rddreg [dreg:$0x10];
	[sflag:s5] =	ssyncadd.s32 $0xFFFF6000  }
0x2e3: {  	[tilespmem:s3], [sflag:$0x5] =	stream.linear.gather [hbm4b:s25+s3], $0x280, $0x38;
	[tilespmem:$0x1EA00] =	vst v63  }
0x2e4: {  	_ =	swait.ge [sflag:s5], $0x280  }
0x2e5: {  	[sflag:s5] =	ssyncset.done $0x0  }
0x2e6: {  	[sflag:s5] =	ssyncadd.s32 $0xFFFFFD80  }
0x2e7: {  	[tilespmem:s10], [sflag:$0x1] =	stream.indirect.gather [hbm4b:s4+s7], $0x40, s3, s7, $0xb8;
	[tilespmem:$0x1EA00] =	vst v63  }
0x2e8: {  	s26 =	rddreg [dreg:$0x11]  }
0x2e9: {  	[tilespmem:s11], [sflag:$0x3] =	stream.linear.gather [hbm4b:s26+s3], $0x280, $0x38;
	[tilespmem:$0x1EA00] =	vst v63  }
0x2ea: {  	_ =	swait.ge [sflag:s13], $0xA000  }
0x2eb: {  	[sflag:s13] =	ssyncset.done $0x0  }
0x2ec: {  	[sflag:s13] =	ssyncadd.s32 $0xFFFF6000  }
0x2ed: {  	_ =	swait.ge [sflag:s12], $0x280  }
0x2ee: {  	[sflag:s12] =	ssyncset.done $0x0  }
0x2ef: {  	[sflag:s12] =	ssyncadd.s32 $0xFFFFFD80  }
0x2f0: {  	[spmem:s2] =	stream.indirect.scatter.add.f32 [tilespmem:s8], [sflag:$0x5], $0x40, s9, s7, $0xb8;
	[tilespmem:$0x1EA00] =	vst v63  }
0x2f1: {  	_ =	swait.ge [sflag:s5], $0xA000  }
0x2f2: {  	[sflag:s5] =	ssyncset.done $0x0  }
0x2f3: {  	s28 =	rddreg [dreg:$0x12];
	[sflag:s5] =	ssyncadd.s32 $0xFFFF6000  }
0x2f4: {  	[tilespmem:s7], [sflag:$0x5] =	stream.linear.gather [hbm4b:s28+s3], $0x280, $0x38;
	[tilespmem:$0x1EA00] =	vst v63  }
0x2f5: {  	_ =	swait.ge [sflag:s5], $0x280  }
0x2f6: {  	[sflag:s5] =	ssyncset.done $0x0  }
0x2f7: {  	[sflag:s5] =	ssyncadd.s32 $0xFFFFFD80  }
0x2f8: {  	[tilespmem:s8], [sflag:$0x2] =	stream.indirect.gather [hbm4b:s4+s7], $0x40, s7, s7, $0xb8;
	[tilespmem:$0x1EA00] =	vst v63  }
0x2f9: {  	s29 =	rddreg [dreg:$0x13]  }
0x2fa: {  	[tilespmem:s9], [sflag:$0x4] =	stream.linear.gather [hbm4b:s29+s3], $0x280, $0x38;
	[tilespmem:$0x1EA00] =	vst v63  }
0x2fb: {  	_ =	swait.ge [sflag:s15], $0xA000  }
0x2fc: {  	[sflag:s15] =	ssyncset.done $0x0  }
0x2fd: {  	[sflag:s15] =	ssyncadd.s32 $0xFFFF6000  }
0x2fe: {  	_ =	swait.ge [sflag:s14], $0x280  }
0x2ff: {  	[sflag:s14] =	ssyncset.done $0x0  }
0x300: {  	[sflag:s14] =	ssyncadd.s32 $0xFFFFFD80  }
0x301: {  	[spmem:s2] =	stream.indirect.scatter.add.f32 [tilespmem:s10], [sflag:$0x5], $0x40, s11, s7, $0xb8;
	[tilespmem:$0x1EA00] =	vst v63  }
0x302: {  	_ =	swait.ge [sflag:s5], $0xA000  }
0x303: {  	[sflag:s5] =	ssyncset.done $0x0  }
0x304: {  	s30 =	rddreg [dreg:$0x14];
	[sflag:s5] =	ssyncadd.s32 $0xFFFF6000  }
0x305: {  	[tilespmem:s3], [sflag:$0x5] =	stream.linear.gather [hbm4b:s30+s3], $0x280, $0x38;
	[tilespmem:$0x1EA00] =	vst v63  }
0x306: {  	_ =	swait.ge [sflag:s5], $0x280  }
0x307: {  	[sflag:s5] =	ssyncset.done $0x0  }
0x308: {  	[sflag:s5] =	ssyncadd.s32 $0xFFFFFD80  }
0x309: {  	[tilespmem:s10], [sflag:$0x1] =	stream.indirect.gather [hbm4b:s4+s7], $0x40, s3, s7, $0xb8;
	[tilespmem:$0x1EA00] =	vst v63  }
0x30a: {  	s31 =	rddreg [dreg:$0x15]  }
0x30b: {  	[tilespmem:s11], [sflag:$0x3] =	stream.linear.gather [hbm4b:s31+s3], $0x280, $0x38;
	[tilespmem:$0x1EA00] =	vst v63  }
0x30c: {  	_ =	swait.ge [sflag:s13], $0xA000  }
0x30d: {  	[sflag:s13] =	ssyncset.done $0x0  }
0x30e: {  	[sflag:s13] =	ssyncadd.s32 $0xFFFF6000  }
0x30f: {  	_ =	swait.ge [sflag:s12], $0x280  }
0x310: {  	[sflag:s12] =	ssyncset.done $0x0  }
0x311: {  	[sflag:s12] =	ssyncadd.s32 $0xFFFFFD80  }
0x312: {  	[spmem:s2] =	stream.indirect.scatter.add.f32 [tilespmem:s8], [sflag:$0x5], $0x40, s9, s7, $0xb8;
	[tilespmem:$0x1EA00] =	vst v63  }
0x313: {  	_ =	swait.ge [sflag:s5], $0xA000  }
0x314: {  	[sflag:s5] =	ssyncset.done $0x0  }
0x315: {  	s16 =	rddreg [dreg:$0x16];
	[sflag:s5] =	ssyncadd.s32 $0xFFFF6000  }
0x316: {  	[tilespmem:s7], [sflag:$0x5] =	stream.linear.gather [hbm4b:s16+s3], $0x280, $0x38;
	[tilespmem:$0x1EA00] =	vst v63  }
0x317: {  	_ =	swait.ge [sflag:s5], $0x280  }
0x318: {  	[sflag:s5] =	ssyncset.done $0x0  }
0x319: {  	[sflag:s5] =	ssyncadd.s32 $0xFFFFFD80  }
0x31a: {  	[tilespmem:s8], [sflag:$0x2] =	stream.indirect.gather [hbm4b:s4+s7], $0x40, s7, s7, $0xb8;
	[tilespmem:$0x1EA00] =	vst v63  }
0x31b: {  	s19 =	rddreg [dreg:$0x17]  }
0x31c: {  	[tilespmem:s9], [sflag:$0x4] =	stream.linear.gather [hbm4b:s19+s3], $0x280, $0x38;
	[tilespmem:$0x1EA00] =	vst v63  }
0x31d: {  	_ =	swait.ge [sflag:s15], $0xA000  }
0x31e: {  	[sflag:s15] =	ssyncset.done $0x0  }
0x31f: {  	[sflag:s15] =	ssyncadd.s32 $0xFFFF6000  }
0x320: {  	_ =	swait.ge [sflag:s14], $0x280  }
0x321: {  	[sflag:s14] =	ssyncset.done $0x0  }
0x322: {  	[sflag:s14] =	ssyncadd.s32 $0xFFFFFD80  }
0x323: {  	[spmem:s2] =	stream.indirect.scatter.add.f32 [tilespmem:s10], [sflag:$0x5], $0x40, s11, s7, $0xb8;
	[tilespmem:$0x1EA00] =	vst v63  }
0x324: {  	_ =	swait.ge [sflag:s5], $0xA000  }
0x325: {  	[sflag:s5] =	ssyncset.done $0x0  }
0x326: {  	s20 =	rddreg [dreg:$0x18];
	[sflag:s5] =	ssyncadd.s32 $0xFFFF6000  }
0x327: {  	[tilespmem:s3], [sflag:$0x5] =	stream.linear.gather [hbm4b:s20+s3], $0x280, $0x38;
	[tilespmem:$0x1EA00] =	vst v63  }
0x328: {  	_ =	swait.ge [sflag:s5], $0x280  }
0x329: {  	[sflag:s5] =	ssyncset.done $0x0  }
0x32a: {  	[sflag:s5] =	ssyncadd.s32 $0xFFFFFD80  }
0x32b: {  	[tilespmem:s10], [sflag:$0x1] =	stream.indirect.gather [hbm4b:s4+s7], $0x40, s3, s7, $0xb8;
	[tilespmem:$0x1EA00] =	vst v63  }
0x32c: {  	s21 =	rddreg [dreg:$0x19]  }
0x32d: {  	[tilespmem:s11], [sflag:$0x3] =	stream.linear.gather [hbm4b:s21+s3], $0x280, $0x38;
	[tilespmem:$0x1EA00] =	vst v63  }
0x32e: {  	_ =	swait.ge [sflag:s13], $0xA000  }
0x32f: {  	[sflag:s13] =	ssyncset.done $0x0  }
0x330: {  	[sflag:s13] =	ssyncadd.s32 $0xFFFF6000  }
0x331: {  	_ =	swait.ge [sflag:s12], $0x280  }
0x332: {  	[sflag:s12] =	ssyncset.done $0x0  }
0x333: {  	[sflag:s12] =	ssyncadd.s32 $0xFFFFFD80  }
0x334: {  	[spmem:s2] =	stream.indirect.scatter.add.f32 [tilespmem:s8], [sflag:$0x5], $0x40, s9, s7, $0xb8;
	[tilespmem:$0x1EA00] =	vst v63  }
0x335: {  	_ =	swait.ge [sflag:s5], $0xA000  }
0x336: {  	[sflag:s5] =	ssyncset.done $0x0  }
0x337: {  	s22 =	rddreg [dreg:$0x1a];
	[sflag:s5] =	ssyncadd.s32 $0xFFFF6000  }
0x338: {  	[tilespmem:s7], [sflag:$0x5] =	stream.linear.gather [hbm4b:s22+s3], $0x280, $0x38;
	[tilespmem:$0x1EA00] =	vst v63  }
0x339: {  	_ =	swait.ge [sflag:s5], $0x280  }
0x33a: {  	[sflag:s5] =	ssyncset.done $0x0  }
0x33b: {  	[sflag:s5] =	ssyncadd.s32 $0xFFFFFD80  }
0x33c: {  	[tilespmem:s8], [sflag:$0x2] =	stream.indirect.gather [hbm4b:s4+s7], $0x40, s7, s7, $0xb8;
	[tilespmem:$0x1EA00] =	vst v63  }
0x33d: {  	s23 =	rddreg [dreg:$0x1b]  }
0x33e: {  	[tilespmem:s9], [sflag:$0x4] =	stream.linear.gather [hbm4b:s23+s3], $0x280, $0x38;
	[tilespmem:$0x1EA00] =	vst v63  }
0x33f: {  	_ =	swait.ge [sflag:s15], $0xA000  }
0x340: {  	[sflag:s15] =	ssyncset.done $0x0  }
0x341: {  	[sflag:s15] =	ssyncadd.s32 $0xFFFF6000  }
0x342: {  	_ =	swait.ge [sflag:s14], $0x280  }
0x343: {  	[sflag:s14] =	ssyncset.done $0x0  }
0x344: {  	[sflag:s14] =	ssyncadd.s32 $0xFFFFFD80  }
0x345: {  	[spmem:s2] =	stream.indirect.scatter.add.f32 [tilespmem:s10], [sflag:$0x5], $0x40, s11, s7, $0xb8;
	[tilespmem:$0x1EA00] =	vst v63  }
0x346: {  	_ =	swait.ge [sflag:s5], $0xA000  }
0x347: {  	[sflag:s5] =	ssyncset.done $0x0  }
0x348: {  	s24 =	rddreg [dreg:$0x1c];
	[sflag:s5] =	ssyncadd.s32 $0xFFFF6000  }
0x349: {  	[tilespmem:s3], [sflag:$0x5] =	stream.linear.gather [hbm4b:s24+s3], $0x280, $0x38;
	[tilespmem:$0x1EA00] =	vst v63  }
0x34a: {  	_ =	swait.ge [sflag:s5], $0x280  }
0x34b: {  	[sflag:s5] =	ssyncset.done $0x0  }
0x34c: {  	[sflag:s5] =	ssyncadd.s32 $0xFFFFFD80  }
0x34d: {  	[tilespmem:s10], [sflag:$0x1] =	stream.indirect.gather [hbm4b:s4+s7], $0x40, s3, s7, $0xb8;
	[tilespmem:$0x1EA00] =	vst v63  }
0x34e: {  	s25 =	rddreg [dreg:$0x1d]  }
0x34f: {  	[tilespmem:s11], [sflag:$0x3] =	stream.linear.gather [hbm4b:s25+s3], $0x280, $0x38;
	[tilespmem:$0x1EA00] =	vst v63  }
0x350: {  	_ =	swait.ge [sflag:s13], $0xA000  }
0x351: {  	[sflag:s13] =	ssyncset.done $0x0  }
0x352: {  	[sflag:s13] =	ssyncadd.s32 $0xFFFF6000  }
0x353: {  	_ =	swait.ge [sflag:s12], $0x280  }
0x354: {  	[sflag:s12] =	ssyncset.done $0x0  }
0x355: {  	[sflag:s12] =	ssyncadd.s32 $0xFFFFFD80  }
0x356: {  	[spmem:s2] =	stream.indirect.scatter.add.f32 [tilespmem:s8], [sflag:$0x5], $0x40, s9, s7, $0xb8;
	[tilespmem:$0x1EA00] =	vst v63  }
0x357: {  	_ =	swait.ge [sflag:s5], $0xA000  }
0x358: {  	[sflag:s5] =	ssyncset.done $0x0  }
0x359: {  	s26 =	rddreg [dreg:$0x1e];
	[sflag:s5] =	ssyncadd.s32 $0xFFFF6000  }
0x35a: {  	[tilespmem:s7], [sflag:$0x5] =	stream.linear.gather [hbm4b:s26+s3], $0x280, $0x38;
	[tilespmem:$0x1EA00] =	vst v63  }
0x35b: {  	_ =	swait.ge [sflag:s5], $0x280  }
0x35c: {  	[sflag:s5] =	ssyncset.done $0x0  }
0x35d: {  	[sflag:s5] =	ssyncadd.s32 $0xFFFFFD80  }
0x35e: {  	[tilespmem:s8], [sflag:$0x2] =	stream.indirect.gather [hbm4b:s4+s7], $0x40, s7, s7, $0xb8;
	[tilespmem:$0x1EA00] =	vst v63  }
0x35f: {  	s28 =	rddreg [dreg:$0x1f]  }
0x360: {  	[tilespmem:s9], [sflag:$0x4] =	stream.linear.gather [hbm4b:s28+s3], $0x280, $0x38;
	[tilespmem:$0x1EA00] =	vst v63  }
0x361: {  	_ =	swait.ge [sflag:s15], $0xA000  }
0x362: {  	[sflag:s15] =	ssyncset.done $0x0  }
0x363: {  	[sflag:s15] =	ssyncadd.s32 $0xFFFF6000  }
0x364: {  	_ =	swait.ge [sflag:s14], $0x280  }
0x365: {  	[sflag:s14] =	ssyncset.done $0x0  }
0x366: {  	[sflag:s14] =	ssyncadd.s32 $0xFFFFFD80  }
0x367: {  	[spmem:s2] =	stream.indirect.scatter.add.f32 [tilespmem:s10], [sflag:$0x5], $0x40, s11, s7, $0xb8;
	[tilespmem:$0x1EA00] =	vst v63  }
0x368: {  	_ =	swait.ge [sflag:s5], $0xA000  }
0x369: {  	s29 =	sld [smem:$0x7F9]  }
0x36a: {  	[sflag:s5] =	ssyncset.done $0x0  }
0x36b: {  	[sflag:s5] =	ssyncadd.s32 $0xFFFF6000  }
0x36c: {  	[tilespmem:s3], [sflag:$0x5] =	stream.linear.gather [hbm4b:s29+s3], $0x280, $0x38;
	[tilespmem:$0x1EA00] =	vst v63  }
0x36d: {  	_ =	swait.ge [sflag:s5], $0x280  }
0x36e: {  	[sflag:s5] =	ssyncset.done $0x0  }
0x36f: {  	s30 =	sld [smem:$0x7FA];
	[sflag:s5] =	ssyncadd.s32 $0xFFFFFD80  }
0x370: {  	[tilespmem:s10], [sflag:$0x1] =	stream.indirect.gather [hbm4b:s4+s7], $0x40, s3, s7, $0xb8;
	[tilespmem:$0x1EA00] =	vst v63  }
0x371: {  	_ = 	snop  }
0x372: {  	[tilespmem:s11], [sflag:$0x3] =	stream.linear.gather [hbm4b:s30+s3], $0x280, $0x38;
	[tilespmem:$0x1EA00] =	vst v63  }
0x373: {  	_ =	swait.ge [sflag:s13], $0xA000  }
0x374: {  	[sflag:s13] =	ssyncset.done $0x0  }
0x375: {  	[sflag:s13] =	ssyncadd.s32 $0xFFFF6000  }
0x376: {  	_ =	swait.ge [sflag:s12], $0x280  }
0x377: {  	[sflag:s12] =	ssyncset.done $0x0  }
0x378: {  	[sflag:s12] =	ssyncadd.s32 $0xFFFFFD80  }
0x379: {  	[spmem:s2] =	stream.indirect.scatter.add.f32 [tilespmem:s8], [sflag:$0x5], $0x40, s9, s7, $0xb8;
	[tilespmem:$0x1EA00] =	vst v63  }
0x37a: {  	_ =	swait.ge [sflag:s5], $0xA000  }
0x37b: {  	[sflag:s5] =	ssyncset.done $0x0  }
0x37c: {  	s1 =	simm.s32 @p0 $0x1;
	[sflag:s5] =	ssyncadd.s32 $0xFFFF6000  }
0x37d: {  	_ =	swait.ge @p0 [sflag:s1], $0xA000  }
0x37e: {  	[sflag:s1] =	ssyncset.done @p0 $0x0  }
0x37f: {  	[sflag:s1] =	ssyncadd.s32 @p0 $0xFFFF6000;
	s1 =	simm.s32 @p0 $0x3  }
0x380: {  	_ =	swait.ge @p0 [sflag:s1], $0x280  }
0x381: {  	s3 =	simm.s32 @p0 $0x500;
	s7 =	simm.s32 @p0 $0xA00;
	[sflag:s1] =	ssyncset.done @p0 $0x0  }
0x382: {  	s8 =	sld [smem:$0x7FB];
	[sflag:s1] =	ssyncadd.s32 @p0 $0xFFFFFD80;
	s1 =	simm.s32 @p0 $0x280  }
0x383: {  	[spmem:s2] =	stream.indirect.scatter.add.f32 @p0 [tilespmem:s7], [sflag:$0x5], $0x40, s3, s1, $0xb8;
	[tilespmem:$0x1EA00] =	vst v63  }
0x384: {  	s1 =	simm.s32 @!p0 $0x0;
	s3 =	simm.s32 @!p0 $0x280;
	s7 =	simm.s32 @!p0 $0x5  }
0x385: {  	[tilespmem:s3], [sflag:$0x5] =	stream.linear.gather @!p0 [hbm4b:s8+s1], $0x280, $0x38;
	[tilespmem:$0x1EA00] =	vst v63  }
0x386: {  	_ =	swait.ge @!p0 [sflag:s7], $0x280  }
0x387: {  	[sflag:s7] =	ssyncset.done @!p0 $0x0  }
0x388: {  	s8 =	simm.s32 @!p0 $0xAA00;
	s9 =	sld [smem:$0x7FC];
	[sflag:s7] =	ssyncadd.s32 @!p0 $0xFFFFFD80  }
0x389: {  	[tilespmem:s8], [sflag:$0x2] =	stream.indirect.gather @!p0 [hbm4b:s4+s3], $0x40, s3, s3, $0xb8;
	[tilespmem:$0x1EA00] =	vst v63  }
0x38a: {  	s10 =	simm.s32 @!p0 $0x1;
	s4 =	simm.s32 @!p0 $0x780  }
0x38b: {  	[tilespmem:s4], [sflag:$0x4] =	stream.linear.gather @!p0 [hbm4b:s9+s1], $0x280, $0x38;
	[tilespmem:$0x1EA00] =	vst v63  }
0x38c: {  	_ =	swait.ge @!p0 [sflag:s10], $0xA000  }
0x38d: {  	[sflag:s10] =	ssyncset.done @!p0 $0x0  }
0x38e: {  	s1 =	simm.s32 @!p0 $0x3;
	[sflag:s10] =	ssyncadd.s32 @!p0 $0xFFFF6000  }
0x38f: {  	_ =	swait.ge @!p0 [sflag:s1], $0x280  }
0x390: {  	[sflag:s1] =	ssyncset.done @!p0 $0x0  }
0x391: {  	s9 =	simm.s32 @!p0 $0xA00;
	[sflag:s1] =	ssyncadd.s32 @!p0 $0xFFFFFD80;
	s1 =	simm.s32 @!p0 $0x500  }
0x392: {  	[spmem:s2] =	stream.indirect.scatter.add.f32 @!p0 [tilespmem:s9], [sflag:$0x5], $0x40, s1, s3, $0xb8;
	[tilespmem:$0x1EA00] =	vst v63  }
0x393: {  	_ =	swait.ge @!p0 [sflag:s7], $0xA000  }
0x394: {  	[sflag:s7] =	ssyncset.done @!p0 $0x0  }
0x395: {  	s1 =	simm.s32 @!p0 $0x2;
	[sflag:s7] =	ssyncadd.s32 @!p0 $0xFFFF6000  }
0x396: {  	_ =	swait.ge @!p0 [sflag:s1], $0xA000  }
0x397: {  	[sflag:s1] =	ssyncset.done @!p0 $0x0  }
0x398: {  	[sflag:s1] =	ssyncadd.s32 @!p0 $0xFFFF6000;
	s1 =	simm.s32 @!p0 $0x4  }
0x399: {  	_ =	swait.ge @!p0 [sflag:s1], $0x280  }
0x39a: {  	[sflag:s1] =	ssyncset.done @!p0 $0x0  }
0x39b: {  	[sflag:s1] =	ssyncadd.s32 @!p0 $0xFFFFFD80  }
0x39c: {  	[spmem:s2] =	stream.indirect.scatter.add.f32 @!p0 [tilespmem:s8], [sflag:$0x5], $0x40, s4, s3, $0xb8;
	[tilespmem:$0x1EA00] =	vst v63  }
0x39d: {  	_ =	swait.ge [sflag:s5], $0xA000  }
0x39e: {  	[sflag:s5] =	ssyncset.done $0x0  }
0x39f: {  	[sflag:s5] =	ssyncadd.s32 $0xFFFF6000  }
0x3a0: {  	[bflag:$0x0] =	sbarrier.arrive $0xFFFF  }
0x3a1: {  	s31 =	sld [smem:$0x7FD];
	_ =	sdelay $0x2  }
0x3a2: {  	[hbm:s31], [sflag:s6] =	dma.local [spmem:s0], $0x1400  }
0x3a3: {  	_ =	swait.ge [sflag:s5], $0x1400  }
0x3a4: {  	[sflag:s5] =	ssyncset.done $0x0  }
0x3a5: {  	[sflag:s5] =	ssyncadd.s32 $0xFFFFEC00  }
0x3a6: {  	_ =	sfence.sel $0x180000  }
0x3a7: {  	[bflag:$0x0] =	sbarrier.arrive $0xFFFF  }
0x3a8: {  	p0 =	sne.s32 s17, $0x0;
	_ =	strace $0x9000004A  }
0x3a9: {  	s0 =	sadd.s32 @!p0 $0x100000, s18;
	[bflag:$0x2] =	sbarrier.arrive $0xFFFF  }
0x3aa: {  	[sflag:s0] =	ssyncadd.tile.s32 @!p0 $0x1;
	_ =	shalt  }
.LBB2_2:
.Ltmp3:
0x3ab: {  	(pc) =	sbr.rel .LBB2_5-.Ltmp3, $2  }
0x3ac: {  	_ =	sdelay $0x2  }
0x3ad: {  	s17 =	stileid.u32;
	s18 =	rddreg [dreg:$0x2]  }
.Lfunc_end2:
_tile_overlayer_lowered:
.L_overlay_start_2:
0x3ae: {  	(tag) =	ssettag $0x2  }
0x3af: {  	s0 =	rddreg [dreg:$0x0];
	s2 =	stileid.u32  }
0x3b0: {  	s1 =	rddreg [dreg:$0x1];
	p0 =	sne.s32 s2, $0x0  }
0x3b1: {  	s3 =	rddreg [dreg:$0x2];
	[bflag:$0x3] =	sbarrier.arrive $0xFFFF;
	s2 =	simm.s32 @!p0 $0x1C05  }
0x3b2: {  	[timem:s3], [sflag:s2] =	dma.local @!p0 [hbm:s0], s1  }
0x3b3: {  	s0 =	simm.s32 @!p0 $0x5  }
0x3b4: {  	_ =	swait.ge @!p0 [sflag:s0], s1  }
0x3b5: {  	s1 =	ssub.s32 @!p0 $0x0, s1;
	[sflag:s0] =	ssyncset.done @!p0 $0x0  }
0x3b6: {  	[sflag:s0] =	ssyncadd.s32 @!p0 s1  }
0x3b7: {  	[bflag:$0x3] =	sbarrier.arrive $0xFFFF  }
0x3b8: {  	_ =	shalt  }

// kernel: kernel.14.cloned.1.call-start
scs
__scs_entry_jumppad:
0x0: {  	(pc) =	sbr.rel $0x88, $3  }
0x1: {  	(tag) =	ssettag $0x0;
	lr =	simm.s32 $0x1  }
0x2: {  	[smem:$0x3F9B] =	sst lr;
	_ =	strace $0xD0000000  }
0x3: {  	_ = 	snop  }
0x4: {  	_ = 	snop  }
0x5: {  	_ = 	snop  }
0x6: {  	_ = 	snop  }
0x7: {  	_ = 	snop  }
__scs_overlays_trampoline_lowered:
0x8: {  	[smem:$0x3FAA] =	sst s0  }
0x9: {  	[smem:$0x3FAB] =	sst s1  }
0xa: {  	[smem:$0x3FAC] =	sst s2  }
0xb: {  	[smem:$0x3FAD] =	sst s3  }
0xc: {  	[smem:$0x3FAE] =	sst s4  }
0xd: {  	[smem:$0x3FAF] =	sst s5  }
0xe: {  	[smem:$0x3FB0] =	sst s6  }
0xf: {  	[smem:$0x3FB1] =	sst s7  }
0x10: {  	[smem:$0x3FB2] =	sst s8  }
0x11: {  	[smem:$0x3FB3] =	sst s9;
	s0 =	simm.s32 @!p0 $0x0  }
0x12: {  	s1 =	sld [smem:$0x3F99];
	s0 =	simm.s32 @p0 $0x1  }
0x13: {  	[smem:$0x3FB4] =	sst s0;
	s0 =	simm.s32 @!p1 $0x0  }
0x14: {  	s2 =	sld [smem:$0x3F98];
	s0 =	simm.s32 @p1 $0x1  }
0x15: {  	[smem:$0x3FB5] =	sst s0;
	s0 =	simm.s32 @!p2 $0x0  }
0x16: {  	s3 =	sld [smem:$0x3FDB];
	s0 =	simm.s32 @p2 $0x1  }
0x17: {  	s4 =	simm.s32 $0x1BF5;
	[smem:$0x3FB7] =	sst s0  }
0x18: {  	s0 =	sld [smem:$0x3F9A];
	_ =	swait.ge [sflag:s4], $0x0  }
0x19: {  	s7 =	sld [smem:$0x3F9B]  }
0x1a: {  	s8 =	sadd.s32 $0xFFFFE003, lr  }
0x1b: {  	s9 =	sadd.s32 $0xFFFFFEF7, lr;
	s5 =	simm.s32 $0xFFFFFFFF;
	p2 =	slt.u32 s8, $0xFFFFF086  }
0x1c: {  	p1 =	slt.u32 s9, $0xF7A;
	s5 =	simm.s32 @!p2 $0x0  }
0x1d: {  	s5 =	simm.s32 @p1 $0x1;
	p0 =	seq.s32 s7, s2  }
0x1e: {  	s7 =	smul.u32 @!p0 $0xF7A, s2;
	p2 =	seq.s32 @!p0 s5, $0x0  }
0x1f: {  	s9 =	smul.u32 $0xF7A, s1;
	s8 =	simm.s32 @!p0 $0x1BF5;
	p2 =	por !p2, p0  }
0x20: {  	[sflag:s8] =	ssyncset.s32 @!p0 $0xFFFFF086;
	s6 =	sadd.s32 @!p0 s3, s7;
	s7 =	simm.s32 @!p0 $0x108  }
0x21: {  	s3 =	sadd.s32 s3, s9;
	s6 =	sadd.s32 @!p0 $0x88, s6;
	s7 =	simm.s32 @p2 $0x1082  }
0x22: {  	[simem:s7], [sflag:s8] =	dma.local @!p0 [hbm:s6], $0xF7A  }
0x23: {  	s9 =	sor.u32 $0xD0000000, s2;
	s6 =	simm.s32 $0x108;
	_ =	swait.ge @!p0 [sflag:s8], $0x0  }
0x24: {  	s3 =	sadd.s32 $0x88, s3;
	s6 =	simm.s32 @!p1 $0x1082;
	[sflag:s4] =	ssyncset.s32 $0xFFFFF086  }
0x25: {  	[simem:s6], [sflag:s4] =	dma.local [hbm:s3], $0xF7A  }
0x26: {  	[smem:$0x3F9B] =	sst s1;
	(tag) =	ssettag s2;
	_ =	strace s9  }
0x27: {  	s1 =	sld [smem:$0x3FAB]  }
0x28: {  	s2 =	sld [smem:$0x3FAC]  }
0x29: {  	s4 =	sld [smem:$0x3FAE]  }
0x2a: {  	p0 =	seq.s32 s5, $0x0;
	s5 =	sld [smem:$0x3FAF]  }
0x2b: {  	s6 =	sld [smem:$0x3FB0]  }
0x2c: {  	s7 =	sld [smem:$0x3FB1]  }
0x2d: {  	s3 =	simm.s32 $0x108;
	s8 =	sld [smem:$0x3FB2]  }
0x2e: {  	s3 =	simm.s32 @!p0 $0x1082;
	s9 =	sld [smem:$0x3FB3]  }
0x2f: {  	lr =	sadd.s32 s0, s3;
	s0 =	sld [smem:$0x3FAA]  }
0x30: {  	s3 =	sld [smem:$0x3FAD]  }
0x31: {  	[smem:$0x3FB6] =	sst s10  }
0x32: {  	s10 =	sld [smem:$0x3FB4];
	_ =	sdelay $0x3  }
0x33: {  	p0 =	seq.s32 s10, $0x1;
	s10 =	sld [smem:$0x3FB6];
	_ =	sdelay $0x3  }
0x34: {  	[smem:$0x3FB6] =	sst s10  }
0x35: {  	s10 =	sld [smem:$0x3FB5];
	_ =	sdelay $0x3  }
0x36: {  	p1 =	seq.s32 s10, $0x1;
	s10 =	sld [smem:$0x3FB6];
	_ =	sdelay $0x3  }
0x37: {  	[smem:$0x3FB6] =	sst s10  }
0x38: {  	s10 =	sld [smem:$0x3FB7]  }
0x39: {  	_ = 	snop;
	(pc) =	sbr.ind lr, $3  }
0x3a: {  	_ = 	snop  }
0x3b: {  	_ = 	snop  }
0x3c: {  	p2 =	seq.s32 s10, $0x1;
	s10 =	sld [smem:$0x3FB6]  }
0x3d: {  	_ =	shalt  }
0x3e: {  	_ =	shalt  }
0x3f: {  	_ =	shalt  }
0x40: {  	_ =	shalt  }
0x41: {  	_ =	shalt  }
0x42: {  	_ =	shalt  }
0x43: {  	_ =	shalt  }
0x44: {  	_ =	shalt  }
0x45: {  	_ =	shalt  }
0x46: {  	_ =	shalt  }
0x47: {  	_ =	shalt  }
0x48: {  	_ =	shalt  }
0x49: {  	_ =	shalt  }
0x4a: {  	_ =	shalt  }
0x4b: {  	_ =	shalt  }
0x4c: {  	_ =	shalt  }
0x4d: {  	_ =	shalt  }
0x4e: {  	_ =	shalt  }
0x4f: {  	_ =	shalt  }
0x50: {  	_ =	shalt  }
0x51: {  	_ =	shalt  }
0x52: {  	_ =	shalt  }
0x53: {  	_ =	shalt  }
0x54: {  	_ =	shalt  }
0x55: {  	_ =	shalt  }
0x56: {  	_ =	shalt  }
0x57: {  	_ =	shalt  }
0x58: {  	_ =	shalt  }
0x59: {  	_ =	shalt  }
0x5a: {  	_ =	shalt  }
0x5b: {  	_ =	shalt  }
0x5c: {  	_ =	shalt  }
0x5d: {  	_ =	shalt  }
0x5e: {  	_ =	shalt  }
0x5f: {  	_ =	shalt  }
0x60: {  	_ =	shalt  }
0x61: {  	_ =	shalt  }
0x62: {  	_ =	shalt  }
0x63: {  	_ =	shalt  }
0x64: {  	_ =	shalt  }
0x65: {  	_ =	shalt  }
0x66: {  	_ =	shalt  }
0x67: {  	_ =	shalt  }
0x68: {  	_ =	shalt  }
0x69: {  	_ =	shalt  }
0x6a: {  	_ =	shalt  }
0x6b: {  	_ =	shalt  }
0x6c: {  	_ =	shalt  }
0x6d: {  	_ =	shalt  }
0x6e: {  	_ =	shalt  }
0x6f: {  	_ =	shalt  }
0x70: {  	_ =	shalt  }
0x71: {  	_ =	shalt  }
0x72: {  	_ =	shalt  }
0x73: {  	_ =	shalt  }
0x74: {  	_ =	shalt  }
0x75: {  	_ =	shalt  }
0x76: {  	_ =	shalt  }
0x77: {  	_ =	shalt  }
0x78: {  	_ =	shalt  }
0x79: {  	_ =	shalt  }
0x7a: {  	_ =	shalt  }
0x7b: {  	_ =	shalt  }
0x7c: {  	_ =	shalt  }
0x7d: {  	_ =	shalt  }
0x7e: {  	_ =	shalt  }
0x7f: {  	_ =	shalt  }
0x80: {  	_ =	shalt  }
0x81: {  	_ =	shalt  }
0x82: {  	_ =	shalt  }
0x83: {  	_ =	shalt  }
0x84: {  	_ =	shalt  }
0x85: {  	_ =	shalt  }
0x86: {  	_ =	shalt  }
0x87: {  	_ =	shalt  }
.Lfunc_end0:
.L_simem_size_0:
called_computation.2_lowered:
.L_overlay_start_0:
0x88: {  	s2 =	sld [smem:$0x3FD9]  }
0x89: {  	s3 =	sld [smem:$0x3FFE];
	_ =	sdelay $0x1  }
0x8a: {  	s1 =	srdreg.scid  }
0x8b: {  	s0 =	sand.u32 $0x1, s1  }
0x8c: {  	s16 =	sshll.u32 s0, $0xA;
	s2 =	sadd.s32 s3, s2  }
0x8d: {  	s2 =	sadd.s32 s2, s16  }
0x8e: {  	[smem:$0x3FC2] =	sst s2  }
0x8f: {  	_ = 	snop  }
0x90: {  	(tm) =	ssettm $0x1  }
0x91: {  	s17 =	sld [smem:$0x3FFB];
	_ =	sdelay $0x3  }
0x92: {  	_ =	strace s17  }
0x93: {  	s2 =	sld [smem:$0x3FFC];
	_ =	sdelay $0x3  }
0x94: {  	_ =	strace s2  }
0x95: {  	s2 =	sld [smem:$0x3FFD];
	_ =	sdelay $0x3  }
0x96: {  	_ =	strace s2  }
0x97: {  	_ =	strace $0x8FFFFFFF  }
0x98: {  	s18 =	sld [smem:$0x3FDB];
	_ =	sdelay $0x1  }
0x99: {  	s19 =	simm.s32 $_scs_section_size  }
0x9a: {  	s4 =	simm.s32 $_size__tile_overlayer_lowered;
	s5 =	simm.s32 $_tile_overlayer_lowered  }
0x9b: {  	s22 =	simm.s32 $0x1BFF;
	s21 =	sshll.u32 s5, $0x1;
	s2 =	sadd.s32 s19, s18  }
0x9c: {  	s6 =	simm.s32 $0x0;
	s20 =	sshll.u32 s4, $0x1;
	s4 =	sadd.s32 s21, s2  }
0x9d: {  	[timem:s6], [sflag:s22] =	dma.local [hbm:s4], s20  }
0x9e: {  	_ =	swait.ge [sflag:s22], s20  }
0x9f: {  	s3 =	ssub.s32 $0x0, s20;
	[sflag:s22] =	ssyncset.done $0x0  }
0xa0: {  	[sflag:s22] =	ssyncadd.s32 s3;
	_ =	sdelay $0x1  }
0xa1: {  	s23 =	simm.s32 $0x1B8B  }
0xa2: {  	_ =	swait.ge [sflag:s23], $0x1  }
0xa3: {  	[sflag:s23] =	ssyncset.done $0x0  }
0xa4: {  	s25 =	simm.s32 $0x1B8E;
	s24 =	sld [smem:$0x3FFE];
	[sflag:s23] =	ssyncadd.s32 $0xFFFFFFFF  }
0xa5: {  	s26 =	simm.s32 $execute0_lowered;
	[smem:$0x3FD2] =	sst s25  }
0xa6: {  	s4 =	sshll.u32 s26, $0x1;
	_ =	strace $0x8000004C;
	[dreg:$0x1] =	wrdreg $0xFFFFFFFF  }
0xa7: {  	s28 =	simm.s32 $_size_execute0_lowered;
	s2 =	sadd.s32 s2, s4;
	[dreg:$0x0] =	wrdreg $0x0  }
0xa8: {  	s4 =	sshll.u32 s28, $0x1;
	[dreg:$0x2] =	wrdreg s2  }
0xa9: {  	[dreg:$0x3] =	wrdreg s4  }
0xaa: {  	[dreg:$0x4] =	wrdreg $0xC0  }
0xab: {  	_ =	task [dreg:s6], $0x5FFFF  }
0xac: {  	[dreg:$0x1] =	wrdreg $0xFFFFFFFF  }
0xad: {  	[dreg:$0x0] =	wrdreg $0x60  }
0xae: {  	[dreg:$0x2] =	wrdreg s24  }
0xaf: {  	[dreg:$0x3] =	wrdreg $0x9C400  }
0xb0: {  	[dreg:$0x4] =	wrdreg $0x9  }
0xb1: {  	_ =	task.clear_ibuf [dreg:s6], $0x5FFFF;
	_ =	strace $0x9000004C  }
0xb2: {  	s29 =	simm.s32 $0x9;
	_ =	strace $0x8000004E  }
0xb3: {  	_ =	swait.ge [sflag:s29], $0x1  }
0xb4: {  	[sflag:s29] =	ssyncadd.s32 $0xFFFFFFFF  }
0xb5: {  	_ =	strace $0x9000004E  }
0xb6: {  	_ =	sfence  }
0xb7: {  	s30 =	sld [smem:$0x0];
	_ =	sdelay $0x2  }
0xb8: {  	s31 =	sshll.u32 s1, $0xD;
	s1 =	sshrl.u32 s1, $0x2  }
0xb9: {  	s3 =	sand.u32 $0x4000, s31;
	s1 =	sadd.s32 s1, s30  }
0xba: {  	s0 =	sor.u32 s3, s0;
	s1 =	sshll.u32 s1, $0x11  }
0xbb: {  	s0 =	sor.u32 s1, s0  }
0xbc: {  	s0 =	sadd.s32 $0x8F2B, s0  }
0xbd: {  	[sflag:s0] =	ssyncadd.remote.s32 $0x1  }
0xbe: {  	_ =	sfence.sel $0xFFFF  }
0xbf: {  	[dreg:$0x0] =	wrdreg $0xFFFFFFFF;
	(pc) =	sbr.abs _section_cstart, $3  }
0xc0: {  	[dreg:$0x1] =	wrdreg $0xFFFFFFFF  }
0xc1: {  	_ =	task.clear_ibuf [dreg:s6], $0x2FFFF;
	_ =	strace $0x9FFFFFFF  }
0xc2: {  	(tm) =	ssettm $0x7FFFFFFF  }
0xc3: {  	_ =	shalt  }
tec
execute0_lowered:
.L_overlay_start_1:
0x0: {  	(tag) =	ssettag $0x1  }
0x1: {  	s29 =	rddreg [dreg:$0x0]  }
0x2: {  	s1 =	rddreg [dreg:$0x1];
	s3 =	simm.s32 $0x0;
	s0 =	srdreg.scid  }
0x3: {  	s2 =	stileid.u32;
	[smem:$0x7FF] =	sst s3;
	s4 =	sadd.s32 $0x17A00, s29  }
0x4: {  	s30 =	sand.u32 $0x1, s0;
	s31 =	smul.u32 $0x1400, s2;
	s0 =	sadd.s32 $0x15200, s29  }
0x5: {  	s5 =	sshll.u32 s2, $0x1;
	s24 =	sshll.u32 s2, $0x6;
	_ =	strace $0x8000004D  }
0x6: {  	p0 =	seq.s32 s30, $0x0;
	s10 =	sor.u32 s30, s5;
	s6 =	sor.u32 $0x1C05, s24  }
0x7: {  	s23 =	sshrl.u32 s31, $0x3;
	s0 =	smov.u32 @p0 s4;
	s7 =	sadd.s32 s31, s1  }
0x8: {  	s5 =	sadd.s32 s0, s23;
	s8 =	sshrl.u32 s7, $0x3;
	s7 =	simm.s32 $0x5  }
0x9: {  	[spmem:s8], [sflag:s6] =	dma.local [hbm:s5], $0x280  }
0xa: {  	s12 =	smul.u32 $0x4E2, s10;
	_ =	swait.ge [sflag:s7], $0x280  }
0xb: {  	s26 =	sadd.s32 $0xB400, s29;
	[sflag:s7] =	ssyncset.done $0x0  }
0xc: {  	s9 =	sadd.s32 s26, s12;
	[sflag:s7] =	ssyncadd.s32 $0xFFFFFD80  }
0xd: {  	[tilespmem:s3], [sflag:$0x5] =	stream.linear.gather [hbm4b:s9+s3], $0x7D0, $0x38;
	[tilespmem:$0xB040] =	vst v63  }
0xe: {  	s25 =	smul.u32 $0x2710, s10;
	_ =	swait.ge [sflag:s7], $0x7D0  }
0xf: {  	s11 =	simm.s32 $0x1F40;
	s28 =	sadd.s32 $0x1600, s29;
	[sflag:s7] =	ssyncset.done $0x0  }
0x10: {  	s10 =	simm.s32 $0x7D0;
	s0 =	sshrl.u32 s25, $0x3;
	[sflag:s7] =	ssyncadd.s32 $0xFFFFF830  }
0x11: {  	[tilespmem:s11], [sflag:$0x1] =	stream.indirect.gather [hbm4b:s4+s10], $0x8, s3, s10, $0xb8;
	[tilespmem:$0xB040] =	vst v63  }
0x12: {  	s13 =	simm.s32 $0xFA0;
	s12 =	sadd.s32 s28, s12;
	s16 =	sadd.s32 $0xFA, s0  }
0x13: {  	[tilespmem:s13], [sflag:$0x3] =	stream.linear.gather [hbm4b:s12+s3], $0x7D0, $0x38;
	[tilespmem:$0xB040] =	vst v63  }
0x14: {  	s14 =	sadd.s32 s26, s16;
	[bflag:$0x0] =	sbarrier.arrive $0xFFFF  }
0x15: {  	[tilespmem:s10], [sflag:$0x5] =	stream.linear.gather [hbm4b:s14+s3], $0x7D0, $0x38;
	[tilespmem:$0xB040] =	vst v63  }
0x16: {  	_ =	swait.ge [sflag:s7], $0x7D0  }
0x17: {  	[sflag:s7] =	ssyncset.done $0x0  }
0x18: {  	s15 =	simm.s32 $0x5DC0;
	[sflag:s7] =	ssyncadd.s32 $0xFFFFF830  }
0x19: {  	[tilespmem:s15], [sflag:$0x2] =	stream.indirect.gather [hbm4b:s4+s10], $0x8, s10, s10, $0xb8;
	[tilespmem:$0xB040] =	vst v63  }
0x1a: {  	s17 =	simm.s32 $0x1770;
	s18 =	simm.s32 $0x1;
	s16 =	sadd.s32 s28, s16  }
0x1b: {  	[tilespmem:s17], [sflag:$0x4] =	stream.linear.gather [hbm4b:s16+s3], $0x7D0, $0x38;
	[tilespmem:$0xB040] =	vst v63  }
0x1c: {  	_ =	swait.ge [sflag:s18], $0x3E80  }
0x1d: {  	[sflag:s18] =	ssyncset.done $0x0  }
0x1e: {  	s19 =	simm.s32 $0x3;
	[sflag:s18] =	ssyncadd.s32 $0xFFFFC180  }
0x1f: {  	_ =	swait.ge [sflag:s19], $0x7D0  }
0x20: {  	[sflag:s19] =	ssyncset.done $0x0  }
0x21: {  	[sflag:s19] =	ssyncadd.s32 $0xFFFFF830  }
0x22: {  	[spmem:s1] =	stream.indirect.scatter.add.f32 [tilespmem:s11], [sflag:$0x5], $0x8, s13, s10, $0xb8;
	[tilespmem:$0xB040] =	vst v63  }
0x23: {  	_ =	swait.ge [sflag:s7], $0x3E80  }
0x24: {  	s21 =	sadd.s32 $0x1F4, s0;
	[sflag:s7] =	ssyncset.done $0x0  }
0x25: {  	s20 =	sadd.s32 s26, s21;
	[sflag:s7] =	ssyncadd.s32 $0xFFFFC180  }
0x26: {  	[tilespmem:s3], [sflag:$0x5] =	stream.linear.gather [hbm4b:s20+s3], $0x7D0, $0x38;
	[tilespmem:$0xB040] =	vst v63  }
0x27: {  	_ =	swait.ge [sflag:s7], $0x7D0  }
0x28: {  	[sflag:s7] =	ssyncset.done $0x0  }
0x29: {  	[sflag:s7] =	ssyncadd.s32 $0xFFFFF830  }
0x2a: {  	[tilespmem:s11], [sflag:$0x1] =	stream.indirect.gather [hbm4b:s4+s10], $0x8, s3, s10, $0xb8;
	[tilespmem:$0xB040] =	vst v63  }
0x2b: {  	s22 =	simm.s32 $0x2;
	s21 =	sadd.s32 s28, s21  }
0x2c: {  	[tilespmem:s13], [sflag:$0x3] =	stream.linear.gather [hbm4b:s21+s3], $0x7D0, $0x38;
	[tilespmem:$0xB040] =	vst v63  }
0x2d: {  	_ =	swait.ge [sflag:s22], $0x3E80  }
0x2e: {  	[sflag:s22] =	ssyncset.done $0x0  }
0x2f: {  	s23 =	simm.s32 $0x4;
	[sflag:s22] =	ssyncadd.s32 $0xFFFFC180  }
0x30: {  	_ =	swait.ge [sflag:s23], $0x7D0  }
0x31: {  	[sflag:s23] =	ssyncset.done $0x0  }
0x32: {  	[sflag:s23] =	ssyncadd.s32 $0xFFFFF830  }
0x33: {  	[spmem:s1] =	stream.indirect.scatter.add.f32 [tilespmem:s15], [sflag:$0x5], $0x8, s17, s10, $0xb8;
	[tilespmem:$0xB040] =	vst v63  }
0x34: {  	_ =	swait.ge [sflag:s7], $0x3E80  }
0x35: {  	s25 =	sadd.s32 $0x2EE, s0;
	[sflag:s7] =	ssyncset.done $0x0  }
0x36: {  	s24 =	sadd.s32 s26, s25;
	[sflag:s7] =	ssyncadd.s32 $0xFFFFC180  }
0x37: {  	[tilespmem:s10], [sflag:$0x5] =	stream.linear.gather [hbm4b:s24+s3], $0x7D0, $0x38;
	[tilespmem:$0xB040] =	vst v63  }
0x38: {  	_ =	swait.ge [sflag:s7], $0x7D0  }
0x39: {  	[sflag:s7] =	ssyncset.done $0x0  }
0x3a: {  	[sflag:s7] =	ssyncadd.s32 $0xFFFFF830  }
0x3b: {  	[tilespmem:s15], [sflag:$0x2] =	stream.indirect.gather [hbm4b:s4+s10], $0x8, s10, s10, $0xb8;
	[tilespmem:$0xB040] =	vst v63  }
0x3c: {  	s25 =	sadd.s32 s28, s25  }
0x3d: {  	[tilespmem:s17], [sflag:$0x4] =	stream.linear.gather [hbm4b:s25+s3], $0x7D0, $0x38;
	[tilespmem:$0xB040] =	vst v63  }
0x3e: {  	_ =	swait.ge [sflag:s18], $0x3E80  }
0x3f: {  	[sflag:s18] =	ssyncset.done $0x0  }
0x40: {  	[sflag:s18] =	ssyncadd.s32 $0xFFFFC180  }
0x41: {  	_ =	swait.ge [sflag:s19], $0x7D0  }
0x42: {  	[sflag:s19] =	ssyncset.done $0x0  }
0x43: {  	[sflag:s19] =	ssyncadd.s32 $0xFFFFF830  }
0x44: {  	[spmem:s1] =	stream.indirect.scatter.add.f32 [tilespmem:s11], [sflag:$0x5], $0x8, s13, s10, $0xb8;
	[tilespmem:$0xB040] =	vst v63  }
0x45: {  	_ =	swait.ge [sflag:s7], $0x3E80  }
0x46: {  	s0 =	sadd.s32 $0x3E8, s0;
	[sflag:s7] =	ssyncset.done $0x0  }
0x47: {  	s26 =	sadd.s32 s26, s0;
	[sflag:s7] =	ssyncadd.s32 $0xFFFFC180  }
0x48: {  	[tilespmem:s3], [sflag:$0x5] =	stream.linear.gather [hbm4b:s26+s3], $0x7D0, $0x38;
	[tilespmem:$0xB040] =	vst v63  }
0x49: {  	_ =	swait.ge [sflag:s7], $0x7D0  }
0x4a: {  	[sflag:s7] =	ssyncset.done $0x0  }
0x4b: {  	[sflag:s7] =	ssyncadd.s32 $0xFFFFF830  }
0x4c: {  	[tilespmem:s11], [sflag:$0x1] =	stream.indirect.gather [hbm4b:s4+s10], $0x8, s3, s10, $0xb8;
	[tilespmem:$0xB040] =	vst v63  }
0x4d: {  	s28 =	sadd.s32 s28, s0  }
0x4e: {  	[tilespmem:s13], [sflag:$0x3] =	stream.linear.gather [hbm4b:s28+s3], $0x7D0, $0x38;
	[tilespmem:$0xB040] =	vst v63  }
0x4f: {  	_ =	swait.ge [sflag:s22], $0x3E80  }
0x50: {  	[sflag:s22] =	ssyncset.done $0x0  }
0x51: {  	[sflag:s22] =	ssyncadd.s32 $0xFFFFC180  }
0x52: {  	_ =	swait.ge [sflag:s23], $0x7D0  }
0x53: {  	[sflag:s23] =	ssyncset.done $0x0  }
0x54: {  	[sflag:s23] =	ssyncadd.s32 $0xFFFFF830  }
0x55: {  	[spmem:s1] =	stream.indirect.scatter.add.f32 [tilespmem:s15], [sflag:$0x5], $0x8, s17, s10, $0xb8;
	[tilespmem:$0xB040] =	vst v63  }
0x56: {  	_ =	swait.ge [sflag:s7], $0x3E80  }
0x57: {  	[sflag:s7] =	ssyncset.done $0x0  }
0x58: {  	[sflag:s7] =	ssyncadd.s32 $0xFFFFC180  }
0x59: {  	_ =	swait.ge [sflag:s18], $0x3E80  }
0x5a: {  	[sflag:s18] =	ssyncset.done $0x0  }
0x5b: {  	s0 =	smul.u32 $0x14000, s30;
	[sflag:s18] =	ssyncadd.s32 $0xFFFFC180  }
0x5c: {  	s30 =	ssub.s32 $0x2, s30;
	_ =	swait.ge [sflag:s19], $0x7D0  }
0x5d: {  	s0 =	sadd.s32 s31, s0;
	s31 =	sshrl.u32 s30, $0x1;
	[sflag:s19] =	ssyncset.done $0x0  }
0x5e: {  	s30 =	ssub.s32 s30, s31;
	[sflag:s19] =	ssyncadd.s32 $0xFFFFF830  }
0x5f: {  	[spmem:s1] =	stream.indirect.scatter.add.f32 [tilespmem:s11], [sflag:$0x5], $0x8, s13, s10, $0xb8;
	[tilespmem:$0xB040] =	vst v63  }
0x60: {  	s31 =	smax.u32 s30, $0x1;
	_ =	swait.ge [sflag:s7], $0x3E80  }
0x61: {  	s0 =	sshrl.u32 s0, $0x3;
	p0 =	sne.s32 s31, $0x1;
	[sflag:s7] =	ssyncset.done $0x0  }
.Ltmp0:
0x62: {  	s0 =	sadd.s32 s0, s29;
	[sflag:s7] =	ssyncadd.s32 $0xFFFFC180;
	(pc) =	sbr.rel @!p0 .LBB2_2-.Ltmp0, $4  }
0x63: {  	s29 =	sadd.s32 $0x1A200, s0;
	[bflag:$0x0] =	sbarrier.arrive $0xFFFF  }
0x64: {  	[hbm:s29], [sflag:s6] =	dma.local [spmem:s8], $0x280  }
0x65: {  	_ =	swait.ge [sflag:s7], $0x280  }
0x66: {  	s30 =	sadd.s32 $0xFFFFFFFF, s31;
	[sflag:s7] =	ssyncset.done $0x0  }
.LBB2_1:
0x67: {  	p0 =	sne.s32 s30, $0x1;
	s30 =	sadd.s32 $0xFFFFFFFF, s30;
	[sflag:s7] =	ssyncadd.s32 $0xFFFFFD80  }
0x68: {  	[spmem:s8], [sflag:s6] =	dma.local [hbm:s5], $0x280  }
0x69: {  	_ =	swait.ge [sflag:s7], $0x280  }
0x6a: {  	[sflag:s7] =	ssyncset.done $0x0  }
0x6b: {  	[sflag:s7] =	ssyncadd.s32 $0xFFFFFD80  }
0x6c: {  	[tilespmem:s3], [sflag:$0x5] =	stream.linear.gather [hbm4b:s9+s3], $0x7D0, $0x38;
	[tilespmem:$0xB040] =	vst v63  }
0x6d: {  	_ =	swait.ge [sflag:s7], $0x7D0  }
0x6e: {  	[sflag:s7] =	ssyncset.done $0x0  }
0x6f: {  	[sflag:s7] =	ssyncadd.s32 $0xFFFFF830  }
0x70: {  	[tilespmem:s11], [sflag:$0x1] =	stream.indirect.gather [hbm4b:s4+s10], $0x8, s3, s10, $0xb8;
	[tilespmem:$0xB040] =	vst v63  }
0x71: {  	_ = 	snop  }
0x72: {  	[tilespmem:s13], [sflag:$0x3] =	stream.linear.gather [hbm4b:s12+s3], $0x7D0, $0x38;
	[tilespmem:$0xB040] =	vst v63  }
0x73: {  	[bflag:$0x0] =	sbarrier.arrive $0xFFFF  }
0x74: {  	[tilespmem:s10], [sflag:$0x5] =	stream.linear.gather [hbm4b:s14+s3], $0x7D0, $0x38;
	[tilespmem:$0xB040] =	vst v63  }
0x75: {  	_ =	swait.ge [sflag:s7], $0x7D0  }
0x76: {  	[sflag:s7] =	ssyncset.done $0x0  }
0x77: {  	[sflag:s7] =	ssyncadd.s32 $0xFFFFF830  }
0x78: {  	[tilespmem:s15], [sflag:$0x2] =	stream.indirect.gather [hbm4b:s4+s10], $0x8, s10, s10, $0xb8;
	[tilespmem:$0xB040] =	vst v63  }
0x79: {  	_ = 	snop  }
0x7a: {  	[tilespmem:s17], [sflag:$0x4] =	stream.linear.gather [hbm4b:s16+s3], $0x7D0, $0x38;
	[tilespmem:$0xB040] =	vst v63  }
0x7b: {  	_ =	swait.ge [sflag:s18], $0x3E80  }
0x7c: {  	[sflag:s18] =	ssyncset.done $0x0  }
0x7d: {  	[sflag:s18] =	ssyncadd.s32 $0xFFFFC180  }
0x7e: {  	_ =	swait.ge [sflag:s19], $0x7D0  }
0x7f: {  	[sflag:s19] =	ssyncset.done $0x0  }
0x80: {  	[sflag:s19] =	ssyncadd.s32 $0xFFFFF830  }
0x81: {  	[spmem:s1] =	stream.indirect.scatter.add.f32 [tilespmem:s11], [sflag:$0x5], $0x8, s13, s10, $0xb8;
	[tilespmem:$0xB040] =	vst v63  }
0x82: {  	_ =	swait.ge [sflag:s7], $0x3E80  }
0x83: {  	[sflag:s7] =	ssyncset.done $0x0  }
0x84: {  	[sflag:s7] =	ssyncadd.s32 $0xFFFFC180  }
0x85: {  	[tilespmem:s3], [sflag:$0x5] =	stream.linear.gather [hbm4b:s20+s3], $0x7D0, $0x38;
	[tilespmem:$0xB040] =	vst v63  }
0x86: {  	_ =	swait.ge [sflag:s7], $0x7D0  }
0x87: {  	[sflag:s7] =	ssyncset.done $0x0  }
0x88: {  	[sflag:s7] =	ssyncadd.s32 $0xFFFFF830  }
0x89: {  	[tilespmem:s11], [sflag:$0x1] =	stream.indirect.gather [hbm4b:s4+s10], $0x8, s3, s10, $0xb8;
	[tilespmem:$0xB040] =	vst v63  }
0x8a: {  	_ = 	snop  }
0x8b: {  	[tilespmem:s13], [sflag:$0x3] =	stream.linear.gather [hbm4b:s21+s3], $0x7D0, $0x38;
	[tilespmem:$0xB040] =	vst v63  }
0x8c: {  	_ =	swait.ge [sflag:s22], $0x3E80  }
0x8d: {  	[sflag:s22] =	ssyncset.done $0x0  }
0x8e: {  	[sflag:s22] =	ssyncadd.s32 $0xFFFFC180  }
0x8f: {  	_ =	swait.ge [sflag:s23], $0x7D0  }
0x90: {  	[sflag:s23] =	ssyncset.done $0x0  }
0x91: {  	[sflag:s23] =	ssyncadd.s32 $0xFFFFF830  }
0x92: {  	[spmem:s1] =	stream.indirect.scatter.add.f32 [tilespmem:s15], [sflag:$0x5], $0x8, s17, s10, $0xb8;
	[tilespmem:$0xB040] =	vst v63  }
0x93: {  	_ =	swait.ge [sflag:s7], $0x3E80  }
0x94: {  	[sflag:s7] =	ssyncset.done $0x0  }
0x95: {  	[sflag:s7] =	ssyncadd.s32 $0xFFFFC180  }
0x96: {  	[tilespmem:s10], [sflag:$0x5] =	stream.linear.gather [hbm4b:s24+s3], $0x7D0, $0x38;
	[tilespmem:$0xB040] =	vst v63  }
0x97: {  	_ =	swait.ge [sflag:s7], $0x7D0  }
0x98: {  	[sflag:s7] =	ssyncset.done $0x0  }
0x99: {  	[sflag:s7] =	ssyncadd.s32 $0xFFFFF830  }
0x9a: {  	[tilespmem:s15], [sflag:$0x2] =	stream.indirect.gather [hbm4b:s4+s10], $0x8, s10, s10, $0xb8;
	[tilespmem:$0xB040] =	vst v63  }
0x9b: {  	_ = 	snop  }
0x9c: {  	[tilespmem:s17], [sflag:$0x4] =	stream.linear.gather [hbm4b:s25+s3], $0x7D0, $0x38;
	[tilespmem:$0xB040] =	vst v63  }
0x9d: {  	_ =	swait.ge [sflag:s18], $0x3E80  }
0x9e: {  	[sflag:s18] =	ssyncset.done $0x0  }
0x9f: {  	[sflag:s18] =	ssyncadd.s32 $0xFFFFC180  }
0xa0: {  	_ =	swait.ge [sflag:s19], $0x7D0  }
0xa1: {  	[sflag:s19] =	ssyncset.done $0x0  }
0xa2: {  	[sflag:s19] =	ssyncadd.s32 $0xFFFFF830  }
0xa3: {  	[spmem:s1] =	stream.indirect.scatter.add.f32 [tilespmem:s11], [sflag:$0x5], $0x8, s13, s10, $0xb8;
	[tilespmem:$0xB040] =	vst v63  }
0xa4: {  	_ =	swait.ge [sflag:s7], $0x3E80  }
0xa5: {  	[sflag:s7] =	ssyncset.done $0x0  }
0xa6: {  	[sflag:s7] =	ssyncadd.s32 $0xFFFFC180  }
0xa7: {  	[tilespmem:s3], [sflag:$0x5] =	stream.linear.gather [hbm4b:s26+s3], $0x7D0, $0x38;
	[tilespmem:$0xB040] =	vst v63  }
0xa8: {  	_ =	swait.ge [sflag:s7], $0x7D0  }
0xa9: {  	[sflag:s7] =	ssyncset.done $0x0  }
0xaa: {  	[sflag:s7] =	ssyncadd.s32 $0xFFFFF830  }
0xab: {  	[tilespmem:s11], [sflag:$0x1] =	stream.indirect.gather [hbm4b:s4+s10], $0x8, s3, s10, $0xb8;
	[tilespmem:$0xB040] =	vst v63  }
0xac: {  	_ = 	snop  }
0xad: {  	[tilespmem:s13], [sflag:$0x3] =	stream.linear.gather [hbm4b:s28+s3], $0x7D0, $0x38;
	[tilespmem:$0xB040] =	vst v63  }
0xae: {  	_ =	swait.ge [sflag:s22], $0x3E80  }
0xaf: {  	[sflag:s22] =	ssyncset.done $0x0  }
0xb0: {  	[sflag:s22] =	ssyncadd.s32 $0xFFFFC180  }
0xb1: {  	_ =	swait.ge [sflag:s23], $0x7D0  }
0xb2: {  	[sflag:s23] =	ssyncset.done $0x0  }
0xb3: {  	[sflag:s23] =	ssyncadd.s32 $0xFFFFF830  }
0xb4: {  	[spmem:s1] =	stream.indirect.scatter.add.f32 [tilespmem:s15], [sflag:$0x5], $0x8, s17, s10, $0xb8;
	[tilespmem:$0xB040] =	vst v63  }
0xb5: {  	_ =	swait.ge [sflag:s7], $0x3E80  }
0xb6: {  	[sflag:s7] =	ssyncset.done $0x0  }
0xb7: {  	[sflag:s7] =	ssyncadd.s32 $0xFFFFC180  }
0xb8: {  	_ =	swait.ge [sflag:s18], $0x3E80  }
0xb9: {  	[sflag:s18] =	ssyncset.done $0x0  }
0xba: {  	[sflag:s18] =	ssyncadd.s32 $0xFFFFC180  }
0xbb: {  	_ =	swait.ge [sflag:s19], $0x7D0  }
0xbc: {  	[sflag:s19] =	ssyncset.done $0x0  }
0xbd: {  	[sflag:s19] =	ssyncadd.s32 $0xFFFFF830  }
0xbe: {  	[spmem:s1] =	stream.indirect.scatter.add.f32 [tilespmem:s11], [sflag:$0x5], $0x8, s13, s10, $0xb8;
	[tilespmem:$0xB040] =	vst v63  }
0xbf: {  	_ =	swait.ge [sflag:s7], $0x3E80  }
0xc0: {  	[sflag:s7] =	ssyncset.done $0x0  }
.Ltmp1:
0xc1: {  	[sflag:s7] =	ssyncadd.s32 $0xFFFFC180;
	(pc) =	sbr.rel @p0 .LBB2_1-.Ltmp1, $4  }
0xc2: {  	[bflag:$0x0] =	sbarrier.arrive $0xFFFF  }
0xc3: {  	[hbm:s29], [sflag:s6] =	dma.local [spmem:s8], $0x280  }
0xc4: {  	_ =	swait.ge [sflag:s7], $0x280  }
0xc5: {  	[sflag:s7] =	ssyncset.done $0x0  }
.LBB2_2:
0xc6: {  	[sflag:s7] =	ssyncadd.s32 $0xFFFFFD80  }
0xc7: {  	_ =	sfence.sel $0x180000  }
0xc8: {  	[bflag:$0x0] =	sbarrier.arrive $0xFFFF  }
0xc9: {  	_ =	strace $0x9000004D  }
0xca: {  	[bflag:$0x2] =	sbarrier.arrive $0xFFFF  }
0xcb: {  	p0 =	sne.s32 s2, $0x0;
	s0 =	rddreg [dreg:$0x2]  }
0xcc: {  	s0 =	sadd.s32 @!p0 $0x100000, s0  }
0xcd: {  	[sflag:s0] =	ssyncadd.tile.s32 @!p0 $0x1;
	_ =	shalt  }
.Lfunc_end2:
_tile_overlayer_lowered:
.L_overlay_start_2:
0xce: {  	(tag) =	ssettag $0x2  }
0xcf: {  	s0 =	rddreg [dreg:$0x0];
	s2 =	stileid.u32  }
0xd0: {  	s1 =	rddreg [dreg:$0x1];
	p0 =	sne.s32 s2, $0x0  }
0xd1: {  	s3 =	rddreg [dreg:$0x2];
	[bflag:$0x3] =	sbarrier.arrive $0xFFFF;
	s2 =	simm.s32 @!p0 $0x1C05  }
0xd2: {  	[timem:s3], [sflag:s2] =	dma.local @!p0 [hbm:s0], s1  }
0xd3: {  	s0 =	simm.s32 @!p0 $0x5  }
0xd4: {  	_ =	swait.ge @!p0 [sflag:s0], s1  }
0xd5: {  	s1 =	ssub.s32 @!p0 $0x0, s1;
	[sflag:s0] =	ssyncset.done @!p0 $0x0  }
0xd6: {  	[sflag:s0] =	ssyncadd.s32 @!p0 s1  }
0xd7: {  	[bflag:$0x3] =	sbarrier.arrive $0xFFFF  }
0xd8: {  	_ =	shalt  }

// kernel: kernel.8.cloned.1.call-start
scs
__scs_entry_jumppad:
0x0: {  	(pc) =	sbr.rel $0x88, $3  }
0x1: {  	(tag) =	ssettag $0x0;
	lr =	simm.s32 $0x1  }
0x2: {  	[smem:$0x3F9B] =	sst lr;
	_ =	strace $0xD0000000  }
0x3: {  	_ = 	snop  }
0x4: {  	_ = 	snop  }
0x5: {  	_ = 	snop  }
0x6: {  	_ = 	snop  }
0x7: {  	_ = 	snop  }
__scs_overlays_trampoline_lowered:
0x8: {  	[smem:$0x3FAA] =	sst s0  }
0x9: {  	[smem:$0x3FAB] =	sst s1  }
0xa: {  	[smem:$0x3FAC] =	sst s2  }
0xb: {  	[smem:$0x3FAD] =	sst s3  }
0xc: {  	[smem:$0x3FAE] =	sst s4  }
0xd: {  	[smem:$0x3FAF] =	sst s5  }
0xe: {  	[smem:$0x3FB0] =	sst s6  }
0xf: {  	[smem:$0x3FB1] =	sst s7  }
0x10: {  	[smem:$0x3FB2] =	sst s8  }
0x11: {  	[smem:$0x3FB3] =	sst s9;
	s0 =	simm.s32 @!p0 $0x0  }
0x12: {  	s1 =	sld [smem:$0x3F99];
	s0 =	simm.s32 @p0 $0x1  }
0x13: {  	[smem:$0x3FB4] =	sst s0;
	s0 =	simm.s32 @!p1 $0x0  }
0x14: {  	s2 =	sld [smem:$0x3F98];
	s0 =	simm.s32 @p1 $0x1  }
0x15: {  	[smem:$0x3FB5] =	sst s0;
	s0 =	simm.s32 @!p2 $0x0  }
0x16: {  	s3 =	sld [smem:$0x3FDB];
	s0 =	simm.s32 @p2 $0x1  }
0x17: {  	s4 =	simm.s32 $0x1BF5;
	[smem:$0x3FB7] =	sst s0  }
0x18: {  	s0 =	sld [smem:$0x3F9A];
	_ =	swait.ge [sflag:s4], $0x0  }
0x19: {  	s7 =	sld [smem:$0x3F9B]  }
0x1a: {  	s8 =	sadd.s32 $0xFFFFE003, lr  }
0x1b: {  	s9 =	sadd.s32 $0xFFFFFEF7, lr;
	s5 =	simm.s32 $0xFFFFFFFF;
	p2 =	slt.u32 s8, $0xFFFFF086  }
0x1c: {  	p1 =	slt.u32 s9, $0xF7A;
	s5 =	simm.s32 @!p2 $0x0  }
0x1d: {  	s5 =	simm.s32 @p1 $0x1;
	p0 =	seq.s32 s7, s2  }
0x1e: {  	s7 =	smul.u32 @!p0 $0xF7A, s2;
	p2 =	seq.s32 @!p0 s5, $0x0  }
0x1f: {  	s9 =	smul.u32 $0xF7A, s1;
	s8 =	simm.s32 @!p0 $0x1BF5;
	p2 =	por !p2, p0  }
0x20: {  	[sflag:s8] =	ssyncset.s32 @!p0 $0xFFFFF086;
	s6 =	sadd.s32 @!p0 s3, s7;
	s7 =	simm.s32 @!p0 $0x108  }
0x21: {  	s3 =	sadd.s32 s3, s9;
	s6 =	sadd.s32 @!p0 $0x88, s6;
	s7 =	simm.s32 @p2 $0x1082  }
0x22: {  	[simem:s7], [sflag:s8] =	dma.local @!p0 [hbm:s6], $0xF7A  }
0x23: {  	s9 =	sor.u32 $0xD0000000, s2;
	s6 =	simm.s32 $0x108;
	_ =	swait.ge @!p0 [sflag:s8], $0x0  }
0x24: {  	s3 =	sadd.s32 $0x88, s3;
	s6 =	simm.s32 @!p1 $0x1082;
	[sflag:s4] =	ssyncset.s32 $0xFFFFF086  }
0x25: {  	[simem:s6], [sflag:s4] =	dma.local [hbm:s3], $0xF7A  }
0x26: {  	[smem:$0x3F9B] =	sst s1;
	(tag) =	ssettag s2;
	_ =	strace s9  }
0x27: {  	s1 =	sld [smem:$0x3FAB]  }
0x28: {  	s2 =	sld [smem:$0x3FAC]  }
0x29: {  	s4 =	sld [smem:$0x3FAE]  }
0x2a: {  	p0 =	seq.s32 s5, $0x0;
	s5 =	sld [smem:$0x3FAF]  }
0x2b: {  	s6 =	sld [smem:$0x3FB0]  }
0x2c: {  	s7 =	sld [smem:$0x3FB1]  }
0x2d: {  	s3 =	simm.s32 $0x108;
	s8 =	sld [smem:$0x3FB2]  }
0x2e: {  	s3 =	simm.s32 @!p0 $0x1082;
	s9 =	sld [smem:$0x3FB3]  }
0x2f: {  	lr =	sadd.s32 s0, s3;
	s0 =	sld [smem:$0x3FAA]  }
0x30: {  	s3 =	sld [smem:$0x3FAD]  }
0x31: {  	[smem:$0x3FB6] =	sst s10  }
0x32: {  	s10 =	sld [smem:$0x3FB4];
	_ =	sdelay $0x3  }
0x33: {  	p0 =	seq.s32 s10, $0x1;
	s10 =	sld [smem:$0x3FB6];
	_ =	sdelay $0x3  }
0x34: {  	[smem:$0x3FB6] =	sst s10  }
0x35: {  	s10 =	sld [smem:$0x3FB5];
	_ =	sdelay $0x3  }
0x36: {  	p1 =	seq.s32 s10, $0x1;
	s10 =	sld [smem:$0x3FB6];
	_ =	sdelay $0x3  }
0x37: {  	[smem:$0x3FB6] =	sst s10  }
0x38: {  	s10 =	sld [smem:$0x3FB7]  }
0x39: {  	_ = 	snop;
	(pc) =	sbr.ind lr, $3  }
0x3a: {  	_ = 	snop  }
0x3b: {  	_ = 	snop  }
0x3c: {  	p2 =	seq.s32 s10, $0x1;
	s10 =	sld [smem:$0x3FB6]  }
0x3d: {  	_ =	shalt  }
0x3e: {  	_ =	shalt  }
0x3f: {  	_ =	shalt  }
0x40: {  	_ =	shalt  }
0x41: {  	_ =	shalt  }
0x42: {  	_ =	shalt  }
0x43: {  	_ =	shalt  }
0x44: {  	_ =	shalt  }
0x45: {  	_ =	shalt  }
0x46: {  	_ =	shalt  }
0x47: {  	_ =	shalt  }
0x48: {  	_ =	shalt  }
0x49: {  	_ =	shalt  }
0x4a: {  	_ =	shalt  }
0x4b: {  	_ =	shalt  }
0x4c: {  	_ =	shalt  }
0x4d: {  	_ =	shalt  }
0x4e: {  	_ =	shalt  }
0x4f: {  	_ =	shalt  }
0x50: {  	_ =	shalt  }
0x51: {  	_ =	shalt  }
0x52: {  	_ =	shalt  }
0x53: {  	_ =	shalt  }
0x54: {  	_ =	shalt  }
0x55: {  	_ =	shalt  }
0x56: {  	_ =	shalt  }
0x57: {  	_ =	shalt  }
0x58: {  	_ =	shalt  }
0x59: {  	_ =	shalt  }
0x5a: {  	_ =	shalt  }
0x5b: {  	_ =	shalt  }
0x5c: {  	_ =	shalt  }
0x5d: {  	_ =	shalt  }
0x5e: {  	_ =	shalt  }
0x5f: {  	_ =	shalt  }
0x60: {  	_ =	shalt  }
0x61: {  	_ =	shalt  }
0x62: {  	_ =	shalt  }
0x63: {  	_ =	shalt  }
0x64: {  	_ =	shalt  }
0x65: {  	_ =	shalt  }
0x66: {  	_ =	shalt  }
0x67: {  	_ =	shalt  }
0x68: {  	_ =	shalt  }
0x69: {  	_ =	shalt  }
0x6a: {  	_ =	shalt  }
0x6b: {  	_ =	shalt  }
0x6c: {  	_ =	shalt  }
0x6d: {  	_ =	shalt  }
0x6e: {  	_ =	shalt  }
0x6f: {  	_ =	shalt  }
0x70: {  	_ =	shalt  }
0x71: {  	_ =	shalt  }
0x72: {  	_ =	shalt  }
0x73: {  	_ =	shalt  }
0x74: {  	_ =	shalt  }
0x75: {  	_ =	shalt  }
0x76: {  	_ =	shalt  }
0x77: {  	_ =	shalt  }
0x78: {  	_ =	shalt  }
0x79: {  	_ =	shalt  }
0x7a: {  	_ =	shalt  }
0x7b: {  	_ =	shalt  }
0x7c: {  	_ =	shalt  }
0x7d: {  	_ =	shalt  }
0x7e: {  	_ =	shalt  }
0x7f: {  	_ =	shalt  }
0x80: {  	_ =	shalt  }
0x81: {  	_ =	shalt  }
0x82: {  	_ =	shalt  }
0x83: {  	_ =	shalt  }
0x84: {  	_ =	shalt  }
0x85: {  	_ =	shalt  }
0x86: {  	_ =	shalt  }
0x87: {  	_ =	shalt  }
.Lfunc_end0:
.L_simem_size_0:
called_computation_lowered:
.L_overlay_start_0:
0x88: {  	s2 =	sld [smem:$0x3FD9]  }
0x89: {  	s3 =	sld [smem:$0x3FFE];
	_ =	sdelay $0x1  }
0x8a: {  	s1 =	srdreg.scid  }
0x8b: {  	s0 =	sand.u32 $0x1, s1  }
0x8c: {  	s17 =	sshll.u32 s0, $0xA;
	s2 =	sadd.s32 s3, s2  }
0x8d: {  	s2 =	sadd.s32 s2, s17  }
0x8e: {  	[smem:$0x3FC2] =	sst s2  }
0x8f: {  	_ = 	snop  }
0x90: {  	s2 =	sld [smem:$0x3FD0];
	(tm) =	ssettm $0x1  }
0x91: {  	s18 =	sld [smem:$0x3FFB];
	_ =	sdelay $0x3  }
0x92: {  	_ =	strace s18  }
0x93: {  	s3 =	sld [smem:$0x3FFC];
	_ =	sdelay $0x3  }
0x94: {  	_ =	strace s3  }
0x95: {  	s3 =	sld [smem:$0x3FFD];
	_ =	sdelay $0x3  }
0x96: {  	_ =	strace s3  }
0x97: {  	_ =	strace $0x8FFFFFFF  }
0x98: {  	s19 =	sld [smem:$0x3FDB];
	_ =	sdelay $0x1  }
0x99: {  	s4 =	simm.s32 $_scs_section_size  }
0x9a: {  	s5 =	simm.s32 $_size__tile_overlayer_lowered;
	s6 =	simm.s32 $_tile_overlayer_lowered  }
0x9b: {  	s22 =	simm.s32 $0x1BFF;
	s21 =	sshll.u32 s6, $0x1;
	s3 =	sadd.s32 s4, s19  }
0x9c: {  	s7 =	simm.s32 $0x0;
	s20 =	sshll.u32 s5, $0x1;
	s5 =	sadd.s32 s21, s3  }
0x9d: {  	[timem:s7], [sflag:s22] =	dma.local [hbm:s5], s20  }
0x9e: {  	_ =	swait.ge [sflag:s22], s20  }
0x9f: {  	s4 =	ssub.s32 $0x0, s20;
	[sflag:s22] =	ssyncset.done $0x0  }
0xa0: {  	[sflag:s22] =	ssyncadd.s32 s4;
	_ =	sdelay $0x1  }
0xa1: {  	s23 =	simm.s32 $0x1B8B  }
0xa2: {  	_ =	swait.ge [sflag:s23], $0x1  }
0xa3: {  	[sflag:s23] =	ssyncset.done $0x0  }
0xa4: {  	s25 =	simm.s32 $0x1B8E;
	s24 =	sld [smem:$0x3FFE];
	[sflag:s23] =	ssyncadd.s32 $0xFFFFFFFF  }
0xa5: {  	s26 =	simm.s32 $execute0_lowered;
	[smem:$0x3FD2] =	sst s25  }
0xa6: {  	s5 =	sshll.u32 s26, $0x1;
	_ =	strace $0x80000046;
	[dreg:$0x1] =	wrdreg $0xFFFFFFFF  }
0xa7: {  	s28 =	simm.s32 $_size_execute0_lowered;
	s3 =	sadd.s32 s3, s5;
	[dreg:$0x0] =	wrdreg $0x0  }
0xa8: {  	s5 =	sshll.u32 s28, $0x1;
	[dreg:$0x2] =	wrdreg s3  }
0xa9: {  	[dreg:$0x3] =	wrdreg s5  }
0xaa: {  	[dreg:$0x4] =	wrdreg $0xC0  }
0xab: {  	_ =	task [dreg:s7], $0x5FFFF  }
0xac: {  	[dreg:$0x1] =	wrdreg $0xFFFFFFFF  }
0xad: {  	[dreg:$0x0] =	wrdreg $0x60  }
0xae: {  	[dreg:$0x2] =	wrdreg s24  }
0xaf: {  	[dreg:$0x3] =	wrdreg s2  }
0xb0: {  	[dreg:$0x4] =	wrdreg $0x4E200  }
0xb1: {  	[dreg:$0x5] =	wrdreg $0x9  }
0xb2: {  	_ =	task.clear_ibuf [dreg:s7], $0x6FFFF;
	_ =	strace $0x90000046  }
0xb3: {  	s29 =	simm.s32 $0x9;
	_ =	strace $0x80000048  }
0xb4: {  	_ =	swait.ge [sflag:s29], $0x1  }
0xb5: {  	[sflag:s29] =	ssyncadd.s32 $0xFFFFFFFF  }
0xb6: {  	_ =	strace $0x90000048  }
0xb7: {  	_ =	sfence  }
0xb8: {  	s30 =	sld [smem:$0x0];
	_ =	sdelay $0x2  }
0xb9: {  	s31 =	sshll.u32 s1, $0xD;
	s1 =	sshrl.u32 s1, $0x2  }
0xba: {  	s3 =	sand.u32 $0x4000, s31;
	s1 =	sadd.s32 s1, s30  }
0xbb: {  	s0 =	sor.u32 s3, s0;
	s1 =	sshll.u32 s1, $0x11  }
0xbc: {  	s0 =	sor.u32 s1, s0  }
0xbd: {  	s0 =	sadd.s32 $0x8F2B, s0  }
0xbe: {  	[sflag:s0] =	ssyncadd.remote.s32 $0x1  }
0xbf: {  	_ =	sfence.sel $0xFFFF  }
0xc0: {  	[dreg:$0x0] =	wrdreg $0xFFFFFFFF;
	(pc) =	sbr.abs _section_cstart, $3  }
0xc1: {  	[dreg:$0x1] =	wrdreg $0xFFFFFFFF  }
0xc2: {  	_ =	task.clear_ibuf [dreg:s7], $0x2FFFF;
	_ =	strace $0x9FFFFFFF  }
0xc3: {  	(tm) =	ssettm $0x7FFFFFFF  }
tec
execute0_lowered:
.L_overlay_start_1:
0x0: {  	(tag) =	ssettag $0x1  }
0x1: {  	s18 =	rddreg [dreg:$0x0]  }
0x2: {  	s2 =	rddreg [dreg:$0x1]  }
0x3: {  	s0 =	stileid.u32;
	s3 =	rddreg [dreg:$0x2]  }
0x4: {  	s1 =	rddreg [dreg:$0x3];
	s4 =	simm.s32 $0x0;
	s19 =	smul.u32 $0x1400, s0  }
0x5: {  	s9 =	srdreg.scid;
	[smem:$0x7FF] =	sst s4  }
0x6: {  	s6 =	sshll.u32 s0, $0x6;
	_ =	strace $0x80000047;
	s5 =	sshrl.u32 s19, $0x3  }
0x7: {  	s6 =	sor.u32 $0x1C03, s6;
	s7 =	sadd.s32 s19, s3;
	s5 =	sadd.s32 s5, s18  }
0x8: {  	s8 =	sshrl.u32 s7, $0x3;
	s7 =	simm.s32 $0x3;
	s5 =	sadd.s32 $0x15200, s5  }
0x9: {  	[spmem:s8], [sflag:s6] =	dma.local [hbm:s5], $0x280  }
0xa: {  	s20 =	sand.u32 $0x1, s9;
	s29 =	sshll.u32 s0, $0x1;
	_ =	swait.ge [sflag:s7], $0x280  }
0xb: {  	s11 =	sor.u32 s20, s29;
	[sflag:s7] =	ssyncset.done $0x0  }
0xc: {  	s9 =	simm.s32 $0xFA0;
	s12 =	smul.u32 $0x2710, s11;
	[sflag:s7] =	ssyncadd.s32 $0xFFFFFD80  }
0xd: {  	[tilespmem:s9], [sflag:$0x3] =	stream.linear.gather [hbm4b:s2+s4], $0x3E80, $0x38;
	[tilespmem:$0x6220] =	vst v63  }
0xe: {  	s13 =	simm.s32 $0x1;
	s11 =	smul.u32 $0x4E2, s11;
	_ =	swait.ge [sflag:s7], $0x3E80  }
0xf: {  	s10 =	sadd.s32 $0x1600, s18;
	s12 =	sshrl.u32 s12, $0x3;
	[sflag:s7] =	ssyncset.done $0x0  }
0x10: {  	s17 =	sadd.s32 s10, s12;
	s10 =	sadd.s32 s10, s11;
	[sflag:s7] =	ssyncadd.s32 $0xFFFFC180  }
0x11: {  	[tilespmem:s4], [sflag:$0x1] =	stream.linear.gather [hbm4b:s10+s4], $0x7D0, $0x38;
	[tilespmem:$0x6220] =	vst v63  }
0x12: {  	s12 =	simm.s32 $0x7D0;
	s11 =	sadd.s32 $0xFA, s17;
	[bflag:$0x0] =	sbarrier.arrive $0xFFFF  }
0x13: {  	[tilespmem:s12], [sflag:$0x2] =	stream.linear.gather [hbm4b:s11+s4], $0x7D0, $0x38;
	[tilespmem:$0x6220] =	vst v63  }
0x14: {  	_ =	swait.ge [sflag:s13], $0x7D0  }
0x15: {  	[sflag:s13] =	ssyncset.done $0x0  }
0x16: {  	[sflag:s13] =	ssyncadd.s32 $0xFFFFF830  }
0x17: {  	[spmem:s3] =	stream.indirect.scatter.add.f32 [tilespmem:s9], [sflag:$0x3], $0x8, s4, s12, $0xb8;
	[tilespmem:$0x6220] =	vst v63  }
0x18: {  	_ =	swait.ge [sflag:s7], $0x3E80  }
0x19: {  	[sflag:s7] =	ssyncset.done $0x0  }
0x1a: {  	s15 =	simm.s32 $0x2;
	s14 =	sadd.s32 $0x1F4, s17;
	[sflag:s7] =	ssyncadd.s32 $0xFFFFC180  }
0x1b: {  	[tilespmem:s4], [sflag:$0x1] =	stream.linear.gather [hbm4b:s14+s4], $0x7D0, $0x38;
	[tilespmem:$0x6220] =	vst v63  }
0x1c: {  	_ =	swait.ge [sflag:s15], $0x7D0  }
0x1d: {  	[sflag:s15] =	ssyncset.done $0x0  }
0x1e: {  	[sflag:s15] =	ssyncadd.s32 $0xFFFFF830  }
0x1f: {  	[spmem:s3] =	stream.indirect.scatter.add.f32 [tilespmem:s9], [sflag:$0x3], $0x8, s12, s12, $0xb8;
	[tilespmem:$0x6220] =	vst v63  }
0x20: {  	_ =	swait.ge [sflag:s7], $0x3E80  }
0x21: {  	[sflag:s7] =	ssyncset.done $0x0  }
0x22: {  	s16 =	sadd.s32 $0x2EE, s17;
	[sflag:s7] =	ssyncadd.s32 $0xFFFFC180  }
0x23: {  	[tilespmem:s12], [sflag:$0x2] =	stream.linear.gather [hbm4b:s16+s4], $0x7D0, $0x38;
	[tilespmem:$0x6220] =	vst v63  }
0x24: {  	_ =	swait.ge [sflag:s13], $0x7D0  }
0x25: {  	[sflag:s13] =	ssyncset.done $0x0  }
0x26: {  	[sflag:s13] =	ssyncadd.s32 $0xFFFFF830  }
0x27: {  	[spmem:s3] =	stream.indirect.scatter.add.f32 [tilespmem:s9], [sflag:$0x3], $0x8, s4, s12, $0xb8;
	[tilespmem:$0x6220] =	vst v63  }
0x28: {  	_ =	swait.ge [sflag:s7], $0x3E80  }
0x29: {  	[sflag:s7] =	ssyncset.done $0x0  }
0x2a: {  	s17 =	sadd.s32 $0x3E8, s17;
	[sflag:s7] =	ssyncadd.s32 $0xFFFFC180  }
0x2b: {  	[tilespmem:s4], [sflag:$0x1] =	stream.linear.gather [hbm4b:s17+s4], $0x7D0, $0x38;
	[tilespmem:$0x6220] =	vst v63  }
0x2c: {  	_ =	swait.ge [sflag:s15], $0x7D0  }
0x2d: {  	[sflag:s15] =	ssyncset.done $0x0  }
0x2e: {  	[sflag:s15] =	ssyncadd.s32 $0xFFFFF830  }
0x2f: {  	[spmem:s3] =	stream.indirect.scatter.add.f32 [tilespmem:s9], [sflag:$0x3], $0x8, s12, s12, $0xb8;
	[tilespmem:$0x6220] =	vst v63  }
0x30: {  	_ =	swait.ge [sflag:s7], $0x3E80  }
0x31: {  	[sflag:s7] =	ssyncset.done $0x0  }
0x32: {  	s21 =	smul.u32 $0x14000, s20;
	[sflag:s7] =	ssyncadd.s32 $0xFFFFC180  }
0x33: {  	s20 =	ssub.s32 $0x2, s20;
	_ =	swait.ge [sflag:s13], $0x7D0  }
0x34: {  	s30 =	sshrl.u32 s20, $0x1;
	s19 =	sadd.s32 s19, s21;
	[sflag:s13] =	ssyncset.done $0x0  }
0x35: {  	s31 =	ssub.s32 s20, s30;
	s19 =	sshrl.u32 s19, $0x3;
	[sflag:s13] =	ssyncadd.s32 $0xFFFFF830  }
0x36: {  	[spmem:s3] =	stream.indirect.scatter.add.f32 [tilespmem:s9], [sflag:$0x3], $0x8, s4, s12, $0xb8;
	[tilespmem:$0x6220] =	vst v63  }
0x37: {  	s18 =	sadd.s32 s19, s18;
	s19 =	smax.u32 s31, $0x1;
	_ =	swait.ge [sflag:s7], $0x3E80  }
0x38: {  	p0 =	sne.s32 s19, $0x1;
	[sflag:s7] =	ssyncset.done $0x0  }
.Ltmp0:
0x39: {  	[sflag:s7] =	ssyncadd.s32 $0xFFFFC180;
	(pc) =	sbr.rel @!p0 .LBB2_2-.Ltmp0, $4  }
0x3a: {  	s18 =	sadd.s32 $0x17A00, s18;
	[bflag:$0x0] =	sbarrier.arrive $0xFFFF  }
0x3b: {  	[hbm:s18], [sflag:s6] =	dma.local [spmem:s8], $0x280  }
0x3c: {  	_ =	swait.ge [sflag:s7], $0x280  }
0x3d: {  	s19 =	sadd.s32 $0xFFFFFFFF, s19;
	[sflag:s7] =	ssyncset.done $0x0  }
.LBB2_1:
0x3e: {  	p0 =	sne.s32 s19, $0x1;
	s19 =	sadd.s32 $0xFFFFFFFF, s19;
	[sflag:s7] =	ssyncadd.s32 $0xFFFFFD80  }
0x3f: {  	[spmem:s8], [sflag:s6] =	dma.local [hbm:s5], $0x280  }
0x40: {  	_ =	swait.ge [sflag:s7], $0x280  }
0x41: {  	[sflag:s7] =	ssyncset.done $0x0  }
0x42: {  	[sflag:s7] =	ssyncadd.s32 $0xFFFFFD80  }
0x43: {  	[tilespmem:s9], [sflag:$0x3] =	stream.linear.gather [hbm4b:s2+s4], $0x3E80, $0x38;
	[tilespmem:$0x6220] =	vst v63  }
0x44: {  	_ =	swait.ge [sflag:s7], $0x3E80  }
0x45: {  	[sflag:s7] =	ssyncset.done $0x0  }
0x46: {  	[sflag:s7] =	ssyncadd.s32 $0xFFFFC180  }
0x47: {  	[tilespmem:s4], [sflag:$0x1] =	stream.linear.gather [hbm4b:s10+s4], $0x7D0, $0x38;
	[tilespmem:$0x6220] =	vst v63  }
0x48: {  	[bflag:$0x0] =	sbarrier.arrive $0xFFFF  }
0x49: {  	[tilespmem:s12], [sflag:$0x2] =	stream.linear.gather [hbm4b:s11+s4], $0x7D0, $0x38;
	[tilespmem:$0x6220] =	vst v63  }
0x4a: {  	_ =	swait.ge [sflag:s13], $0x7D0  }
0x4b: {  	[sflag:s13] =	ssyncset.done $0x0  }
0x4c: {  	[sflag:s13] =	ssyncadd.s32 $0xFFFFF830  }
0x4d: {  	[spmem:s3] =	stream.indirect.scatter.add.f32 [tilespmem:s9], [sflag:$0x3], $0x8, s4, s12, $0xb8;
	[tilespmem:$0x6220] =	vst v63  }
0x4e: {  	_ =	swait.ge [sflag:s7], $0x3E80  }
0x4f: {  	[sflag:s7] =	ssyncset.done $0x0  }
0x50: {  	[sflag:s7] =	ssyncadd.s32 $0xFFFFC180  }
0x51: {  	[tilespmem:s4], [sflag:$0x1] =	stream.linear.gather [hbm4b:s14+s4], $0x7D0, $0x38;
	[tilespmem:$0x6220] =	vst v63  }
0x52: {  	_ =	swait.ge [sflag:s15], $0x7D0  }
0x53: {  	[sflag:s15] =	ssyncset.done $0x0  }
0x54: {  	[sflag:s15] =	ssyncadd.s32 $0xFFFFF830  }
0x55: {  	[spmem:s3] =	stream.indirect.scatter.add.f32 [tilespmem:s9], [sflag:$0x3], $0x8, s12, s12, $0xb8;
	[tilespmem:$0x6220] =	vst v63  }
0x56: {  	_ =	swait.ge [sflag:s7], $0x3E80  }
0x57: {  	[sflag:s7] =	ssyncset.done $0x0  }
0x58: {  	[sflag:s7] =	ssyncadd.s32 $0xFFFFC180  }
0x59: {  	[tilespmem:s12], [sflag:$0x2] =	stream.linear.gather [hbm4b:s16+s4], $0x7D0, $0x38;
	[tilespmem:$0x6220] =	vst v63  }
0x5a: {  	_ =	swait.ge [sflag:s13], $0x7D0  }
0x5b: {  	[sflag:s13] =	ssyncset.done $0x0  }
0x5c: {  	[sflag:s13] =	ssyncadd.s32 $0xFFFFF830  }
0x5d: {  	[spmem:s3] =	stream.indirect.scatter.add.f32 [tilespmem:s9], [sflag:$0x3], $0x8, s4, s12, $0xb8;
	[tilespmem:$0x6220] =	vst v63  }
0x5e: {  	_ =	swait.ge [sflag:s7], $0x3E80  }
0x5f: {  	[sflag:s7] =	ssyncset.done $0x0  }
0x60: {  	[sflag:s7] =	ssyncadd.s32 $0xFFFFC180  }
0x61: {  	[tilespmem:s4], [sflag:$0x1] =	stream.linear.gather [hbm4b:s17+s4], $0x7D0, $0x38;
	[tilespmem:$0x6220] =	vst v63  }
0x62: {  	_ =	swait.ge [sflag:s15], $0x7D0  }
0x63: {  	[sflag:s15] =	ssyncset.done $0x0  }
0x64: {  	[sflag:s15] =	ssyncadd.s32 $0xFFFFF830  }
0x65: {  	[spmem:s3] =	stream.indirect.scatter.add.f32 [tilespmem:s9], [sflag:$0x3], $0x8, s12, s12, $0xb8;
	[tilespmem:$0x6220] =	vst v63  }
0x66: {  	_ =	swait.ge [sflag:s7], $0x3E80  }
0x67: {  	[sflag:s7] =	ssyncset.done $0x0  }
0x68: {  	[sflag:s7] =	ssyncadd.s32 $0xFFFFC180  }
0x69: {  	_ =	swait.ge [sflag:s13], $0x7D0  }
0x6a: {  	[sflag:s13] =	ssyncset.done $0x0  }
0x6b: {  	[sflag:s13] =	ssyncadd.s32 $0xFFFFF830  }
0x6c: {  	[spmem:s3] =	stream.indirect.scatter.add.f32 [tilespmem:s9], [sflag:$0x3], $0x8, s4, s12, $0xb8;
	[tilespmem:$0x6220] =	vst v63  }
0x6d: {  	_ =	swait.ge [sflag:s7], $0x3E80  }
0x6e: {  	[sflag:s7] =	ssyncset.done $0x0  }
.Ltmp1:
0x6f: {  	[sflag:s7] =	ssyncadd.s32 $0xFFFFC180;
	(pc) =	sbr.rel @p0 .LBB2_1-.Ltmp1, $4  }
0x70: {  	[bflag:$0x0] =	sbarrier.arrive $0xFFFF  }
0x71: {  	[hbm:s18], [sflag:s6] =	dma.local [spmem:s8], $0x280  }
0x72: {  	_ =	swait.ge [sflag:s7], $0x280  }
0x73: {  	[sflag:s7] =	ssyncset.done $0x0  }
.LBB2_2:
0x74: {  	[sflag:s7] =	ssyncadd.s32 $0xFFFFFD80  }
0x75: {  	_ =	sfence.sel $0x180000  }
0x76: {  	[bflag:$0x0] =	sbarrier.arrive $0xFFFF  }
0x77: {  	p0 =	sne.s32 s0, $0x0;
	_ =	strace $0x90000047  }
0x78: {  	s0 =	sadd.s32 @!p0 $0x100000, s1;
	[bflag:$0x2] =	sbarrier.arrive $0xFFFF  }
0x79: {  	[sflag:s0] =	ssyncadd.tile.s32 @!p0 $0x1;
	_ =	shalt  }
.Lfunc_end2:
_tile_overlayer_lowered:
.L_overlay_start_2:
0x7a: {  	(tag) =	ssettag $0x2  }
0x7b: {  	s0 =	rddreg [dreg:$0x0];
	s2 =	stileid.u32  }
0x7c: {  	s1 =	rddreg [dreg:$0x1];
	p0 =	sne.s32 s2, $0x0  }
0x7d: {  	s3 =	rddreg [dreg:$0x2];
	[bflag:$0x3] =	sbarrier.arrive $0xFFFF;
	s2 =	simm.s32 @!p0 $0x1C03  }
0x7e: {  	[timem:s3], [sflag:s2] =	dma.local @!p0 [hbm:s0], s1  }
0x7f: {  	s0 =	simm.s32 @!p0 $0x3  }
0x80: {  	_ =	swait.ge @!p0 [sflag:s0], s1  }
0x81: {  	s1 =	ssub.s32 @!p0 $0x0, s1;
	[sflag:s0] =	ssyncset.done @!p0 $0x0  }
0x82: {  	[sflag:s0] =	ssyncadd.s32 @!p0 s1  }
0x83: {  	[bflag:$0x3] =	sbarrier.arrive $0xFFFF  }
0x84: {  	_ =	shalt  }

</sc_bundles>
